<compile_context>
chip_gen: v7x
topology: tpu7x:2x2x1
jax: 0.10.2.dev20260603
libtpu: 0.0.44.dev20260713+nightly
codegen_flags: <defaults>
</compile_context>

<pallas_src>
import functools

import jax
import jax.numpy as jnp
from jax import lax
from jax.experimental import pallas as pl
from jax.experimental.pallas import tpu as pltpu
from jax.experimental.pallas import tpu_sc as plsc

N = 10000
E = 320000
DF = 128
EMB = 4096
HID = 32
OUT = 5
RNK = 8

NB = 1
BLK = N // NB

NC = 2
NS = 16
NW = NC * NS
CH = 500
NCHUNK = 20
NBUF = 4
NROUND = NCHUNK // NBUF



@functools.cache
def _get_sc_degree():
    mesh = plsc.VectorSubcoreMesh(core_axis_name="c", subcore_axis_name="s",
                                  num_cores=NC, num_subcores=NS)
    return pl.kernel(
        _sc_degree_body,
        out_type=jax.ShapeDtypeStruct((NC, N), jnp.float32),
        mesh=mesh,
        scratch_types=[
            pltpu.VMEM((NCHUNK, CH), jnp.int32),
            pltpu.VMEM((CH,), jnp.float32),
            pltpu.VMEM_SHARED((N,), jnp.float32),
            pltpu.SemaphoreType.DMA,
        ],
        compiler_params=pltpu.CompilerParams(use_tc_tiling_on_sc=False),
    )


def _sc_degree_body(dst_hbm, zeros_hbm, ones_hbm, out_hbm, dst_v, ones_v, acc, sem):
    cid = lax.axis_index("c")
    sid = lax.axis_index("s")
    wid = cid * NS + sid

    @pl.when(sid == 0)
    def _():
        pltpu.sync_copy(zeros_hbm, acc)
    plsc.subcore_barrier()

    pltpu.sync_copy(ones_hbm, ones_v)
    pltpu.sync_copy(dst_hbm.at[wid], dst_v)

    def body(j, carry):
        pltpu.sync_copy(ones_v, acc.at[dst_v.at[j]], add=True)
        return carry

    lax.fori_loop(0, NCHUNK, body, 0)

    plsc.subcore_barrier()

    @pl.when(sid == 0)
    def _():
        pltpu.sync_copy(acc, out_hbm.at[cid])


@functools.cache
def _get_sc_scatter():
    mesh = plsc.VectorSubcoreMesh(core_axis_name="c", subcore_axis_name="s",
                                  num_cores=NC, num_subcores=NS)
    return pl.kernel(
        _sc_scatter_body,
        out_type=jax.ShapeDtypeStruct((NC, N, HID), jnp.float32),
        mesh=mesh,
        scratch_types=[
            pltpu.VMEM((NCHUNK, CH), jnp.int32),
            pltpu.VMEM((NCHUNK, CH), jnp.int32),
            [pltpu.VMEM((CH, HID), jnp.float32) for _ in range(NBUF)],
            pltpu.VMEM_SHARED((N, HID), jnp.float32),
            [pltpu.SemaphoreType.DMA for _ in range(NBUF)],
            [pltpu.SemaphoreType.DMA for _ in range(NBUF)],
        ],
        compiler_params=pltpu.CompilerParams(use_tc_tiling_on_sc=False),
    )


def _sc_scatter_body(g_hbm, src_hbm, dst_hbm, out_hbm, src_v, dst_v,
                     rows, acc, gsem, ssem):
    cid = lax.axis_index("c")
    sid = lax.axis_index("s")
    wid = cid * NS + sid

    @pl.when(sid == 0)
    def _():
        pltpu.sync_copy(g_hbm, acc)
    plsc.subcore_barrier()

    pltpu.sync_copy(src_hbm.at[wid], src_v)
    pltpu.sync_copy(dst_hbm.at[wid], dst_v)

    for b in range(NBUF):
        pltpu.async_copy(g_hbm.at[src_v.at[b]], rows[b], gsem[b])

    def body(i, carry):
        jb = NBUF * i
        for b in range(NBUF):
            pltpu.make_async_copy(g_hbm.at[src_v.at[jb + b]],
                                  rows[b], gsem[b]).wait()
            pltpu.async_copy(rows[b], acc.at[dst_v.at[jb + b]], ssem[b],
                             add=True)

        @pl.when(i < NROUND - 1)
        def _():
            for b in range(NBUF):
                pltpu.make_async_copy(rows[b], acc.at[dst_v.at[jb + b]],
                                      ssem[b]).wait()
                pltpu.async_copy(g_hbm.at[src_v.at[jb + NBUF + b]],
                                 rows[b], gsem[b])
        return carry

    lax.fori_loop(0, NROUND, body, 0)

    for b in range(NBUF):
        pltpu.make_async_copy(rows[b], acc.at[dst_v.at[NCHUNK - NBUF + b]],
                              ssem[b]).wait()
    plsc.subcore_barrier()

    @pl.when(sid == 0)
    def _():
        pltpu.sync_copy(acc, out_hbm.at[cid])



def _tc_a_body(x_ref, didx_ref, cnt0_ref, cnt1_ref, emb_ref, w1e_ref, w1x_ref,
               g1_ref, dinv_ref):
    embw = jnp.dot(emb_ref[...], w1e_ref[...],
                   preferred_element_type=jnp.float32)
    d = didx_ref[0]
    e0 = embw[0:1, :]
    e1 = embw[1:2, :]
    e2 = embw[2:3, :]
    embedded = jnp.where(d == 0, e0, jnp.where(d == 1, e1, e2))
    hx = jnp.dot(x_ref[...], w1x_ref[...],
                 preferred_element_type=jnp.float32)
    dinv = lax.rsqrt(cnt0_ref[...] + cnt1_ref[...] + 1.0)
    g1_ref[...] = dinv * (embedded + hx)
    dinv_ref[...] = dinv


def _tc_a(x, didx3, cnt0, cnt1, emb_raw, w1e, w1x):
    return pl.pallas_call(
        _tc_a_body,
        grid=(NB,),
        in_specs=[
            pl.BlockSpec((BLK, DF), lambda i: (i, 0)),
            pl.BlockSpec((1, BLK, 1), lambda i: (i, 0, 0)),
            pl.BlockSpec((BLK, 1), lambda i: (i, 0)),
            pl.BlockSpec((BLK, 1), lambda i: (i, 0)),
            pl.BlockSpec((3, EMB), lambda i: (0, 0)),
            pl.BlockSpec((EMB, HID), lambda i: (0, 0)),
            pl.BlockSpec((DF, HID), lambda i: (0, 0)),
        ],
        out_specs=[
            pl.BlockSpec((BLK, HID), lambda i: (i, 0)),
            pl.BlockSpec((BLK, 1), lambda i: (i, 0)),
        ],
        out_shape=[
            jax.ShapeDtypeStruct((N, HID), jnp.float32),
            jax.ShapeDtypeStruct((N, 1), jnp.float32),
        ],
    )(x, didx3, cnt0, cnt1, emb_raw, w1e, w1x)


def _tc_b_body(p0_ref, p1_ref, g1_ref, dinv_ref, b1_ref, a1_ref, b1m_ref,
               g2_ref):
    dinv = dinv_ref[...]
    s = (p0_ref[...] + p1_ref[...] - g1_ref[...]) * dinv + b1_ref[...]
    m1 = jnp.dot(a1_ref[...], b1m_ref[...],
                 preferred_element_type=jnp.float32) * (1.0 / RNK)
    h = jnp.maximum(jnp.dot(s, m1, preferred_element_type=jnp.float32), 0.0)
    g2_ref[...] = dinv * h


def _tc_b(p0, p1, g1, dinv, b1r, A1, B1):
    return pl.pallas_call(
        _tc_b_body,
        grid=(NB,),
        in_specs=[
            pl.BlockSpec((BLK, HID), lambda i: (i, 0)),
            pl.BlockSpec((BLK, HID), lambda i: (i, 0)),
            pl.BlockSpec((BLK, HID), lambda i: (i, 0)),
            pl.BlockSpec((BLK, 1), lambda i: (i, 0)),
            pl.BlockSpec((1, HID), lambda i: (0, 0)),
            pl.BlockSpec((HID, RNK), lambda i: (0, 0)),
            pl.BlockSpec((RNK, HID), lambda i: (0, 0)),
        ],
        out_specs=pl.BlockSpec((BLK, HID), lambda i: (i, 0)),
        out_shape=jax.ShapeDtypeStruct((N, HID), jnp.float32),
    )(p0, p1, g1, dinv, b1r, A1, B1)


def _tc_c_body(q0_ref, q1_ref, g2_ref, dinv_ref, w2_ref, b2_ref, a2_ref,
               b2m_ref, out_ref):
    s2 = (q0_ref[...] + q1_ref[...] - g2_ref[...]) * dinv_ref[...]
    ab2 = jnp.dot(a2_ref[...], b2m_ref[...],
                  preferred_element_type=jnp.float32) * (1.0 / RNK)
    m2 = jnp.dot(w2_ref[...], ab2, preferred_element_type=jnp.float32)
    c2 = jnp.dot(b2_ref[...], ab2, preferred_element_type=jnp.float32)
    y = jnp.dot(s2, m2, preferred_element_type=jnp.float32) + c2
    m = jnp.max(y, axis=1, keepdims=True)
    z = y - m
    lse = jnp.log(jnp.sum(jnp.exp(z), axis=1, keepdims=True))
    out_ref[...] = z - lse


def _tc_c(q0, q1, g2, dinv, W2, b2r, A2, B2):
    return pl.pallas_call(
        _tc_c_body,
        grid=(NB,),
        in_specs=[
            pl.BlockSpec((BLK, HID), lambda i: (i, 0)),
            pl.BlockSpec((BLK, HID), lambda i: (i, 0)),
            pl.BlockSpec((BLK, HID), lambda i: (i, 0)),
            pl.BlockSpec((BLK, 1), lambda i: (i, 0)),
            pl.BlockSpec((HID, OUT), lambda i: (0, 0)),
            pl.BlockSpec((1, OUT), lambda i: (0, 0)),
            pl.BlockSpec((OUT, RNK), lambda i: (0, 0)),
            pl.BlockSpec((RNK, OUT), lambda i: (0, 0)),
        ],
        out_specs=pl.BlockSpec((BLK, OUT), lambda i: (i, 0)),
        out_shape=jax.ShapeDtypeStruct((N, OUT), jnp.float32),
    )(q0, q1, g2, dinv, W2, b2r, A2, B2)



def kernel(x, edge_index, domain_idx, emb, W1, b1, A1, B1, W2, b2, A2, B2):
    f32 = jnp.float32
    ei = edge_index.reshape(2, NW, NCHUNK, CH)
    src_p = ei[0]
    dst_p = ei[1]
    cnt = _get_sc_degree()(dst_p, jnp.zeros((N,), f32), jnp.ones((CH,), f32))

    didx3 = domain_idx.reshape(NB, BLK, 1)
    w1e = W1[:EMB]
    w1x = W1[EMB:]

    g1, dinv = _tc_a(x, didx3, cnt[0].reshape(N, 1), cnt[1].reshape(N, 1),
                     emb, w1e, w1x)

    p = _get_sc_scatter()(g1, src_p, dst_p)

    g2 = _tc_b(p[0], p[1], g1, dinv, b1.reshape(1, HID), A1, B1)

    q = _get_sc_scatter()(g2, src_p, dst_p)

    return _tc_c(q[0], q[1], g2, dinv, W2, b2.reshape(1, OUT), A2, B2)

# --- scband reference (transcript-rebuilt; emitter-appended) ---
"""Pipeline reference for scband-gcn-63694364999884 (READ-ONLY COPY).

The authoritative reference and input builder live on the scoring server;
editing this copy changes nothing except your own understanding.
"""

import jax, jax.numpy as jnp
import numpy as np

N = 10000
E = 320000
DF = 128
EMB = 4096
HID = 32
OUT = 5
R = 8


def setup_inputs(seed: int = 0) -> dict:
    key = jax.random.key(seed)
    ks = jax.random.split(key, 12)
    x = jax.random.normal(ks[0], (N, DF), dtype=jnp.float32)
    edge_index = jax.random.randint(ks[1], (2, E), 0, N, dtype=jnp.int32)
    domain_idx = jax.random.randint(ks[2], (N,), 0, 3, dtype=jnp.int32)
    emb = jax.random.normal(ks[3], (3, EMB), dtype=jnp.float32) * 0.02
    W1 = jax.random.normal(ks[4], (DF + EMB, HID), dtype=jnp.float32) * 0.02
    b1 = jnp.zeros((HID,), dtype=jnp.float32)
    A1 = jax.random.normal(ks[5], (HID, R), dtype=jnp.float32) * 0.1
    B1 = jax.random.normal(ks[6], (R, HID), dtype=jnp.float32) * 0.1
    W2 = jax.random.normal(ks[7], (HID, OUT), dtype=jnp.float32) * 0.1
    b2 = jnp.zeros((OUT,), dtype=jnp.float32)
    A2 = jax.random.normal(ks[8], (OUT, R), dtype=jnp.float32) * 0.1
    B2 = jax.random.normal(ks[9], (R, OUT), dtype=jnp.float32) * 0.1
    return {"x": x, "edge_index": edge_index, "domain_idx": domain_idx, "emb": emb,
            "W1": W1, "b1": b1, "A1": A1, "B1": B1,
            "W2": W2, "b2": b2, "A2": A2, "B2": B2}


def _gcn_conv(h, src, dst, W, b, n):
    # GCNConv with self-loops and symmetric normalization
    deg = jnp.zeros((n,), h.dtype).at[dst].add(1.0)
    dinv = jax.lax.rsqrt(deg)  # deg >= 1 due to self-loops
    norm = dinv[src] * dinv[dst]
    hw = h @ W
    out = jnp.zeros((n, W.shape[1]), h.dtype).at[dst].add(norm[:, None] * hw[src])
    return out + b


def _forward(x, emb, W1, b1, A1, B1, W2, b2, A2, B2, edge_index, domain_idx):
    n = x.shape[0]
    sl = jnp.arange(n, dtype=edge_index.dtype)
    src = jnp.concatenate([edge_index[0], sl])
    dst = jnp.concatenate([edge_index[1], sl])
    embedded = jnp.take(emb, domain_idx, axis=0).reshape(n, -1)
    h = jnp.concatenate([embedded, x.astype(jnp.float32)], axis=1)
    h = _gcn_conv(h, src, dst, W1, b1, n)
    h = ((h @ A1) @ B1) * (1.0 / R)
    h = jax.nn.relu(h)
    h = _gcn_conv(h, src, dst, W2, b2, n)
    h = ((h @ A2) @ B2) * (1.0 / R)
    return jax.nn.log_softmax(h, axis=1)


def reference(x, edge_index, domain_idx, emb, W1, b1, A1, B1, W2, b2, A2, B2):
    return _forward(x, emb, W1, b1, A1, B1, W2, b2, A2, B2, edge_index, domain_idx)

if __name__ == "__main__":
    import jax
    _d = setup_inputs()
    print(jax.jit(kernel)(*tuple(_d.values())))

</pallas_src>

<mosaic_0001>
#map = affine_map<(d0, d1) -> (0, 0, 0)>
#map1 = affine_map<(d0, d1) -> (0)>
#map2 = affine_map<(d0, d1) -> (0, 0)>
module attributes {stable_mosaic.version = 14 : i64} {
  func.func @_sc_degree_body(%arg0: i32, %arg1: i32, %arg2: memref<32x20x500xi32, #tpu.memory_space<hbm>>, %arg3: memref<10000xf32, #tpu.memory_space<hbm>>, %arg4: memref<500xf32, #tpu.memory_space<hbm>>, %arg5: memref<2x10000xf32, #tpu.memory_space<hbm>>, %arg6: memref<20x500xi32, #tpu.memory_space<vmem>>, %arg7: memref<500xf32, #tpu.memory_space<vmem>>, %arg8: memref<10000xf32, #tpu.memory_space<vmem_shared>>, %arg9: memref<!tpu.dma_semaphore, #tpu.memory_space<semaphore_mem>>) attributes {dimension_semantics = [#tpu.dimension_semantics<core_parallel>, #tpu.dimension_semantics<subcore_parallel>], iteration_bounds = array<i64: 2, 16>, scalar_prefetch = 0 : i64, scratch_operands = 4 : i64, tpu.core_type = #tpu.core_type<sc_vector_subcore>, window_params = [{transform_indices = #map}, {transform_indices = #map1}, {transform_indices = #map1}, {transform_indices = #map2}]} {
    %mul3A = arith.constant 16 : i32
    %mul3A_0 = arith.muli %arg0, %mul3A : i32
    %add3A = arith.addi %mul3A_0, %arg1 : i32
    %eq3A = arith.constant 0 : i32
    %eq3A_1 = arith.cmpi eq, %arg1, %eq3A : i32
    %convert_element_type3A = arith.extui %eq3A_1 : i1 to i32
    %cond3A = arith.constant 0 : i32
    %cond3A_2 = arith.cmpi ne, %convert_element_type3A, %cond3A : i32
    scf.if %cond3A_2 {
      "tpu.region"() ({
        %run_scoped3A = tpu.sem_alloc : memref<!tpu.dma_semaphore, #tpu.memory_space<semaphore_mem>>
        tpu.enqueue_dma source(%arg3 : memref<10000xf32, #tpu.memory_space<hbm>>) target(%arg8 : memref<10000xf32, #tpu.memory_space<vmem_shared>>) target_semaphore(%run_scoped3A : memref<!tpu.dma_semaphore, #tpu.memory_space<semaphore_mem>>)
        tpu.wait_dma2 semaphore(%run_scoped3A : memref<!tpu.dma_semaphore, #tpu.memory_space<semaphore_mem>>) src(%arg3 : memref<10000xf32, #tpu.memory_space<hbm>>) dst(%arg8 : memref<10000xf32, #tpu.memory_space<vmem_shared>>)
        tpu.yield
      }) : () -> ()
    } else {
    }
    %barrier3A = arith.constant 0 : index
    tpu.barrier barrier_id(%barrier3A)
    "tpu.region"() ({
      %run_scoped3A = tpu.sem_alloc : memref<!tpu.dma_semaphore, #tpu.memory_space<semaphore_mem>>
      tpu.enqueue_dma source(%arg4 : memref<500xf32, #tpu.memory_space<hbm>>) target(%arg7 : memref<500xf32, #tpu.memory_space<vmem>>) target_semaphore(%run_scoped3A : memref<!tpu.dma_semaphore, #tpu.memory_space<semaphore_mem>>)
      tpu.wait_dma2 semaphore(%run_scoped3A : memref<!tpu.dma_semaphore, #tpu.memory_space<semaphore_mem>>) src(%arg4 : memref<500xf32, #tpu.memory_space<hbm>>) dst(%arg7 : memref<500xf32, #tpu.memory_space<vmem>>)
      tpu.yield
    }) : () -> ()
    "tpu.region"() ({
      %run_scoped3A = tpu.sem_alloc : memref<!tpu.dma_semaphore, #tpu.memory_space<semaphore_mem>>
      %dma_start3A = arith.constant 0 : i32
      %dma_start3A_14 = arith.constant 0 : i32
      %dma_start3A_15 = tpu.memref_slice %arg2[%add3A, %dma_start3A, %dma_start3A_14] : memref<32x20x500xi32, #tpu.memory_space<hbm>> -> memref<1x20x500xi32, #tpu.memory_space<hbm>>
      %dma_start3A_16 = tpu.memref_squeeze %dma_start3A_15 : memref<1x20x500xi32, #tpu.memory_space<hbm>> -> memref<20x500xi32, #tpu.memory_space<hbm>>
      %dma_start3A_17 = arith.constant 0 : i32
      %dma_start3A_18 = arith.constant 0 : i32
      %dma_start3A_19 = tpu.memref_slice %arg2[%add3A, %dma_start3A_17, %dma_start3A_18] : memref<32x20x500xi32, #tpu.memory_space<hbm>> -> memref<1x20x500xi32, #tpu.memory_space<hbm>>
      %dma_start3A_20 = tpu.memref_squeeze %dma_start3A_19 : memref<1x20x500xi32, #tpu.memory_space<hbm>> -> memref<20x500xi32, #tpu.memory_space<hbm>>
      tpu.enqueue_dma source(%dma_start3A_20 : memref<20x500xi32, #tpu.memory_space<hbm>>) target(%arg6 : memref<20x500xi32, #tpu.memory_space<vmem>>) target_semaphore(%run_scoped3A : memref<!tpu.dma_semaphore, #tpu.memory_space<semaphore_mem>>)
      %dma_wait3A = arith.constant 0 : i32
      %dma_wait3A_21 = arith.constant 0 : i32
      %dma_wait3A_22 = tpu.memref_slice %arg2[%add3A, %dma_wait3A, %dma_wait3A_21] : memref<32x20x500xi32, #tpu.memory_space<hbm>> -> memref<1x20x500xi32, #tpu.memory_space<hbm>>
      %dma_wait3A_23 = tpu.memref_squeeze %dma_wait3A_22 : memref<1x20x500xi32, #tpu.memory_space<hbm>> -> memref<20x500xi32, #tpu.memory_space<hbm>>
      %dma_wait3A_24 = arith.constant 0 : i32
      %dma_wait3A_25 = arith.constant 0 : i32
      %dma_wait3A_26 = tpu.memref_slice %arg2[%add3A, %dma_wait3A_24, %dma_wait3A_25] : memref<32x20x500xi32, #tpu.memory_space<hbm>> -> memref<1x20x500xi32, #tpu.memory_space<hbm>>
      %dma_wait3A_27 = tpu.memref_squeeze %dma_wait3A_26 : memref<1x20x500xi32, #tpu.memory_space<hbm>> -> memref<20x500xi32, #tpu.memory_space<hbm>>
      tpu.wait_dma2 semaphore(%run_scoped3A : memref<!tpu.dma_semaphore, #tpu.memory_space<semaphore_mem>>) src(%dma_wait3A_27 : memref<20x500xi32, #tpu.memory_space<hbm>>) dst(%arg6 : memref<20x500xi32, #tpu.memory_space<vmem>>)
      tpu.yield
    }) : () -> ()
    %scan3A = arith.constant 0 : i32
    %scan3A_3 = arith.constant 0 : i32
    %scan3A_4 = arith.constant 20 : i32
    %scan3A_5 = arith.addi %scan3A_3, %scan3A_4 : i32
    %scan3A_6 = arith.constant 1 : i32
    scf.for %scan3A_14 = %scan3A_3 to %scan3A_5 step %scan3A_6  : i32 {
      "tpu.region"() ({
        %run_scoped3A = tpu.sem_alloc : memref<!tpu.dma_semaphore, #tpu.memory_space<semaphore_mem>>
        %dma_start3A = arith.constant 0 : i32
        %dma_start3A_15 = tpu.memref_slice %arg6[%scan3A_14, %dma_start3A] : memref<20x500xi32, #tpu.memory_space<vmem>> -> memref<1x500xi32, #tpu.memory_space<vmem>>
        %dma_start3A_16 = tpu.memref_squeeze %dma_start3A_15 : memref<1x500xi32, #tpu.memory_space<vmem>> -> memref<500xi32, #tpu.memory_space<vmem>>
        %dma_start3A_17 = arith.constant 0 : i32
        %dma_start3A_18 = tpu.memref_slice %arg8[%dma_start3A_17] : memref<10000xf32, #tpu.memory_space<vmem_shared>> -> memref<10000xf32, #tpu.memory_space<vmem_shared>>
        tpu.enqueue_indirect_dma source(%arg7 : memref<500xf32, #tpu.memory_space<vmem>>) target(%dma_start3A_18 : memref<10000xf32, #tpu.memory_space<vmem_shared>>) offsets(%dma_start3A_16 : memref<500xi32, #tpu.memory_space<vmem>>) semaphore(%run_scoped3A : memref<!tpu.dma_semaphore, #tpu.memory_space<semaphore_mem>>) {add = true}
        %dma_wait3A = arith.constant 0 : i32
        %dma_wait3A_19 = tpu.memref_slice %arg6[%scan3A_14, %dma_wait3A] : memref<20x500xi32, #tpu.memory_space<vmem>> -> memref<1x500xi32, #tpu.memory_space<vmem>>
        %dma_wait3A_20 = tpu.memref_squeeze %dma_wait3A_19 : memref<1x500xi32, #tpu.memory_space<vmem>> -> memref<500xi32, #tpu.memory_space<vmem>>
        %dma_wait3A_21 = arith.constant 0 : i32
        %dma_wait3A_22 = tpu.memref_slice %arg8[%dma_wait3A_21] : memref<10000xf32, #tpu.memory_space<vmem_shared>> -> memref<10000xf32, #tpu.memory_space<vmem_shared>>
        tpu.wait_indirect_dma semaphore(%run_scoped3A : memref<!tpu.dma_semaphore, #tpu.memory_space<semaphore_mem>>) src(%arg7 : memref<500xf32, #tpu.memory_space<vmem>>) dst(%dma_wait3A_22 : memref<10000xf32, #tpu.memory_space<vmem_shared>>)
        tpu.yield
      }) : () -> ()
    }
    %scan3A_7 = arith.constant 20 : i32
    %barrier3A_8 = arith.constant 0 : index
    tpu.barrier barrier_id(%barrier3A_8)
    %eq3A_9 = arith.constant 0 : i32
    %eq3A_10 = arith.cmpi eq, %arg1, %eq3A_9 : i32
    %convert_element_type3A_11 = arith.extui %eq3A_10 : i1 to i32
    %cond3A_12 = arith.constant 0 : i32
    %cond3A_13 = arith.cmpi ne, %convert_element_type3A_11, %cond3A_12 : i32
    scf.if %cond3A_13 {
      "tpu.region"() ({
        %run_scoped3A = tpu.sem_alloc : memref<!tpu.dma_semaphore, #tpu.memory_space<semaphore_mem>>
        %dma_start3A = arith.constant 0 : i32
        %dma_start3A_14 = tpu.memref_slice %arg5[%arg0, %dma_start3A] : memref<2x10000xf32, #tpu.memory_space<hbm>> -> memref<1x10000xf32, #tpu.memory_space<hbm>>
        %dma_start3A_15 = tpu.memref_squeeze %dma_start3A_14 : memref<1x10000xf32, #tpu.memory_space<hbm>> -> memref<10000xf32, #tpu.memory_space<hbm>>
        tpu.enqueue_dma source(%arg8 : memref<10000xf32, #tpu.memory_space<vmem_shared>>) target(%dma_start3A_15 : memref<10000xf32, #tpu.memory_space<hbm>>) target_semaphore(%run_scoped3A : memref<!tpu.dma_semaphore, #tpu.memory_space<semaphore_mem>>)
        %dma_wait3A = arith.constant 0 : i32
        %dma_wait3A_16 = tpu.memref_slice %arg5[%arg0, %dma_wait3A] : memref<2x10000xf32, #tpu.memory_space<hbm>> -> memref<1x10000xf32, #tpu.memory_space<hbm>>
        %dma_wait3A_17 = tpu.memref_squeeze %dma_wait3A_16 : memref<1x10000xf32, #tpu.memory_space<hbm>> -> memref<10000xf32, #tpu.memory_space<hbm>>
        tpu.wait_dma2 semaphore(%run_scoped3A : memref<!tpu.dma_semaphore, #tpu.memory_space<semaphore_mem>>) src(%arg8 : memref<10000xf32, #tpu.memory_space<vmem_shared>>) dst(%dma_wait3A_17 : memref<10000xf32, #tpu.memory_space<hbm>>)
        tpu.yield
      }) : () -> ()
    } else {
    }
    return
  }
}

#map = affine_map<(d0, d1) -> (0, 0)>
#map1 = affine_map<(d0, d1) -> (0, 0, 0)>
module attributes {stable_mosaic.version = 14 : i64} {
  func.func @_sc_scatter_body(%arg0: i32, %arg1: i32, %arg2: memref<10000x32xf32, #tpu.memory_space<hbm>>, %arg3: memref<32x20x500xi32, #tpu.memory_space<hbm>>, %arg4: memref<32x20x500xi32, #tpu.memory_space<hbm>>, %arg5: memref<2x10000x32xf32, #tpu.memory_space<hbm>>, %arg6: memref<20x500xi32, #tpu.memory_space<vmem>>, %arg7: memref<20x500xi32, #tpu.memory_space<vmem>>, %arg8: memref<500x32xf32, #tpu.memory_space<vmem>>, %arg9: memref<500x32xf32, #tpu.memory_space<vmem>>, %arg10: memref<500x32xf32, #tpu.memory_space<vmem>>, %arg11: memref<500x32xf32, #tpu.memory_space<vmem>>, %arg12: memref<10000x32xf32, #tpu.memory_space<vmem_shared>>, %arg13: memref<!tpu.dma_semaphore, #tpu.memory_space<semaphore_mem>>, %arg14: memref<!tpu.dma_semaphore, #tpu.memory_space<semaphore_mem>>, %arg15: memref<!tpu.dma_semaphore, #tpu.memory_space<semaphore_mem>>, %arg16: memref<!tpu.dma_semaphore, #tpu.memory_space<semaphore_mem>>, %arg17: memref<!tpu.dma_semaphore, #tpu.memory_space<semaphore_mem>>, %arg18: memref<!tpu.dma_semaphore, #tpu.memory_space<semaphore_mem>>, %arg19: memref<!tpu.dma_semaphore, #tpu.memory_space<semaphore_mem>>, %arg20: memref<!tpu.dma_semaphore, #tpu.memory_space<semaphore_mem>>) attributes {dimension_semantics = [#tpu.dimension_semantics<core_parallel>, #tpu.dimension_semantics<subcore_parallel>], iteration_bounds = array<i64: 2, 16>, scalar_prefetch = 0 : i64, scratch_operands = 15 : i64, tpu.core_type = #tpu.core_type<sc_vector_subcore>, window_params = [{transform_indices = #map}, {transform_indices = #map1}, {transform_indices = #map1}, {transform_indices = #map1}]} {
    %mul3A = arith.constant 16 : i32
    %mul3A_0 = arith.muli %arg0, %mul3A : i32
    %add3A = arith.addi %mul3A_0, %arg1 : i32
    %eq3A = arith.constant 0 : i32
    %eq3A_1 = arith.cmpi eq, %arg1, %eq3A : i32
    %convert_element_type3A = arith.extui %eq3A_1 : i1 to i32
    %cond3A = arith.constant 0 : i32
    %cond3A_2 = arith.cmpi ne, %convert_element_type3A, %cond3A : i32
    scf.if %cond3A_2 {
      "tpu.region"() ({
        %run_scoped3A = tpu.sem_alloc : memref<!tpu.dma_semaphore, #tpu.memory_space<semaphore_mem>>
        tpu.enqueue_dma source(%arg2 : memref<10000x32xf32, #tpu.memory_space<hbm>>) target(%arg12 : memref<10000x32xf32, #tpu.memory_space<vmem_shared>>) target_semaphore(%run_scoped3A : memref<!tpu.dma_semaphore, #tpu.memory_space<semaphore_mem>>)
        tpu.wait_dma2 semaphore(%run_scoped3A : memref<!tpu.dma_semaphore, #tpu.memory_space<semaphore_mem>>) src(%arg2 : memref<10000x32xf32, #tpu.memory_space<hbm>>) dst(%arg12 : memref<10000x32xf32, #tpu.memory_space<vmem_shared>>)
        tpu.yield
      }) : () -> ()
    } else {
    }
    %barrier3A = arith.constant 0 : index
    tpu.barrier barrier_id(%barrier3A)
    "tpu.region"() ({
      %run_scoped3A = tpu.sem_alloc : memref<!tpu.dma_semaphore, #tpu.memory_space<semaphore_mem>>
      %dma_start3A_68 = arith.constant 0 : i32
      %dma_start3A_69 = arith.constant 0 : i32
      %dma_start3A_70 = tpu.memref_slice %arg3[%add3A, %dma_start3A_68, %dma_start3A_69] : memref<32x20x500xi32, #tpu.memory_space<hbm>> -> memref<1x20x500xi32, #tpu.memory_space<hbm>>
      %dma_start3A_71 = tpu.memref_squeeze %dma_start3A_70 : memref<1x20x500xi32, #tpu.memory_space<hbm>> -> memref<20x500xi32, #tpu.memory_space<hbm>>
      %dma_start3A_72 = arith.constant 0 : i32
      %dma_start3A_73 = arith.constant 0 : i32
      %dma_start3A_74 = tpu.memref_slice %arg3[%add3A, %dma_start3A_72, %dma_start3A_73] : memref<32x20x500xi32, #tpu.memory_space<hbm>> -> memref<1x20x500xi32, #tpu.memory_space<hbm>>
      %dma_start3A_75 = tpu.memref_squeeze %dma_start3A_74 : memref<1x20x500xi32, #tpu.memory_space<hbm>> -> memref<20x500xi32, #tpu.memory_space<hbm>>
      tpu.enqueue_dma source(%dma_start3A_75 : memref<20x500xi32, #tpu.memory_space<hbm>>) target(%arg6 : memref<20x500xi32, #tpu.memory_space<vmem>>) target_semaphore(%run_scoped3A : memref<!tpu.dma_semaphore, #tpu.memory_space<semaphore_mem>>)
      %dma_wait3A_76 = arith.constant 0 : i32
      %dma_wait3A_77 = arith.constant 0 : i32
      %dma_wait3A_78 = tpu.memref_slice %arg3[%add3A, %dma_wait3A_76, %dma_wait3A_77] : memref<32x20x500xi32, #tpu.memory_space<hbm>> -> memref<1x20x500xi32, #tpu.memory_space<hbm>>
      %dma_wait3A_79 = tpu.memref_squeeze %dma_wait3A_78 : memref<1x20x500xi32, #tpu.memory_space<hbm>> -> memref<20x500xi32, #tpu.memory_space<hbm>>
      %dma_wait3A_80 = arith.constant 0 : i32
      %dma_wait3A_81 = arith.constant 0 : i32
      %dma_wait3A_82 = tpu.memref_slice %arg3[%add3A, %dma_wait3A_80, %dma_wait3A_81] : memref<32x20x500xi32, #tpu.memory_space<hbm>> -> memref<1x20x500xi32, #tpu.memory_space<hbm>>
      %dma_wait3A_83 = tpu.memref_squeeze %dma_wait3A_82 : memref<1x20x500xi32, #tpu.memory_space<hbm>> -> memref<20x500xi32, #tpu.memory_space<hbm>>
      tpu.wait_dma2 semaphore(%run_scoped3A : memref<!tpu.dma_semaphore, #tpu.memory_space<semaphore_mem>>) src(%dma_wait3A_83 : memref<20x500xi32, #tpu.memory_space<hbm>>) dst(%arg6 : memref<20x500xi32, #tpu.memory_space<vmem>>)
      tpu.yield
    }) : () -> ()
    "tpu.region"() ({
      %run_scoped3A = tpu.sem_alloc : memref<!tpu.dma_semaphore, #tpu.memory_space<semaphore_mem>>
      %dma_start3A_68 = arith.constant 0 : i32
      %dma_start3A_69 = arith.constant 0 : i32
      %dma_start3A_70 = tpu.memref_slice %arg4[%add3A, %dma_start3A_68, %dma_start3A_69] : memref<32x20x500xi32, #tpu.memory_space<hbm>> -> memref<1x20x500xi32, #tpu.memory_space<hbm>>
      %dma_start3A_71 = tpu.memref_squeeze %dma_start3A_70 : memref<1x20x500xi32, #tpu.memory_space<hbm>> -> memref<20x500xi32, #tpu.memory_space<hbm>>
      %dma_start3A_72 = arith.constant 0 : i32
      %dma_start3A_73 = arith.constant 0 : i32
      %dma_start3A_74 = tpu.memref_slice %arg4[%add3A, %dma_start3A_72, %dma_start3A_73] : memref<32x20x500xi32, #tpu.memory_space<hbm>> -> memref<1x20x500xi32, #tpu.memory_space<hbm>>
      %dma_start3A_75 = tpu.memref_squeeze %dma_start3A_74 : memref<1x20x500xi32, #tpu.memory_space<hbm>> -> memref<20x500xi32, #tpu.memory_space<hbm>>
      tpu.enqueue_dma source(%dma_start3A_75 : memref<20x500xi32, #tpu.memory_space<hbm>>) target(%arg7 : memref<20x500xi32, #tpu.memory_space<vmem>>) target_semaphore(%run_scoped3A : memref<!tpu.dma_semaphore, #tpu.memory_space<semaphore_mem>>)
      %dma_wait3A_76 = arith.constant 0 : i32
      %dma_wait3A_77 = arith.constant 0 : i32
      %dma_wait3A_78 = tpu.memref_slice %arg4[%add3A, %dma_wait3A_76, %dma_wait3A_77] : memref<32x20x500xi32, #tpu.memory_space<hbm>> -> memref<1x20x500xi32, #tpu.memory_space<hbm>>
      %dma_wait3A_79 = tpu.memref_squeeze %dma_wait3A_78 : memref<1x20x500xi32, #tpu.memory_space<hbm>> -> memref<20x500xi32, #tpu.memory_space<hbm>>
      %dma_wait3A_80 = arith.constant 0 : i32
      %dma_wait3A_81 = arith.constant 0 : i32
      %dma_wait3A_82 = tpu.memref_slice %arg4[%add3A, %dma_wait3A_80, %dma_wait3A_81] : memref<32x20x500xi32, #tpu.memory_space<hbm>> -> memref<1x20x500xi32, #tpu.memory_space<hbm>>
      %dma_wait3A_83 = tpu.memref_squeeze %dma_wait3A_82 : memref<1x20x500xi32, #tpu.memory_space<hbm>> -> memref<20x500xi32, #tpu.memory_space<hbm>>
      tpu.wait_dma2 semaphore(%run_scoped3A : memref<!tpu.dma_semaphore, #tpu.memory_space<semaphore_mem>>) src(%dma_wait3A_83 : memref<20x500xi32, #tpu.memory_space<hbm>>) dst(%arg7 : memref<20x500xi32, #tpu.memory_space<vmem>>)
      tpu.yield
    }) : () -> ()
    %dma_start3A = arith.constant 0 : i32
    %dma_start3A_3 = arith.constant 0 : i32
    %dma_start3A_4 = tpu.memref_slice %arg6[%dma_start3A, %dma_start3A_3] : memref<20x500xi32, #tpu.memory_space<vmem>> -> memref<1x500xi32, #tpu.memory_space<vmem>>
    %dma_start3A_5 = tpu.memref_squeeze %dma_start3A_4 : memref<1x500xi32, #tpu.memory_space<vmem>> -> memref<500xi32, #tpu.memory_space<vmem>>
    %dma_start3A_6 = arith.constant 0 : i32
    %dma_start3A_7 = arith.constant 0 : i32
    %dma_start3A_8 = tpu.memref_slice %arg2[%dma_start3A_6, %dma_start3A_7] : memref<10000x32xf32, #tpu.memory_space<hbm>> -> memref<10000x32xf32, #tpu.memory_space<hbm>>
    tpu.enqueue_indirect_dma source(%dma_start3A_8 : memref<10000x32xf32, #tpu.memory_space<hbm>>) target(%arg8 : memref<500x32xf32, #tpu.memory_space<vmem>>) offsets(%dma_start3A_5 : memref<500xi32, #tpu.memory_space<vmem>>) semaphore(%arg13 : memref<!tpu.dma_semaphore, #tpu.memory_space<semaphore_mem>>)
    %dma_start3A_9 = arith.constant 1 : i32
    %dma_start3A_10 = arith.constant 0 : i32
    %dma_start3A_11 = tpu.memref_slice %arg6[%dma_start3A_9, %dma_start3A_10] : memref<20x500xi32, #tpu.memory_space<vmem>> -> memref<1x500xi32, #tpu.memory_space<vmem>>
    %dma_start3A_12 = tpu.memref_squeeze %dma_start3A_11 : memref<1x500xi32, #tpu.memory_space<vmem>> -> memref<500xi32, #tpu.memory_space<vmem>>
    %dma_start3A_13 = arith.constant 0 : i32
    %dma_start3A_14 = arith.constant 0 : i32
    %dma_start3A_15 = tpu.memref_slice %arg2[%dma_start3A_13, %dma_start3A_14] : memref<10000x32xf32, #tpu.memory_space<hbm>> -> memref<10000x32xf32, #tpu.memory_space<hbm>>
    tpu.enqueue_indirect_dma source(%dma_start3A_15 : memref<10000x32xf32, #tpu.memory_space<hbm>>) target(%arg9 : memref<500x32xf32, #tpu.memory_space<vmem>>) offsets(%dma_start3A_12 : memref<500xi32, #tpu.memory_space<vmem>>) semaphore(%arg14 : memref<!tpu.dma_semaphore, #tpu.memory_space<semaphore_mem>>)
    %dma_start3A_16 = arith.constant 2 : i32
    %dma_start3A_17 = arith.constant 0 : i32
    %dma_start3A_18 = tpu.memref_slice %arg6[%dma_start3A_16, %dma_start3A_17] : memref<20x500xi32, #tpu.memory_space<vmem>> -> memref<1x500xi32, #tpu.memory_space<vmem>>
    %dma_start3A_19 = tpu.memref_squeeze %dma_start3A_18 : memref<1x500xi32, #tpu.memory_space<vmem>> -> memref<500xi32, #tpu.memory_space<vmem>>
    %dma_start3A_20 = arith.constant 0 : i32
    %dma_start3A_21 = arith.constant 0 : i32
    %dma_start3A_22 = tpu.memref_slice %arg2[%dma_start3A_20, %dma_start3A_21] : memref<10000x32xf32, #tpu.memory_space<hbm>> -> memref<10000x32xf32, #tpu.memory_space<hbm>>
    tpu.enqueue_indirect_dma source(%dma_start3A_22 : memref<10000x32xf32, #tpu.memory_space<hbm>>) target(%arg10 : memref<500x32xf32, #tpu.memory_space<vmem>>) offsets(%dma_start3A_19 : memref<500xi32, #tpu.memory_space<vmem>>) semaphore(%arg15 : memref<!tpu.dma_semaphore, #tpu.memory_space<semaphore_mem>>)
    %dma_start3A_23 = arith.constant 3 : i32
    %dma_start3A_24 = arith.constant 0 : i32
    %dma_start3A_25 = tpu.memref_slice %arg6[%dma_start3A_23, %dma_start3A_24] : memref<20x500xi32, #tpu.memory_space<vmem>> -> memref<1x500xi32, #tpu.memory_space<vmem>>
    %dma_start3A_26 = tpu.memref_squeeze %dma_start3A_25 : memref<1x500xi32, #tpu.memory_space<vmem>> -> memref<500xi32, #tpu.memory_space<vmem>>
    %dma_start3A_27 = arith.constant 0 : i32
    %dma_start3A_28 = arith.constant 0 : i32
    %dma_start3A_29 = tpu.memref_slice %arg2[%dma_start3A_27, %dma_start3A_28] : memref<10000x32xf32, #tpu.memory_space<hbm>> -> memref<10000x32xf32, #tpu.memory_space<hbm>>
    tpu.enqueue_indirect_dma source(%dma_start3A_29 : memref<10000x32xf32, #tpu.memory_space<hbm>>) target(%arg11 : memref<500x32xf32, #tpu.memory_space<vmem>>) offsets(%dma_start3A_26 : memref<500xi32, #tpu.memory_space<vmem>>) semaphore(%arg16 : memref<!tpu.dma_semaphore, #tpu.memory_space<semaphore_mem>>)
    %scan3A = arith.constant 0 : i32
    %scan3A_30 = arith.constant 0 : i32
    %scan3A_31 = arith.constant 5 : i32
    %scan3A_32 = arith.addi %scan3A_30, %scan3A_31 : i32
    %scan3A_33 = arith.constant 1 : i32
    scf.for %scan3A_68 = %scan3A_30 to %scan3A_32 step %scan3A_33  : i32 {
      %mul3A_69 = arith.constant 4 : i32
      %mul3A_70 = arith.muli %mul3A_69, %scan3A_68 : i32
      %add3A_71 = arith.constant 0 : i32
      %add3A_72 = arith.addi %mul3A_70, %add3A_71 : i32
      %dma_wait3A_73 = arith.constant 0 : i32
      %dma_wait3A_74 = tpu.memref_slice %arg6[%add3A_72, %dma_wait3A_73] : memref<20x500xi32, #tpu.memory_space<vmem>> -> memref<1x500xi32, #tpu.memory_space<vmem>>
      %dma_wait3A_75 = tpu.memref_squeeze %dma_wait3A_74 : memref<1x500xi32, #tpu.memory_space<vmem>> -> memref<500xi32, #tpu.memory_space<vmem>>
      %dma_wait3A_76 = arith.constant 0 : i32
      %dma_wait3A_77 = arith.constant 0 : i32
      %dma_wait3A_78 = tpu.memref_slice %arg2[%dma_wait3A_76, %dma_wait3A_77] : memref<10000x32xf32, #tpu.memory_space<hbm>> -> memref<10000x32xf32, #tpu.memory_space<hbm>>
      tpu.wait_indirect_dma semaphore(%arg13 : memref<!tpu.dma_semaphore, #tpu.memory_space<semaphore_mem>>) src(%dma_wait3A_78 : memref<10000x32xf32, #tpu.memory_space<hbm>>) dst(%arg8 : memref<500x32xf32, #tpu.memory_space<vmem>>)
      %add3A_79 = arith.constant 0 : i32
      %add3A_80 = arith.addi %mul3A_70, %add3A_79 : i32
      %dma_start3A_81 = arith.constant 0 : i32
      %dma_start3A_82 = tpu.memref_slice %arg7[%add3A_80, %dma_start3A_81] : memref<20x500xi32, #tpu.memory_space<vmem>> -> memref<1x500xi32, #tpu.memory_space<vmem>>
      %dma_start3A_83 = tpu.memref_squeeze %dma_start3A_82 : memref<1x500xi32, #tpu.memory_space<vmem>> -> memref<500xi32, #tpu.memory_space<vmem>>
      %dma_start3A_84 = arith.constant 0 : i32
      %dma_start3A_85 = arith.constant 0 : i32
      %dma_start3A_86 = tpu.memref_slice %arg12[%dma_start3A_84, %dma_start3A_85] : memref<10000x32xf32, #tpu.memory_space<vmem_shared>> -> memref<10000x32xf32, #tpu.memory_space<vmem_shared>>
      tpu.enqueue_indirect_dma source(%arg8 : memref<500x32xf32, #tpu.memory_space<vmem>>) target(%dma_start3A_86 : memref<10000x32xf32, #tpu.memory_space<vmem_shared>>) offsets(%dma_start3A_83 : memref<500xi32, #tpu.memory_space<vmem>>) semaphore(%arg17 : memref<!tpu.dma_semaphore, #tpu.memory_space<semaphore_mem>>) {add = true}
      %add3A_87 = arith.constant 1 : i32
      %add3A_88 = arith.addi %mul3A_70, %add3A_87 : i32
      %dma_wait3A_89 = arith.constant 0 : i32
      %dma_wait3A_90 = tpu.memref_slice %arg6[%add3A_88, %dma_wait3A_89] : memref<20x500xi32, #tpu.memory_space<vmem>> -> memref<1x500xi32, #tpu.memory_space<vmem>>
      %dma_wait3A_91 = tpu.memref_squeeze %dma_wait3A_90 : memref<1x500xi32, #tpu.memory_space<vmem>> -> memref<500xi32, #tpu.memory_space<vmem>>
      %dma_wait3A_92 = arith.constant 0 : i32
      %dma_wait3A_93 = arith.constant 0 : i32
      %dma_wait3A_94 = tpu.memref_slice %arg2[%dma_wait3A_92, %dma_wait3A_93] : memref<10000x32xf32, #tpu.memory_space<hbm>> -> memref<10000x32xf32, #tpu.memory_space<hbm>>
      tpu.wait_indirect_dma semaphore(%arg14 : memref<!tpu.dma_semaphore, #tpu.memory_space<semaphore_mem>>) src(%dma_wait3A_94 : memref<10000x32xf32, #tpu.memory_space<hbm>>) dst(%arg9 : memref<500x32xf32, #tpu.memory_space<vmem>>)
      %add3A_95 = arith.constant 1 : i32
      %add3A_96 = arith.addi %mul3A_70, %add3A_95 : i32
      %dma_start3A_97 = arith.constant 0 : i32
      %dma_start3A_98 = tpu.memref_slice %arg7[%add3A_96, %dma_start3A_97] : memref<20x500xi32, #tpu.memory_space<vmem>> -> memref<1x500xi32, #tpu.memory_space<vmem>>
      %dma_start3A_99 = tpu.memref_squeeze %dma_start3A_98 : memref<1x500xi32, #tpu.memory_space<vmem>> -> memref<500xi32, #tpu.memory_space<vmem>>
      %dma_start3A_100 = arith.constant 0 : i32
      %dma_start3A_101 = arith.constant 0 : i32
      %dma_start3A_102 = tpu.memref_slice %arg12[%dma_start3A_100, %dma_start3A_101] : memref<10000x32xf32, #tpu.memory_space<vmem_shared>> -> memref<10000x32xf32, #tpu.memory_space<vmem_shared>>
      tpu.enqueue_indirect_dma source(%arg9 : memref<500x32xf32, #tpu.memory_space<vmem>>) target(%dma_start3A_102 : memref<10000x32xf32, #tpu.memory_space<vmem_shared>>) offsets(%dma_start3A_99 : memref<500xi32, #tpu.memory_space<vmem>>) semaphore(%arg18 : memref<!tpu.dma_semaphore, #tpu.memory_space<semaphore_mem>>) {add = true}
      %add3A_103 = arith.constant 2 : i32
      %add3A_104 = arith.addi %mul3A_70, %add3A_103 : i32
      %dma_wait3A_105 = arith.constant 0 : i32
      %dma_wait3A_106 = tpu.memref_slice %arg6[%add3A_104, %dma_wait3A_105] : memref<20x500xi32, #tpu.memory_space<vmem>> -> memref<1x500xi32, #tpu.memory_space<vmem>>
      %dma_wait3A_107 = tpu.memref_squeeze %dma_wait3A_106 : memref<1x500xi32, #tpu.memory_space<vmem>> -> memref<500xi32, #tpu.memory_space<vmem>>
      %dma_wait3A_108 = arith.constant 0 : i32
      %dma_wait3A_109 = arith.constant 0 : i32
      %dma_wait3A_110 = tpu.memref_slice %arg2[%dma_wait3A_108, %dma_wait3A_109] : memref<10000x32xf32, #tpu.memory_space<hbm>> -> memref<10000x32xf32, #tpu.memory_space<hbm>>
      tpu.wait_indirect_dma semaphore(%arg15 : memref<!tpu.dma_semaphore, #tpu.memory_space<semaphore_mem>>) src(%dma_wait3A_110 : memref<10000x32xf32, #tpu.memory_space<hbm>>) dst(%arg10 : memref<500x32xf32, #tpu.memory_space<vmem>>)
      %add3A_111 = arith.constant 2 : i32
      %add3A_112 = arith.addi %mul3A_70, %add3A_111 : i32
      %dma_start3A_113 = arith.constant 0 : i32
      %dma_start3A_114 = tpu.memref_slice %arg7[%add3A_112, %dma_start3A_113] : memref<20x500xi32, #tpu.memory_space<vmem>> -> memref<1x500xi32, #tpu.memory_space<vmem>>
      %dma_start3A_115 = tpu.memref_squeeze %dma_start3A_114 : memref<1x500xi32, #tpu.memory_space<vmem>> -> memref<500xi32, #tpu.memory_space<vmem>>
      %dma_start3A_116 = arith.constant 0 : i32
      %dma_start3A_117 = arith.constant 0 : i32
      %dma_start3A_118 = tpu.memref_slice %arg12[%dma_start3A_116, %dma_start3A_117] : memref<10000x32xf32, #tpu.memory_space<vmem_shared>> -> memref<10000x32xf32, #tpu.memory_space<vmem_shared>>
      tpu.enqueue_indirect_dma source(%arg10 : memref<500x32xf32, #tpu.memory_space<vmem>>) target(%dma_start3A_118 : memref<10000x32xf32, #tpu.memory_space<vmem_shared>>) offsets(%dma_start3A_115 : memref<500xi32, #tpu.memory_space<vmem>>) semaphore(%arg19 : memref<!tpu.dma_semaphore, #tpu.memory_space<semaphore_mem>>) {add = true}
      %add3A_119 = arith.constant 3 : i32
      %add3A_120 = arith.addi %mul3A_70, %add3A_119 : i32
      %dma_wait3A_121 = arith.constant 0 : i32
      %dma_wait3A_122 = tpu.memref_slice %arg6[%add3A_120, %dma_wait3A_121] : memref<20x500xi32, #tpu.memory_space<vmem>> -> memref<1x500xi32, #tpu.memory_space<vmem>>
      %dma_wait3A_123 = tpu.memref_squeeze %dma_wait3A_122 : memref<1x500xi32, #tpu.memory_space<vmem>> -> memref<500xi32, #tpu.memory_space<vmem>>
      %dma_wait3A_124 = arith.constant 0 : i32
      %dma_wait3A_125 = arith.constant 0 : i32
      %dma_wait3A_126 = tpu.memref_slice %arg2[%dma_wait3A_124, %dma_wait3A_125] : memref<10000x32xf32, #tpu.memory_space<hbm>> -> memref<10000x32xf32, #tpu.memory_space<hbm>>
      tpu.wait_indirect_dma semaphore(%arg16 : memref<!tpu.dma_semaphore, #tpu.memory_space<semaphore_mem>>) src(%dma_wait3A_126 : memref<10000x32xf32, #tpu.memory_space<hbm>>) dst(%arg11 : memref<500x32xf32, #tpu.memory_space<vmem>>)
      %add3A_127 = arith.constant 3 : i32
      %add3A_128 = arith.addi %mul3A_70, %add3A_127 : i32
      %dma_start3A_129 = arith.constant 0 : i32
      %dma_start3A_130 = tpu.memref_slice %arg7[%add3A_128, %dma_start3A_129] : memref<20x500xi32, #tpu.memory_space<vmem>> -> memref<1x500xi32, #tpu.memory_space<vmem>>
      %dma_start3A_131 = tpu.memref_squeeze %dma_start3A_130 : memref<1x500xi32, #tpu.memory_space<vmem>> -> memref<500xi32, #tpu.memory_space<vmem>>
      %dma_start3A_132 = arith.constant 0 : i32
      %dma_start3A_133 = arith.constant 0 : i32
      %dma_start3A_134 = tpu.memref_slice %arg12[%dma_start3A_132, %dma_start3A_133] : memref<10000x32xf32, #tpu.memory_space<vmem_shared>> -> memref<10000x32xf32, #tpu.memory_space<vmem_shared>>
      tpu.enqueue_indirect_dma source(%arg11 : memref<500x32xf32, #tpu.memory_space<vmem>>) target(%dma_start3A_134 : memref<10000x32xf32, #tpu.memory_space<vmem_shared>>) offsets(%dma_start3A_131 : memref<500xi32, #tpu.memory_space<vmem>>) semaphore(%arg20 : memref<!tpu.dma_semaphore, #tpu.memory_space<semaphore_mem>>) {add = true}
      %lt3A = arith.constant 4 : i32
      %lt3A_135 = arith.cmpi slt, %scan3A_68, %lt3A : i32
      %convert_element_type3A_136 = arith.extui %lt3A_135 : i1 to i32
      %cond3A_137 = arith.constant 0 : i32
      %cond3A_138 = arith.cmpi ne, %convert_element_type3A_136, %cond3A_137 : i32
      scf.if %cond3A_138 {
        %add3A_139 = arith.constant 0 : i32
        %add3A_140 = arith.addi %mul3A_70, %add3A_139 : i32
        %dma_wait3A_141 = arith.constant 0 : i32
        %dma_wait3A_142 = tpu.memref_slice %arg7[%add3A_140, %dma_wait3A_141] : memref<20x500xi32, #tpu.memory_space<vmem>> -> memref<1x500xi32, #tpu.memory_space<vmem>>
        %dma_wait3A_143 = tpu.memref_squeeze %dma_wait3A_142 : memref<1x500xi32, #tpu.memory_space<vmem>> -> memref<500xi32, #tpu.memory_space<vmem>>
        %dma_wait3A_144 = arith.constant 0 : i32
        %dma_wait3A_145 = arith.constant 0 : i32
        %dma_wait3A_146 = tpu.memref_slice %arg12[%dma_wait3A_144, %dma_wait3A_145] : memref<10000x32xf32, #tpu.memory_space<vmem_shared>> -> memref<10000x32xf32, #tpu.memory_space<vmem_shared>>
        tpu.wait_indirect_dma semaphore(%arg17 : memref<!tpu.dma_semaphore, #tpu.memory_space<semaphore_mem>>) src(%arg8 : memref<500x32xf32, #tpu.memory_space<vmem>>) dst(%dma_wait3A_146 : memref<10000x32xf32, #tpu.memory_space<vmem_shared>>)
        %add3A_147 = arith.constant 4 : i32
        %add3A_148 = arith.addi %mul3A_70, %add3A_147 : i32
        %add3A_149 = arith.constant 0 : i32
        %add3A_150 = arith.addi %add3A_148, %add3A_149 : i32
        %dma_start3A_151 = arith.constant 0 : i32
        %dma_start3A_152 = tpu.memref_slice %arg6[%add3A_150, %dma_start3A_151] : memref<20x500xi32, #tpu.memory_space<vmem>> -> memref<1x500xi32, #tpu.memory_space<vmem>>
        %dma_start3A_153 = tpu.memref_squeeze %dma_start3A_152 : memref<1x500xi32, #tpu.memory_space<vmem>> -> memref<500xi32, #tpu.memory_space<vmem>>
        %dma_start3A_154 = arith.constant 0 : i32
        %dma_start3A_155 = arith.constant 0 : i32
        %dma_start3A_156 = tpu.memref_slice %arg2[%dma_start3A_154, %dma_start3A_155] : memref<10000x32xf32, #tpu.memory_space<hbm>> -> memref<10000x32xf32, #tpu.memory_space<hbm>>
        tpu.enqueue_indirect_dma source(%dma_start3A_156 : memref<10000x32xf32, #tpu.memory_space<hbm>>) target(%arg8 : memref<500x32xf32, #tpu.memory_space<vmem>>) offsets(%dma_start3A_153 : memref<500xi32, #tpu.memory_space<vmem>>) semaphore(%arg13 : memref<!tpu.dma_semaphore, #tpu.memory_space<semaphore_mem>>)
        %add3A_157 = arith.constant 1 : i32
        %add3A_158 = arith.addi %mul3A_70, %add3A_157 : i32
        %dma_wait3A_159 = arith.constant 0 : i32
        %dma_wait3A_160 = tpu.memref_slice %arg7[%add3A_158, %dma_wait3A_159] : memref<20x500xi32, #tpu.memory_space<vmem>> -> memref<1x500xi32, #tpu.memory_space<vmem>>
        %dma_wait3A_161 = tpu.memref_squeeze %dma_wait3A_160 : memref<1x500xi32, #tpu.memory_space<vmem>> -> memref<500xi32, #tpu.memory_space<vmem>>
        %dma_wait3A_162 = arith.constant 0 : i32
        %dma_wait3A_163 = arith.constant 0 : i32
        %dma_wait3A_164 = tpu.memref_slice %arg12[%dma_wait3A_162, %dma_wait3A_163] : memref<10000x32xf32, #tpu.memory_space<vmem_shared>> -> memref<10000x32xf32, #tpu.memory_space<vmem_shared>>
        tpu.wait_indirect_dma semaphore(%arg18 : memref<!tpu.dma_semaphore, #tpu.memory_space<semaphore_mem>>) src(%arg9 : memref<500x32xf32, #tpu.memory_space<vmem>>) dst(%dma_wait3A_164 : memref<10000x32xf32, #tpu.memory_space<vmem_shared>>)
        %add3A_165 = arith.constant 4 : i32
        %add3A_166 = arith.addi %mul3A_70, %add3A_165 : i32
        %add3A_167 = arith.constant 1 : i32
        %add3A_168 = arith.addi %add3A_166, %add3A_167 : i32
        %dma_start3A_169 = arith.constant 0 : i32
        %dma_start3A_170 = tpu.memref_slice %arg6[%add3A_168, %dma_start3A_169] : memref<20x500xi32, #tpu.memory_space<vmem>> -> memref<1x500xi32, #tpu.memory_space<vmem>>
        %dma_start3A_171 = tpu.memref_squeeze %dma_start3A_170 : memref<1x500xi32, #tpu.memory_space<vmem>> -> memref<500xi32, #tpu.memory_space<vmem>>
        %dma_start3A_172 = arith.constant 0 : i32
        %dma_start3A_173 = arith.constant 0 : i32
        %dma_start3A_174 = tpu.memref_slice %arg2[%dma_start3A_172, %dma_start3A_173] : memref<10000x32xf32, #tpu.memory_space<hbm>> -> memref<10000x32xf32, #tpu.memory_space<hbm>>
        tpu.enqueue_indirect_dma source(%dma_start3A_174 : memref<10000x32xf32, #tpu.memory_space<hbm>>) target(%arg9 : memref<500x32xf32, #tpu.memory_space<vmem>>) offsets(%dma_start3A_171 : memref<500xi32, #tpu.memory_space<vmem>>) semaphore(%arg14 : memref<!tpu.dma_semaphore, #tpu.memory_space<semaphore_mem>>)
        %add3A_175 = arith.constant 2 : i32
        %add3A_176 = arith.addi %mul3A_70, %add3A_175 : i32
        %dma_wait3A_177 = arith.constant 0 : i32
        %dma_wait3A_178 = tpu.memref_slice %arg7[%add3A_176, %dma_wait3A_177] : memref<20x500xi32, #tpu.memory_space<vmem>> -> memref<1x500xi32, #tpu.memory_space<vmem>>
        %dma_wait3A_179 = tpu.memref_squeeze %dma_wait3A_178 : memref<1x500xi32, #tpu.memory_space<vmem>> -> memref<500xi32, #tpu.memory_space<vmem>>
        %dma_wait3A_180 = arith.constant 0 : i32
        %dma_wait3A_181 = arith.constant 0 : i32
        %dma_wait3A_182 = tpu.memref_slice %arg12[%dma_wait3A_180, %dma_wait3A_181] : memref<10000x32xf32, #tpu.memory_space<vmem_shared>> -> memref<10000x32xf32, #tpu.memory_space<vmem_shared>>
        tpu.wait_indirect_dma semaphore(%arg19 : memref<!tpu.dma_semaphore, #tpu.memory_space<semaphore_mem>>) src(%arg10 : memref<500x32xf32, #tpu.memory_space<vmem>>) dst(%dma_wait3A_182 : memref<10000x32xf32, #tpu.memory_space<vmem_shared>>)
        %add3A_183 = arith.constant 4 : i32
        %add3A_184 = arith.addi %mul3A_70, %add3A_183 : i32
        %add3A_185 = arith.constant 2 : i32
        %add3A_186 = arith.addi %add3A_184, %add3A_185 : i32
        %dma_start3A_187 = arith.constant 0 : i32
        %dma_start3A_188 = tpu.memref_slice %arg6[%add3A_186, %dma_start3A_187] : memref<20x500xi32, #tpu.memory_space<vmem>> -> memref<1x500xi32, #tpu.memory_space<vmem>>
        %dma_start3A_189 = tpu.memref_squeeze %dma_start3A_188 : memref<1x500xi32, #tpu.memory_space<vmem>> -> memref<500xi32, #tpu.memory_space<vmem>>
        %dma_start3A_190 = arith.constant 0 : i32
        %dma_start3A_191 = arith.constant 0 : i32
        %dma_start3A_192 = tpu.memref_slice %arg2[%dma_start3A_190, %dma_start3A_191] : memref<10000x32xf32, #tpu.memory_space<hbm>> -> memref<10000x32xf32, #tpu.memory_space<hbm>>
        tpu.enqueue_indirect_dma source(%dma_start3A_192 : memref<10000x32xf32, #tpu.memory_space<hbm>>) target(%arg10 : memref<500x32xf32, #tpu.memory_space<vmem>>) offsets(%dma_start3A_189 : memref<500xi32, #tpu.memory_space<vmem>>) semaphore(%arg15 : memref<!tpu.dma_semaphore, #tpu.memory_space<semaphore_mem>>)
        %add3A_193 = arith.constant 3 : i32
        %add3A_194 = arith.addi %mul3A_70, %add3A_193 : i32
        %dma_wait3A_195 = arith.constant 0 : i32
        %dma_wait3A_196 = tpu.memref_slice %arg7[%add3A_194, %dma_wait3A_195] : memref<20x500xi32, #tpu.memory_space<vmem>> -> memref<1x500xi32, #tpu.memory_space<vmem>>
        %dma_wait3A_197 = tpu.memref_squeeze %dma_wait3A_196 : memref<1x500xi32, #tpu.memory_space<vmem>> -> memref<500xi32, #tpu.memory_space<vmem>>
        %dma_wait3A_198 = arith.constant 0 : i32
        %dma_wait3A_199 = arith.constant 0 : i32
        %dma_wait3A_200 = tpu.memref_slice %arg12[%dma_wait3A_198, %dma_wait3A_199] : memref<10000x32xf32, #tpu.memory_space<vmem_shared>> -> memref<10000x32xf32, #tpu.memory_space<vmem_shared>>
        tpu.wait_indirect_dma semaphore(%arg20 : memref<!tpu.dma_semaphore, #tpu.memory_space<semaphore_mem>>) src(%arg11 : memref<500x32xf32, #tpu.memory_space<vmem>>) dst(%dma_wait3A_200 : memref<10000x32xf32, #tpu.memory_space<vmem_shared>>)
        %add3A_201 = arith.constant 4 : i32
        %add3A_202 = arith.addi %mul3A_70, %add3A_201 : i32
        %add3A_203 = arith.constant 3 : i32
        %add3A_204 = arith.addi %add3A_202, %add3A_203 : i32
        %dma_start3A_205 = arith.constant 0 : i32
        %dma_start3A_206 = tpu.memref_slice %arg6[%add3A_204, %dma_start3A_205] : memref<20x500xi32, #tpu.memory_space<vmem>> -> memref<1x500xi32, #tpu.memory_space<vmem>>
        %dma_start3A_207 = tpu.memref_squeeze %dma_start3A_206 : memref<1x500xi32, #tpu.memory_space<vmem>> -> memref<500xi32, #tpu.memory_space<vmem>>
        %dma_start3A_208 = arith.constant 0 : i32
        %dma_start3A_209 = arith.constant 0 : i32
        %dma_start3A_210 = tpu.memref_slice %arg2[%dma_start3A_208, %dma_start3A_209] : memref<10000x32xf32, #tpu.memory_space<hbm>> -> memref<10000x32xf32, #tpu.memory_space<hbm>>
        tpu.enqueue_indirect_dma source(%dma_start3A_210 : memref<10000x32xf32, #tpu.memory_space<hbm>>) target(%arg11 : memref<500x32xf32, #tpu.memory_space<vmem>>) offsets(%dma_start3A_207 : memref<500xi32, #tpu.memory_space<vmem>>) semaphore(%arg16 : memref<!tpu.dma_semaphore, #tpu.memory_space<semaphore_mem>>)
      } else {
      }
    }
    %scan3A_34 = arith.constant 5 : i32
    %dma_wait3A = arith.constant 16 : i32
    %dma_wait3A_35 = arith.constant 0 : i32
    %dma_wait3A_36 = tpu.memref_slice %arg7[%dma_wait3A, %dma_wait3A_35] : memref<20x500xi32, #tpu.memory_space<vmem>> -> memref<1x500xi32, #tpu.memory_space<vmem>>
    %dma_wait3A_37 = tpu.memref_squeeze %dma_wait3A_36 : memref<1x500xi32, #tpu.memory_space<vmem>> -> memref<500xi32, #tpu.memory_space<vmem>>
    %dma_wait3A_38 = arith.constant 0 : i32
    %dma_wait3A_39 = arith.constant 0 : i32
    %dma_wait3A_40 = tpu.memref_slice %arg12[%dma_wait3A_38, %dma_wait3A_39] : memref<10000x32xf32, #tpu.memory_space<vmem_shared>> -> memref<10000x32xf32, #tpu.memory_space<vmem_shared>>
    tpu.wait_indirect_dma semaphore(%arg17 : memref<!tpu.dma_semaphore, #tpu.memory_space<semaphore_mem>>) src(%arg8 : memref<500x32xf32, #tpu.memory_space<vmem>>) dst(%dma_wait3A_40 : memref<10000x32xf32, #tpu.memory_space<vmem_shared>>)
    %dma_wait3A_41 = arith.constant 17 : i32
    %dma_wait3A_42 = arith.constant 0 : i32
    %dma_wait3A_43 = tpu.memref_slice %arg7[%dma_wait3A_41, %dma_wait3A_42] : memref<20x500xi32, #tpu.memory_space<vmem>> -> memref<1x500xi32, #tpu.memory_space<vmem>>
    %dma_wait3A_44 = tpu.memref_squeeze %dma_wait3A_43 : memref<1x500xi32, #tpu.memory_space<vmem>> -> memref<500xi32, #tpu.memory_space<vmem>>
    %dma_wait3A_45 = arith.constant 0 : i32
    %dma_wait3A_46 = arith.constant 0 : i32
    %dma_wait3A_47 = tpu.memref_slice %arg12[%dma_wait3A_45, %dma_wait3A_46] : memref<10000x32xf32, #tpu.memory_space<vmem_shared>> -> memref<10000x32xf32, #tpu.memory_space<vmem_shared>>
    tpu.wait_indirect_dma semaphore(%arg18 : memref<!tpu.dma_semaphore, #tpu.memory_space<semaphore_mem>>) src(%arg9 : memref<500x32xf32, #tpu.memory_space<vmem>>) dst(%dma_wait3A_47 : memref<10000x32xf32, #tpu.memory_space<vmem_shared>>)
    %dma_wait3A_48 = arith.constant 18 : i32
    %dma_wait3A_49 = arith.constant 0 : i32
    %dma_wait3A_50 = tpu.memref_slice %arg7[%dma_wait3A_48, %dma_wait3A_49] : memref<20x500xi32, #tpu.memory_space<vmem>> -> memref<1x500xi32, #tpu.memory_space<vmem>>
    %dma_wait3A_51 = tpu.memref_squeeze %dma_wait3A_50 : memref<1x500xi32, #tpu.memory_space<vmem>> -> memref<500xi32, #tpu.memory_space<vmem>>
    %dma_wait3A_52 = arith.constant 0 : i32
    %dma_wait3A_53 = arith.constant 0 : i32
    %dma_wait3A_54 = tpu.memref_slice %arg12[%dma_wait3A_52, %dma_wait3A_53] : memref<10000x32xf32, #tpu.memory_space<vmem_shared>> -> memref<10000x32xf32, #tpu.memory_space<vmem_shared>>
    tpu.wait_indirect_dma semaphore(%arg19 : memref<!tpu.dma_semaphore, #tpu.memory_space<semaphore_mem>>) src(%arg10 : memref<500x32xf32, #tpu.memory_space<vmem>>) dst(%dma_wait3A_54 : memref<10000x32xf32, #tpu.memory_space<vmem_shared>>)
    %dma_wait3A_55 = arith.constant 19 : i32
    %dma_wait3A_56 = arith.constant 0 : i32
    %dma_wait3A_57 = tpu.memref_slice %arg7[%dma_wait3A_55, %dma_wait3A_56] : memref<20x500xi32, #tpu.memory_space<vmem>> -> memref<1x500xi32, #tpu.memory_space<vmem>>
    %dma_wait3A_58 = tpu.memref_squeeze %dma_wait3A_57 : memref<1x500xi32, #tpu.memory_space<vmem>> -> memref<500xi32, #tpu.memory_space<vmem>>
    %dma_wait3A_59 = arith.constant 0 : i32
    %dma_wait3A_60 = arith.constant 0 : i32
    %dma_wait3A_61 = tpu.memref_slice %arg12[%dma_wait3A_59, %dma_wait3A_60] : memref<10000x32xf32, #tpu.memory_space<vmem_shared>> -> memref<10000x32xf32, #tpu.memory_space<vmem_shared>>
    tpu.wait_indirect_dma semaphore(%arg20 : memref<!tpu.dma_semaphore, #tpu.memory_space<semaphore_mem>>) src(%arg11 : memref<500x32xf32, #tpu.memory_space<vmem>>) dst(%dma_wait3A_61 : memref<10000x32xf32, #tpu.memory_space<vmem_shared>>)
    %barrier3A_62 = arith.constant 0 : index
    tpu.barrier barrier_id(%barrier3A_62)
    %eq3A_63 = arith.constant 0 : i32
    %eq3A_64 = arith.cmpi eq, %arg1, %eq3A_63 : i32
    %convert_element_type3A_65 = arith.extui %eq3A_64 : i1 to i32
    %cond3A_66 = arith.constant 0 : i32
    %cond3A_67 = arith.cmpi ne, %convert_element_type3A_65, %cond3A_66 : i32
    scf.if %cond3A_67 {
      "tpu.region"() ({
        %run_scoped3A = tpu.sem_alloc : memref<!tpu.dma_semaphore, #tpu.memory_space<semaphore_mem>>
        %dma_start3A_68 = arith.constant 0 : i32
        %dma_start3A_69 = arith.constant 0 : i32
        %dma_start3A_70 = tpu.memref_slice %arg5[%arg0, %dma_start3A_68, %dma_start3A_69] : memref<2x10000x32xf32, #tpu.memory_space<hbm>> -> memref<1x10000x32xf32, #tpu.memory_space<hbm>>
        %dma_start3A_71 = tpu.memref_squeeze %dma_start3A_70 : memref<1x10000x32xf32, #tpu.memory_space<hbm>> -> memref<10000x32xf32, #tpu.memory_space<hbm>>
        tpu.enqueue_dma source(%arg12 : memref<10000x32xf32, #tpu.memory_space<vmem_shared>>) target(%dma_start3A_71 : memref<10000x32xf32, #tpu.memory_space<hbm>>) target_semaphore(%run_scoped3A : memref<!tpu.dma_semaphore, #tpu.memory_space<semaphore_mem>>)
        %dma_wait3A_72 = arith.constant 0 : i32
        %dma_wait3A_73 = arith.constant 0 : i32
        %dma_wait3A_74 = tpu.memref_slice %arg5[%arg0, %dma_wait3A_72, %dma_wait3A_73] : memref<2x10000x32xf32, #tpu.memory_space<hbm>> -> memref<1x10000x32xf32, #tpu.memory_space<hbm>>
        %dma_wait3A_75 = tpu.memref_squeeze %dma_wait3A_74 : memref<1x10000x32xf32, #tpu.memory_space<hbm>> -> memref<10000x32xf32, #tpu.memory_space<hbm>>
        tpu.wait_dma2 semaphore(%run_scoped3A : memref<!tpu.dma_semaphore, #tpu.memory_space<semaphore_mem>>) src(%arg12 : memref<10000x32xf32, #tpu.memory_space<vmem_shared>>) dst(%dma_wait3A_75 : memref<10000x32xf32, #tpu.memory_space<hbm>>)
        tpu.yield
      }) : () -> ()
    } else {
    }
    return
  }
}

#map = affine_map<(d0, d1) -> (0, 0)>
#map1 = affine_map<(d0, d1) -> (0, 0, 0)>
module attributes {stable_mosaic.version = 14 : i64} {
  func.func @_sc_scatter_body(%arg0: i32, %arg1: i32, %arg2: memref<10000x32xf32, #tpu.memory_space<hbm>>, %arg3: memref<32x20x500xi32, #tpu.memory_space<hbm>>, %arg4: memref<32x20x500xi32, #tpu.memory_space<hbm>>, %arg5: memref<2x10000x32xf32, #tpu.memory_space<hbm>>, %arg6: memref<20x500xi32, #tpu.memory_space<vmem>>, %arg7: memref<20x500xi32, #tpu.memory_space<vmem>>, %arg8: memref<500x32xf32, #tpu.memory_space<vmem>>, %arg9: memref<500x32xf32, #tpu.memory_space<vmem>>, %arg10: memref<500x32xf32, #tpu.memory_space<vmem>>, %arg11: memref<500x32xf32, #tpu.memory_space<vmem>>, %arg12: memref<10000x32xf32, #tpu.memory_space<vmem_shared>>, %arg13: memref<!tpu.dma_semaphore, #tpu.memory_space<semaphore_mem>>, %arg14: memref<!tpu.dma_semaphore, #tpu.memory_space<semaphore_mem>>, %arg15: memref<!tpu.dma_semaphore, #tpu.memory_space<semaphore_mem>>, %arg16: memref<!tpu.dma_semaphore, #tpu.memory_space<semaphore_mem>>, %arg17: memref<!tpu.dma_semaphore, #tpu.memory_space<semaphore_mem>>, %arg18: memref<!tpu.dma_semaphore, #tpu.memory_space<semaphore_mem>>, %arg19: memref<!tpu.dma_semaphore, #tpu.memory_space<semaphore_mem>>, %arg20: memref<!tpu.dma_semaphore, #tpu.memory_space<semaphore_mem>>) attributes {dimension_semantics = [#tpu.dimension_semantics<core_parallel>, #tpu.dimension_semantics<subcore_parallel>], iteration_bounds = array<i64: 2, 16>, scalar_prefetch = 0 : i64, scratch_operands = 15 : i64, tpu.core_type = #tpu.core_type<sc_vector_subcore>, window_params = [{transform_indices = #map}, {transform_indices = #map1}, {transform_indices = #map1}, {transform_indices = #map1}]} {
    %mul3A = arith.constant 16 : i32
    %mul3A_0 = arith.muli %arg0, %mul3A : i32
    %add3A = arith.addi %mul3A_0, %arg1 : i32
    %eq3A = arith.constant 0 : i32
    %eq3A_1 = arith.cmpi eq, %arg1, %eq3A : i32
    %convert_element_type3A = arith.extui %eq3A_1 : i1 to i32
    %cond3A = arith.constant 0 : i32
    %cond3A_2 = arith.cmpi ne, %convert_element_type3A, %cond3A : i32
    scf.if %cond3A_2 {
      "tpu.region"() ({
        %run_scoped3A = tpu.sem_alloc : memref<!tpu.dma_semaphore, #tpu.memory_space<semaphore_mem>>
        tpu.enqueue_dma source(%arg2 : memref<10000x32xf32, #tpu.memory_space<hbm>>) target(%arg12 : memref<10000x32xf32, #tpu.memory_space<vmem_shared>>) target_semaphore(%run_scoped3A : memref<!tpu.dma_semaphore, #tpu.memory_space<semaphore_mem>>)
        tpu.wait_dma2 semaphore(%run_scoped3A : memref<!tpu.dma_semaphore, #tpu.memory_space<semaphore_mem>>) src(%arg2 : memref<10000x32xf32, #tpu.memory_space<hbm>>) dst(%arg12 : memref<10000x32xf32, #tpu.memory_space<vmem_shared>>)
        tpu.yield
      }) : () -> ()
    } else {
    }
    %barrier3A = arith.constant 0 : index
    tpu.barrier barrier_id(%barrier3A)
    "tpu.region"() ({
      %run_scoped3A = tpu.sem_alloc : memref<!tpu.dma_semaphore, #tpu.memory_space<semaphore_mem>>
      %dma_start3A_68 = arith.constant 0 : i32
      %dma_start3A_69 = arith.constant 0 : i32
      %dma_start3A_70 = tpu.memref_slice %arg3[%add3A, %dma_start3A_68, %dma_start3A_69] : memref<32x20x500xi32, #tpu.memory_space<hbm>> -> memref<1x20x500xi32, #tpu.memory_space<hbm>>
      %dma_start3A_71 = tpu.memref_squeeze %dma_start3A_70 : memref<1x20x500xi32, #tpu.memory_space<hbm>> -> memref<20x500xi32, #tpu.memory_space<hbm>>
      %dma_start3A_72 = arith.constant 0 : i32
      %dma_start3A_73 = arith.constant 0 : i32
      %dma_start3A_74 = tpu.memref_slice %arg3[%add3A, %dma_start3A_72, %dma_start3A_73] : memref<32x20x500xi32, #tpu.memory_space<hbm>> -> memref<1x20x500xi32, #tpu.memory_space<hbm>>
      %dma_start3A_75 = tpu.memref_squeeze %dma_start3A_74 : memref<1x20x500xi32, #tpu.memory_space<hbm>> -> memref<20x500xi32, #tpu.memory_space<hbm>>
      tpu.enqueue_dma source(%dma_start3A_75 : memref<20x500xi32, #tpu.memory_space<hbm>>) target(%arg6 : memref<20x500xi32, #tpu.memory_space<vmem>>) target_semaphore(%run_scoped3A : memref<!tpu.dma_semaphore, #tpu.memory_space<semaphore_mem>>)
      %dma_wait3A_76 = arith.constant 0 : i32
      %dma_wait3A_77 = arith.constant 0 : i32
      %dma_wait3A_78 = tpu.memref_slice %arg3[%add3A, %dma_wait3A_76, %dma_wait3A_77] : memref<32x20x500xi32, #tpu.memory_space<hbm>> -> memref<1x20x500xi32, #tpu.memory_space<hbm>>
      %dma_wait3A_79 = tpu.memref_squeeze %dma_wait3A_78 : memref<1x20x500xi32, #tpu.memory_space<hbm>> -> memref<20x500xi32, #tpu.memory_space<hbm>>
      %dma_wait3A_80 = arith.constant 0 : i32
      %dma_wait3A_81 = arith.constant 0 : i32
      %dma_wait3A_82 = tpu.memref_slice %arg3[%add3A, %dma_wait3A_80, %dma_wait3A_81] : memref<32x20x500xi32, #tpu.memory_space<hbm>> -> memref<1x20x500xi32, #tpu.memory_space<hbm>>
      %dma_wait3A_83 = tpu.memref_squeeze %dma_wait3A_82 : memref<1x20x500xi32, #tpu.memory_space<hbm>> -> memref<20x500xi32, #tpu.memory_space<hbm>>
      tpu.wait_dma2 semaphore(%run_scoped3A : memref<!tpu.dma_semaphore, #tpu.memory_space<semaphore_mem>>) src(%dma_wait3A_83 : memref<20x500xi32, #tpu.memory_space<hbm>>) dst(%arg6 : memref<20x500xi32, #tpu.memory_space<vmem>>)
      tpu.yield
    }) : () -> ()
    "tpu.region"() ({
      %run_scoped3A = tpu.sem_alloc : memref<!tpu.dma_semaphore, #tpu.memory_space<semaphore_mem>>
      %dma_start3A_68 = arith.constant 0 : i32
      %dma_start3A_69 = arith.constant 0 : i32
      %dma_start3A_70 = tpu.memref_slice %arg4[%add3A, %dma_start3A_68, %dma_start3A_69] : memref<32x20x500xi32, #tpu.memory_space<hbm>> -> memref<1x20x500xi32, #tpu.memory_space<hbm>>
      %dma_start3A_71 = tpu.memref_squeeze %dma_start3A_70 : memref<1x20x500xi32, #tpu.memory_space<hbm>> -> memref<20x500xi32, #tpu.memory_space<hbm>>
      %dma_start3A_72 = arith.constant 0 : i32
      %dma_start3A_73 = arith.constant 0 : i32
      %dma_start3A_74 = tpu.memref_slice %arg4[%add3A, %dma_start3A_72, %dma_start3A_73] : memref<32x20x500xi32, #tpu.memory_space<hbm>> -> memref<1x20x500xi32, #tpu.memory_space<hbm>>
      %dma_start3A_75 = tpu.memref_squeeze %dma_start3A_74 : memref<1x20x500xi32, #tpu.memory_space<hbm>> -> memref<20x500xi32, #tpu.memory_space<hbm>>
      tpu.enqueue_dma source(%dma_start3A_75 : memref<20x500xi32, #tpu.memory_space<hbm>>) target(%arg7 : memref<20x500xi32, #tpu.memory_space<vmem>>) target_semaphore(%run_scoped3A : memref<!tpu.dma_semaphore, #tpu.memory_space<semaphore_mem>>)
      %dma_wait3A_76 = arith.constant 0 : i32
      %dma_wait3A_77 = arith.constant 0 : i32
      %dma_wait3A_78 = tpu.memref_slice %arg4[%add3A, %dma_wait3A_76, %dma_wait3A_77] : memref<32x20x500xi32, #tpu.memory_space<hbm>> -> memref<1x20x500xi32, #tpu.memory_space<hbm>>
      %dma_wait3A_79 = tpu.memref_squeeze %dma_wait3A_78 : memref<1x20x500xi32, #tpu.memory_space<hbm>> -> memref<20x500xi32, #tpu.memory_space<hbm>>
      %dma_wait3A_80 = arith.constant 0 : i32
      %dma_wait3A_81 = arith.constant 0 : i32
      %dma_wait3A_82 = tpu.memref_slice %arg4[%add3A, %dma_wait3A_80, %dma_wait3A_81] : memref<32x20x500xi32, #tpu.memory_space<hbm>> -> memref<1x20x500xi32, #tpu.memory_space<hbm>>
      %dma_wait3A_83 = tpu.memref_squeeze %dma_wait3A_82 : memref<1x20x500xi32, #tpu.memory_space<hbm>> -> memref<20x500xi32, #tpu.memory_space<hbm>>
      tpu.wait_dma2 semaphore(%run_scoped3A : memref<!tpu.dma_semaphore, #tpu.memory_space<semaphore_mem>>) src(%dma_wait3A_83 : memref<20x500xi32, #tpu.memory_space<hbm>>) dst(%arg7 : memref<20x500xi32, #tpu.memory_space<vmem>>)
      tpu.yield
    }) : () -> ()
    %dma_start3A = arith.constant 0 : i32
    %dma_start3A_3 = arith.constant 0 : i32
    %dma_start3A_4 = tpu.memref_slice %arg6[%dma_start3A, %dma_start3A_3] : memref<20x500xi32, #tpu.memory_space<vmem>> -> memref<1x500xi32, #tpu.memory_space<vmem>>
    %dma_start3A_5 = tpu.memref_squeeze %dma_start3A_4 : memref<1x500xi32, #tpu.memory_space<vmem>> -> memref<500xi32, #tpu.memory_space<vmem>>
    %dma_start3A_6 = arith.constant 0 : i32
    %dma_start3A_7 = arith.constant 0 : i32
    %dma_start3A_8 = tpu.memref_slice %arg2[%dma_start3A_6, %dma_start3A_7] : memref<10000x32xf32, #tpu.memory_space<hbm>> -> memref<10000x32xf32, #tpu.memory_space<hbm>>
    tpu.enqueue_indirect_dma source(%dma_start3A_8 : memref<10000x32xf32, #tpu.memory_space<hbm>>) target(%arg8 : memref<500x32xf32, #tpu.memory_space<vmem>>) offsets(%dma_start3A_5 : memref<500xi32, #tpu.memory_space<vmem>>) semaphore(%arg13 : memref<!tpu.dma_semaphore, #tpu.memory_space<semaphore_mem>>)
    %dma_start3A_9 = arith.constant 1 : i32
    %dma_start3A_10 = arith.constant 0 : i32
    %dma_start3A_11 = tpu.memref_slice %arg6[%dma_start3A_9, %dma_start3A_10] : memref<20x500xi32, #tpu.memory_space<vmem>> -> memref<1x500xi32, #tpu.memory_space<vmem>>
    %dma_start3A_12 = tpu.memref_squeeze %dma_start3A_11 : memref<1x500xi32, #tpu.memory_space<vmem>> -> memref<500xi32, #tpu.memory_space<vmem>>
    %dma_start3A_13 = arith.constant 0 : i32
    %dma_start3A_14 = arith.constant 0 : i32
    %dma_start3A_15 = tpu.memref_slice %arg2[%dma_start3A_13, %dma_start3A_14] : memref<10000x32xf32, #tpu.memory_space<hbm>> -> memref<10000x32xf32, #tpu.memory_space<hbm>>
    tpu.enqueue_indirect_dma source(%dma_start3A_15 : memref<10000x32xf32, #tpu.memory_space<hbm>>) target(%arg9 : memref<500x32xf32, #tpu.memory_space<vmem>>) offsets(%dma_start3A_12 : memref<500xi32, #tpu.memory_space<vmem>>) semaphore(%arg14 : memref<!tpu.dma_semaphore, #tpu.memory_space<semaphore_mem>>)
    %dma_start3A_16 = arith.constant 2 : i32
    %dma_start3A_17 = arith.constant 0 : i32
    %dma_start3A_18 = tpu.memref_slice %arg6[%dma_start3A_16, %dma_start3A_17] : memref<20x500xi32, #tpu.memory_space<vmem>> -> memref<1x500xi32, #tpu.memory_space<vmem>>
    %dma_start3A_19 = tpu.memref_squeeze %dma_start3A_18 : memref<1x500xi32, #tpu.memory_space<vmem>> -> memref<500xi32, #tpu.memory_space<vmem>>
    %dma_start3A_20 = arith.constant 0 : i32
    %dma_start3A_21 = arith.constant 0 : i32
    %dma_start3A_22 = tpu.memref_slice %arg2[%dma_start3A_20, %dma_start3A_21] : memref<10000x32xf32, #tpu.memory_space<hbm>> -> memref<10000x32xf32, #tpu.memory_space<hbm>>
    tpu.enqueue_indirect_dma source(%dma_start3A_22 : memref<10000x32xf32, #tpu.memory_space<hbm>>) target(%arg10 : memref<500x32xf32, #tpu.memory_space<vmem>>) offsets(%dma_start3A_19 : memref<500xi32, #tpu.memory_space<vmem>>) semaphore(%arg15 : memref<!tpu.dma_semaphore, #tpu.memory_space<semaphore_mem>>)
    %dma_start3A_23 = arith.constant 3 : i32
    %dma_start3A_24 = arith.constant 0 : i32
    %dma_start3A_25 = tpu.memref_slice %arg6[%dma_start3A_23, %dma_start3A_24] : memref<20x500xi32, #tpu.memory_space<vmem>> -> memref<1x500xi32, #tpu.memory_space<vmem>>
    %dma_start3A_26 = tpu.memref_squeeze %dma_start3A_25 : memref<1x500xi32, #tpu.memory_space<vmem>> -> memref<500xi32, #tpu.memory_space<vmem>>
    %dma_start3A_27 = arith.constant 0 : i32
    %dma_start3A_28 = arith.constant 0 : i32
    %dma_start3A_29 = tpu.memref_slice %arg2[%dma_start3A_27, %dma_start3A_28] : memref<10000x32xf32, #tpu.memory_space<hbm>> -> memref<10000x32xf32, #tpu.memory_space<hbm>>
    tpu.enqueue_indirect_dma source(%dma_start3A_29 : memref<10000x32xf32, #tpu.memory_space<hbm>>) target(%arg11 : memref<500x32xf32, #tpu.memory_space<vmem>>) offsets(%dma_start3A_26 : memref<500xi32, #tpu.memory_space<vmem>>) semaphore(%arg16 : memref<!tpu.dma_semaphore, #tpu.memory_space<semaphore_mem>>)
    %scan3A = arith.constant 0 : i32
    %scan3A_30 = arith.constant 0 : i32
    %scan3A_31 = arith.constant 5 : i32
    %scan3A_32 = arith.addi %scan3A_30, %scan3A_31 : i32
    %scan3A_33 = arith.constant 1 : i32
    scf.for %scan3A_68 = %scan3A_30 to %scan3A_32 step %scan3A_33  : i32 {
      %mul3A_69 = arith.constant 4 : i32
      %mul3A_70 = arith.muli %mul3A_69, %scan3A_68 : i32
      %add3A_71 = arith.constant 0 : i32
      %add3A_72 = arith.addi %mul3A_70, %add3A_71 : i32
      %dma_wait3A_73 = arith.constant 0 : i32
      %dma_wait3A_74 = tpu.memref_slice %arg6[%add3A_72, %dma_wait3A_73] : memref<20x500xi32, #tpu.memory_space<vmem>> -> memref<1x500xi32, #tpu.memory_space<vmem>>
      %dma_wait3A_75 = tpu.memref_squeeze %dma_wait3A_74 : memref<1x500xi32, #tpu.memory_space<vmem>> -> memref<500xi32, #tpu.memory_space<vmem>>
      %dma_wait3A_76 = arith.constant 0 : i32
      %dma_wait3A_77 = arith.constant 0 : i32
      %dma_wait3A_78 = tpu.memref_slice %arg2[%dma_wait3A_76, %dma_wait3A_77] : memref<10000x32xf32, #tpu.memory_space<hbm>> -> memref<10000x32xf32, #tpu.memory_space<hbm>>
      tpu.wait_indirect_dma semaphore(%arg13 : memref<!tpu.dma_semaphore, #tpu.memory_space<semaphore_mem>>) src(%dma_wait3A_78 : memref<10000x32xf32, #tpu.memory_space<hbm>>) dst(%arg8 : memref<500x32xf32, #tpu.memory_space<vmem>>)
      %add3A_79 = arith.constant 0 : i32
      %add3A_80 = arith.addi %mul3A_70, %add3A_79 : i32
      %dma_start3A_81 = arith.constant 0 : i32
      %dma_start3A_82 = tpu.memref_slice %arg7[%add3A_80, %dma_start3A_81] : memref<20x500xi32, #tpu.memory_space<vmem>> -> memref<1x500xi32, #tpu.memory_space<vmem>>
      %dma_start3A_83 = tpu.memref_squeeze %dma_start3A_82 : memref<1x500xi32, #tpu.memory_space<vmem>> -> memref<500xi32, #tpu.memory_space<vmem>>
      %dma_start3A_84 = arith.constant 0 : i32
      %dma_start3A_85 = arith.constant 0 : i32
      %dma_start3A_86 = tpu.memref_slice %arg12[%dma_start3A_84, %dma_start3A_85] : memref<10000x32xf32, #tpu.memory_space<vmem_shared>> -> memref<10000x32xf32, #tpu.memory_space<vmem_shared>>
      tpu.enqueue_indirect_dma source(%arg8 : memref<500x32xf32, #tpu.memory_space<vmem>>) target(%dma_start3A_86 : memref<10000x32xf32, #tpu.memory_space<vmem_shared>>) offsets(%dma_start3A_83 : memref<500xi32, #tpu.memory_space<vmem>>) semaphore(%arg17 : memref<!tpu.dma_semaphore, #tpu.memory_space<semaphore_mem>>) {add = true}
      %add3A_87 = arith.constant 1 : i32
      %add3A_88 = arith.addi %mul3A_70, %add3A_87 : i32
      %dma_wait3A_89 = arith.constant 0 : i32
      %dma_wait3A_90 = tpu.memref_slice %arg6[%add3A_88, %dma_wait3A_89] : memref<20x500xi32, #tpu.memory_space<vmem>> -> memref<1x500xi32, #tpu.memory_space<vmem>>
      %dma_wait3A_91 = tpu.memref_squeeze %dma_wait3A_90 : memref<1x500xi32, #tpu.memory_space<vmem>> -> memref<500xi32, #tpu.memory_space<vmem>>
      %dma_wait3A_92 = arith.constant 0 : i32
      %dma_wait3A_93 = arith.constant 0 : i32
      %dma_wait3A_94 = tpu.memref_slice %arg2[%dma_wait3A_92, %dma_wait3A_93] : memref<10000x32xf32, #tpu.memory_space<hbm>> -> memref<10000x32xf32, #tpu.memory_space<hbm>>
      tpu.wait_indirect_dma semaphore(%arg14 : memref<!tpu.dma_semaphore, #tpu.memory_space<semaphore_mem>>) src(%dma_wait3A_94 : memref<10000x32xf32, #tpu.memory_space<hbm>>) dst(%arg9 : memref<500x32xf32, #tpu.memory_space<vmem>>)
      %add3A_95 = arith.constant 1 : i32
      %add3A_96 = arith.addi %mul3A_70, %add3A_95 : i32
      %dma_start3A_97 = arith.constant 0 : i32
      %dma_start3A_98 = tpu.memref_slice %arg7[%add3A_96, %dma_start3A_97] : memref<20x500xi32, #tpu.memory_space<vmem>> -> memref<1x500xi32, #tpu.memory_space<vmem>>
      %dma_start3A_99 = tpu.memref_squeeze %dma_start3A_98 : memref<1x500xi32, #tpu.memory_space<vmem>> -> memref<500xi32, #tpu.memory_space<vmem>>
      %dma_start3A_100 = arith.constant 0 : i32
      %dma_start3A_101 = arith.constant 0 : i32
      %dma_start3A_102 = tpu.memref_slice %arg12[%dma_start3A_100, %dma_start3A_101] : memref<10000x32xf32, #tpu.memory_space<vmem_shared>> -> memref<10000x32xf32, #tpu.memory_space<vmem_shared>>
      tpu.enqueue_indirect_dma source(%arg9 : memref<500x32xf32, #tpu.memory_space<vmem>>) target(%dma_start3A_102 : memref<10000x32xf32, #tpu.memory_space<vmem_shared>>) offsets(%dma_start3A_99 : memref<500xi32, #tpu.memory_space<vmem>>) semaphore(%arg18 : memref<!tpu.dma_semaphore, #tpu.memory_space<semaphore_mem>>) {add = true}
      %add3A_103 = arith.constant 2 : i32
      %add3A_104 = arith.addi %mul3A_70, %add3A_103 : i32
      %dma_wait3A_105 = arith.constant 0 : i32
      %dma_wait3A_106 = tpu.memref_slice %arg6[%add3A_104, %dma_wait3A_105] : memref<20x500xi32, #tpu.memory_space<vmem>> -> memref<1x500xi32, #tpu.memory_space<vmem>>
      %dma_wait3A_107 = tpu.memref_squeeze %dma_wait3A_106 : memref<1x500xi32, #tpu.memory_space<vmem>> -> memref<500xi32, #tpu.memory_space<vmem>>
      %dma_wait3A_108 = arith.constant 0 : i32
      %dma_wait3A_109 = arith.constant 0 : i32
      %dma_wait3A_110 = tpu.memref_slice %arg2[%dma_wait3A_108, %dma_wait3A_109] : memref<10000x32xf32, #tpu.memory_space<hbm>> -> memref<10000x32xf32, #tpu.memory_space<hbm>>
      tpu.wait_indirect_dma semaphore(%arg15 : memref<!tpu.dma_semaphore, #tpu.memory_space<semaphore_mem>>) src(%dma_wait3A_110 : memref<10000x32xf32, #tpu.memory_space<hbm>>) dst(%arg10 : memref<500x32xf32, #tpu.memory_space<vmem>>)
      %add3A_111 = arith.constant 2 : i32
      %add3A_112 = arith.addi %mul3A_70, %add3A_111 : i32
      %dma_start3A_113 = arith.constant 0 : i32
      %dma_start3A_114 = tpu.memref_slice %arg7[%add3A_112, %dma_start3A_113] : memref<20x500xi32, #tpu.memory_space<vmem>> -> memref<1x500xi32, #tpu.memory_space<vmem>>
      %dma_start3A_115 = tpu.memref_squeeze %dma_start3A_114 : memref<1x500xi32, #tpu.memory_space<vmem>> -> memref<500xi32, #tpu.memory_space<vmem>>
      %dma_start3A_116 = arith.constant 0 : i32
      %dma_start3A_117 = arith.constant 0 : i32
      %dma_start3A_118 = tpu.memref_slice %arg12[%dma_start3A_116, %dma_start3A_117] : memref<10000x32xf32, #tpu.memory_space<vmem_shared>> -> memref<10000x32xf32, #tpu.memory_space<vmem_shared>>
      tpu.enqueue_indirect_dma source(%arg10 : memref<500x32xf32, #tpu.memory_space<vmem>>) target(%dma_start3A_118 : memref<10000x32xf32, #tpu.memory_space<vmem_shared>>) offsets(%dma_start3A_115 : memref<500xi32, #tpu.memory_space<vmem>>) semaphore(%arg19 : memref<!tpu.dma_semaphore, #tpu.memory_space<semaphore_mem>>) {add = true}
      %add3A_119 = arith.constant 3 : i32
      %add3A_120 = arith.addi %mul3A_70, %add3A_119 : i32
      %dma_wait3A_121 = arith.constant 0 : i32
      %dma_wait3A_122 = tpu.memref_slice %arg6[%add3A_120, %dma_wait3A_121] : memref<20x500xi32, #tpu.memory_space<vmem>> -> memref<1x500xi32, #tpu.memory_space<vmem>>
      %dma_wait3A_123 = tpu.memref_squeeze %dma_wait3A_122 : memref<1x500xi32, #tpu.memory_space<vmem>> -> memref<500xi32, #tpu.memory_space<vmem>>
      %dma_wait3A_124 = arith.constant 0 : i32
      %dma_wait3A_125 = arith.constant 0 : i32
      %dma_wait3A_126 = tpu.memref_slice %arg2[%dma_wait3A_124, %dma_wait3A_125] : memref<10000x32xf32, #tpu.memory_space<hbm>> -> memref<10000x32xf32, #tpu.memory_space<hbm>>
      tpu.wait_indirect_dma semaphore(%arg16 : memref<!tpu.dma_semaphore, #tpu.memory_space<semaphore_mem>>) src(%dma_wait3A_126 : memref<10000x32xf32, #tpu.memory_space<hbm>>) dst(%arg11 : memref<500x32xf32, #tpu.memory_space<vmem>>)
      %add3A_127 = arith.constant 3 : i32
      %add3A_128 = arith.addi %mul3A_70, %add3A_127 : i32
      %dma_start3A_129 = arith.constant 0 : i32
      %dma_start3A_130 = tpu.memref_slice %arg7[%add3A_128, %dma_start3A_129] : memref<20x500xi32, #tpu.memory_space<vmem>> -> memref<1x500xi32, #tpu.memory_space<vmem>>
      %dma_start3A_131 = tpu.memref_squeeze %dma_start3A_130 : memref<1x500xi32, #tpu.memory_space<vmem>> -> memref<500xi32, #tpu.memory_space<vmem>>
      %dma_start3A_132 = arith.constant 0 : i32
      %dma_start3A_133 = arith.constant 0 : i32
      %dma_start3A_134 = tpu.memref_slice %arg12[%dma_start3A_132, %dma_start3A_133] : memref<10000x32xf32, #tpu.memory_space<vmem_shared>> -> memref<10000x32xf32, #tpu.memory_space<vmem_shared>>
      tpu.enqueue_indirect_dma source(%arg11 : memref<500x32xf32, #tpu.memory_space<vmem>>) target(%dma_start3A_134 : memref<10000x32xf32, #tpu.memory_space<vmem_shared>>) offsets(%dma_start3A_131 : memref<500xi32, #tpu.memory_space<vmem>>) semaphore(%arg20 : memref<!tpu.dma_semaphore, #tpu.memory_space<semaphore_mem>>) {add = true}
      %lt3A = arith.constant 4 : i32
      %lt3A_135 = arith.cmpi slt, %scan3A_68, %lt3A : i32
      %convert_element_type3A_136 = arith.extui %lt3A_135 : i1 to i32
      %cond3A_137 = arith.constant 0 : i32
      %cond3A_138 = arith.cmpi ne, %convert_element_type3A_136, %cond3A_137 : i32
      scf.if %cond3A_138 {
        %add3A_139 = arith.constant 0 : i32
        %add3A_140 = arith.addi %mul3A_70, %add3A_139 : i32
        %dma_wait3A_141 = arith.constant 0 : i32
        %dma_wait3A_142 = tpu.memref_slice %arg7[%add3A_140, %dma_wait3A_141] : memref<20x500xi32, #tpu.memory_space<vmem>> -> memref<1x500xi32, #tpu.memory_space<vmem>>
        %dma_wait3A_143 = tpu.memref_squeeze %dma_wait3A_142 : memref<1x500xi32, #tpu.memory_space<vmem>> -> memref<500xi32, #tpu.memory_space<vmem>>
        %dma_wait3A_144 = arith.constant 0 : i32
        %dma_wait3A_145 = arith.constant 0 : i32
        %dma_wait3A_146 = tpu.memref_slice %arg12[%dma_wait3A_144, %dma_wait3A_145] : memref<10000x32xf32, #tpu.memory_space<vmem_shared>> -> memref<10000x32xf32, #tpu.memory_space<vmem_shared>>
        tpu.wait_indirect_dma semaphore(%arg17 : memref<!tpu.dma_semaphore, #tpu.memory_space<semaphore_mem>>) src(%arg8 : memref<500x32xf32, #tpu.memory_space<vmem>>) dst(%dma_wait3A_146 : memref<10000x32xf32, #tpu.memory_space<vmem_shared>>)
        %add3A_147 = arith.constant 4 : i32
        %add3A_148 = arith.addi %mul3A_70, %add3A_147 : i32
        %add3A_149 = arith.constant 0 : i32
        %add3A_150 = arith.addi %add3A_148, %add3A_149 : i32
        %dma_start3A_151 = arith.constant 0 : i32
        %dma_start3A_152 = tpu.memref_slice %arg6[%add3A_150, %dma_start3A_151] : memref<20x500xi32, #tpu.memory_space<vmem>> -> memref<1x500xi32, #tpu.memory_space<vmem>>
        %dma_start3A_153 = tpu.memref_squeeze %dma_start3A_152 : memref<1x500xi32, #tpu.memory_space<vmem>> -> memref<500xi32, #tpu.memory_space<vmem>>
        %dma_start3A_154 = arith.constant 0 : i32
        %dma_start3A_155 = arith.constant 0 : i32
        %dma_start3A_156 = tpu.memref_slice %arg2[%dma_start3A_154, %dma_start3A_155] : memref<10000x32xf32, #tpu.memory_space<hbm>> -> memref<10000x32xf32, #tpu.memory_space<hbm>>
        tpu.enqueue_indirect_dma source(%dma_start3A_156 : memref<10000x32xf32, #tpu.memory_space<hbm>>) target(%arg8 : memref<500x32xf32, #tpu.memory_space<vmem>>) offsets(%dma_start3A_153 : memref<500xi32, #tpu.memory_space<vmem>>) semaphore(%arg13 : memref<!tpu.dma_semaphore, #tpu.memory_space<semaphore_mem>>)
        %add3A_157 = arith.constant 1 : i32
        %add3A_158 = arith.addi %mul3A_70, %add3A_157 : i32
        %dma_wait3A_159 = arith.constant 0 : i32
        %dma_wait3A_160 = tpu.memref_slice %arg7[%add3A_158, %dma_wait3A_159] : memref<20x500xi32, #tpu.memory_space<vmem>> -> memref<1x500xi32, #tpu.memory_space<vmem>>
        %dma_wait3A_161 = tpu.memref_squeeze %dma_wait3A_160 : memref<1x500xi32, #tpu.memory_space<vmem>> -> memref<500xi32, #tpu.memory_space<vmem>>
        %dma_wait3A_162 = arith.constant 0 : i32
        %dma_wait3A_163 = arith.constant 0 : i32
        %dma_wait3A_164 = tpu.memref_slice %arg12[%dma_wait3A_162, %dma_wait3A_163] : memref<10000x32xf32, #tpu.memory_space<vmem_shared>> -> memref<10000x32xf32, #tpu.memory_space<vmem_shared>>
        tpu.wait_indirect_dma semaphore(%arg18 : memref<!tpu.dma_semaphore, #tpu.memory_space<semaphore_mem>>) src(%arg9 : memref<500x32xf32, #tpu.memory_space<vmem>>) dst(%dma_wait3A_164 : memref<10000x32xf32, #tpu.memory_space<vmem_shared>>)
        %add3A_165 = arith.constant 4 : i32
        %add3A_166 = arith.addi %mul3A_70, %add3A_165 : i32
        %add3A_167 = arith.constant 1 : i32
        %add3A_168 = arith.addi %add3A_166, %add3A_167 : i32
        %dma_start3A_169 = arith.constant 0 : i32
        %dma_start3A_170 = tpu.memref_slice %arg6[%add3A_168, %dma_start3A_169] : memref<20x500xi32, #tpu.memory_space<vmem>> -> memref<1x500xi32, #tpu.memory_space<vmem>>
        %dma_start3A_171 = tpu.memref_squeeze %dma_start3A_170 : memref<1x500xi32, #tpu.memory_space<vmem>> -> memref<500xi32, #tpu.memory_space<vmem>>
        %dma_start3A_172 = arith.constant 0 : i32
        %dma_start3A_173 = arith.constant 0 : i32
        %dma_start3A_174 = tpu.memref_slice %arg2[%dma_start3A_172, %dma_start3A_173] : memref<10000x32xf32, #tpu.memory_space<hbm>> -> memref<10000x32xf32, #tpu.memory_space<hbm>>
        tpu.enqueue_indirect_dma source(%dma_start3A_174 : memref<10000x32xf32, #tpu.memory_space<hbm>>) target(%arg9 : memref<500x32xf32, #tpu.memory_space<vmem>>) offsets(%dma_start3A_171 : memref<500xi32, #tpu.memory_space<vmem>>) semaphore(%arg14 : memref<!tpu.dma_semaphore, #tpu.memory_space<semaphore_mem>>)
        %add3A_175 = arith.constant 2 : i32
        %add3A_176 = arith.addi %mul3A_70, %add3A_175 : i32
        %dma_wait3A_177 = arith.constant 0 : i32
        %dma_wait3A_178 = tpu.memref_slice %arg7[%add3A_176, %dma_wait3A_177] : memref<20x500xi32, #tpu.memory_space<vmem>> -> memref<1x500xi32, #tpu.memory_space<vmem>>
        %dma_wait3A_179 = tpu.memref_squeeze %dma_wait3A_178 : memref<1x500xi32, #tpu.memory_space<vmem>> -> memref<500xi32, #tpu.memory_space<vmem>>
        %dma_wait3A_180 = arith.constant 0 : i32
        %dma_wait3A_181 = arith.constant 0 : i32
        %dma_wait3A_182 = tpu.memref_slice %arg12[%dma_wait3A_180, %dma_wait3A_181] : memref<10000x32xf32, #tpu.memory_space<vmem_shared>> -> memref<10000x32xf32, #tpu.memory_space<vmem_shared>>
        tpu.wait_indirect_dma semaphore(%arg19 : memref<!tpu.dma_semaphore, #tpu.memory_space<semaphore_mem>>) src(%arg10 : memref<500x32xf32, #tpu.memory_space<vmem>>) dst(%dma_wait3A_182 : memref<10000x32xf32, #tpu.memory_space<vmem_shared>>)
        %add3A_183 = arith.constant 4 : i32
        %add3A_184 = arith.addi %mul3A_70, %add3A_183 : i32
        %add3A_185 = arith.constant 2 : i32
        %add3A_186 = arith.addi %add3A_184, %add3A_185 : i32
        %dma_start3A_187 = arith.constant 0 : i32
        %dma_start3A_188 = tpu.memref_slice %arg6[%add3A_186, %dma_start3A_187] : memref<20x500xi32, #tpu.memory_space<vmem>> -> memref<1x500xi32, #tpu.memory_space<vmem>>
        %dma_start3A_189 = tpu.memref_squeeze %dma_start3A_188 : memref<1x500xi32, #tpu.memory_space<vmem>> -> memref<500xi32, #tpu.memory_space<vmem>>
        %dma_start3A_190 = arith.constant 0 : i32
        %dma_start3A_191 = arith.constant 0 : i32
        %dma_start3A_192 = tpu.memref_slice %arg2[%dma_start3A_190, %dma_start3A_191] : memref<10000x32xf32, #tpu.memory_space<hbm>> -> memref<10000x32xf32, #tpu.memory_space<hbm>>
        tpu.enqueue_indirect_dma source(%dma_start3A_192 : memref<10000x32xf32, #tpu.memory_space<hbm>>) target(%arg10 : memref<500x32xf32, #tpu.memory_space<vmem>>) offsets(%dma_start3A_189 : memref<500xi32, #tpu.memory_space<vmem>>) semaphore(%arg15 : memref<!tpu.dma_semaphore, #tpu.memory_space<semaphore_mem>>)
        %add3A_193 = arith.constant 3 : i32
        %add3A_194 = arith.addi %mul3A_70, %add3A_193 : i32
        %dma_wait3A_195 = arith.constant 0 : i32
        %dma_wait3A_196 = tpu.memref_slice %arg7[%add3A_194, %dma_wait3A_195] : memref<20x500xi32, #tpu.memory_space<vmem>> -> memref<1x500xi32, #tpu.memory_space<vmem>>
        %dma_wait3A_197 = tpu.memref_squeeze %dma_wait3A_196 : memref<1x500xi32, #tpu.memory_space<vmem>> -> memref<500xi32, #tpu.memory_space<vmem>>
        %dma_wait3A_198 = arith.constant 0 : i32
        %dma_wait3A_199 = arith.constant 0 : i32
        %dma_wait3A_200 = tpu.memref_slice %arg12[%dma_wait3A_198, %dma_wait3A_199] : memref<10000x32xf32, #tpu.memory_space<vmem_shared>> -> memref<10000x32xf32, #tpu.memory_space<vmem_shared>>
        tpu.wait_indirect_dma semaphore(%arg20 : memref<!tpu.dma_semaphore, #tpu.memory_space<semaphore_mem>>) src(%arg11 : memref<500x32xf32, #tpu.memory_space<vmem>>) dst(%dma_wait3A_200 : memref<10000x32xf32, #tpu.memory_space<vmem_shared>>)
        %add3A_201 = arith.constant 4 : i32
        %add3A_202 = arith.addi %mul3A_70, %add3A_201 : i32
        %add3A_203 = arith.constant 3 : i32
        %add3A_204 = arith.addi %add3A_202, %add3A_203 : i32
        %dma_start3A_205 = arith.constant 0 : i32
        %dma_start3A_206 = tpu.memref_slice %arg6[%add3A_204, %dma_start3A_205] : memref<20x500xi32, #tpu.memory_space<vmem>> -> memref<1x500xi32, #tpu.memory_space<vmem>>
        %dma_start3A_207 = tpu.memref_squeeze %dma_start3A_206 : memref<1x500xi32, #tpu.memory_space<vmem>> -> memref<500xi32, #tpu.memory_space<vmem>>
        %dma_start3A_208 = arith.constant 0 : i32
        %dma_start3A_209 = arith.constant 0 : i32
        %dma_start3A_210 = tpu.memref_slice %arg2[%dma_start3A_208, %dma_start3A_209] : memref<10000x32xf32, #tpu.memory_space<hbm>> -> memref<10000x32xf32, #tpu.memory_space<hbm>>
        tpu.enqueue_indirect_dma source(%dma_start3A_210 : memref<10000x32xf32, #tpu.memory_space<hbm>>) target(%arg11 : memref<500x32xf32, #tpu.memory_space<vmem>>) offsets(%dma_start3A_207 : memref<500xi32, #tpu.memory_space<vmem>>) semaphore(%arg16 : memref<!tpu.dma_semaphore, #tpu.memory_space<semaphore_mem>>)
      } else {
      }
    }
    %scan3A_34 = arith.constant 5 : i32
    %dma_wait3A = arith.constant 16 : i32
    %dma_wait3A_35 = arith.constant 0 : i32
    %dma_wait3A_36 = tpu.memref_slice %arg7[%dma_wait3A, %dma_wait3A_35] : memref<20x500xi32, #tpu.memory_space<vmem>> -> memref<1x500xi32, #tpu.memory_space<vmem>>
    %dma_wait3A_37 = tpu.memref_squeeze %dma_wait3A_36 : memref<1x500xi32, #tpu.memory_space<vmem>> -> memref<500xi32, #tpu.memory_space<vmem>>
    %dma_wait3A_38 = arith.constant 0 : i32
    %dma_wait3A_39 = arith.constant 0 : i32
    %dma_wait3A_40 = tpu.memref_slice %arg12[%dma_wait3A_38, %dma_wait3A_39] : memref<10000x32xf32, #tpu.memory_space<vmem_shared>> -> memref<10000x32xf32, #tpu.memory_space<vmem_shared>>
    tpu.wait_indirect_dma semaphore(%arg17 : memref<!tpu.dma_semaphore, #tpu.memory_space<semaphore_mem>>) src(%arg8 : memref<500x32xf32, #tpu.memory_space<vmem>>) dst(%dma_wait3A_40 : memref<10000x32xf32, #tpu.memory_space<vmem_shared>>)
    %dma_wait3A_41 = arith.constant 17 : i32
    %dma_wait3A_42 = arith.constant 0 : i32
    %dma_wait3A_43 = tpu.memref_slice %arg7[%dma_wait3A_41, %dma_wait3A_42] : memref<20x500xi32, #tpu.memory_space<vmem>> -> memref<1x500xi32, #tpu.memory_space<vmem>>
    %dma_wait3A_44 = tpu.memref_squeeze %dma_wait3A_43 : memref<1x500xi32, #tpu.memory_space<vmem>> -> memref<500xi32, #tpu.memory_space<vmem>>
    %dma_wait3A_45 = arith.constant 0 : i32
    %dma_wait3A_46 = arith.constant 0 : i32
    %dma_wait3A_47 = tpu.memref_slice %arg12[%dma_wait3A_45, %dma_wait3A_46] : memref<10000x32xf32, #tpu.memory_space<vmem_shared>> -> memref<10000x32xf32, #tpu.memory_space<vmem_shared>>
    tpu.wait_indirect_dma semaphore(%arg18 : memref<!tpu.dma_semaphore, #tpu.memory_space<semaphore_mem>>) src(%arg9 : memref<500x32xf32, #tpu.memory_space<vmem>>) dst(%dma_wait3A_47 : memref<10000x32xf32, #tpu.memory_space<vmem_shared>>)
    %dma_wait3A_48 = arith.constant 18 : i32
    %dma_wait3A_49 = arith.constant 0 : i32
    %dma_wait3A_50 = tpu.memref_slice %arg7[%dma_wait3A_48, %dma_wait3A_49] : memref<20x500xi32, #tpu.memory_space<vmem>> -> memref<1x500xi32, #tpu.memory_space<vmem>>
    %dma_wait3A_51 = tpu.memref_squeeze %dma_wait3A_50 : memref<1x500xi32, #tpu.memory_space<vmem>> -> memref<500xi32, #tpu.memory_space<vmem>>
    %dma_wait3A_52 = arith.constant 0 : i32
    %dma_wait3A_53 = arith.constant 0 : i32
    %dma_wait3A_54 = tpu.memref_slice %arg12[%dma_wait3A_52, %dma_wait3A_53] : memref<10000x32xf32, #tpu.memory_space<vmem_shared>> -> memref<10000x32xf32, #tpu.memory_space<vmem_shared>>
    tpu.wait_indirect_dma semaphore(%arg19 : memref<!tpu.dma_semaphore, #tpu.memory_space<semaphore_mem>>) src(%arg10 : memref<500x32xf32, #tpu.memory_space<vmem>>) dst(%dma_wait3A_54 : memref<10000x32xf32, #tpu.memory_space<vmem_shared>>)
    %dma_wait3A_55 = arith.constant 19 : i32
    %dma_wait3A_56 = arith.constant 0 : i32
    %dma_wait3A_57 = tpu.memref_slice %arg7[%dma_wait3A_55, %dma_wait3A_56] : memref<20x500xi32, #tpu.memory_space<vmem>> -> memref<1x500xi32, #tpu.memory_space<vmem>>
    %dma_wait3A_58 = tpu.memref_squeeze %dma_wait3A_57 : memref<1x500xi32, #tpu.memory_space<vmem>> -> memref<500xi32, #tpu.memory_space<vmem>>
    %dma_wait3A_59 = arith.constant 0 : i32
    %dma_wait3A_60 = arith.constant 0 : i32
    %dma_wait3A_61 = tpu.memref_slice %arg12[%dma_wait3A_59, %dma_wait3A_60] : memref<10000x32xf32, #tpu.memory_space<vmem_shared>> -> memref<10000x32xf32, #tpu.memory_space<vmem_shared>>
    tpu.wait_indirect_dma semaphore(%arg20 : memref<!tpu.dma_semaphore, #tpu.memory_space<semaphore_mem>>) src(%arg11 : memref<500x32xf32, #tpu.memory_space<vmem>>) dst(%dma_wait3A_61 : memref<10000x32xf32, #tpu.memory_space<vmem_shared>>)
    %barrier3A_62 = arith.constant 0 : index
    tpu.barrier barrier_id(%barrier3A_62)
    %eq3A_63 = arith.constant 0 : i32
    %eq3A_64 = arith.cmpi eq, %arg1, %eq3A_63 : i32
    %convert_element_type3A_65 = arith.extui %eq3A_64 : i1 to i32
    %cond3A_66 = arith.constant 0 : i32
    %cond3A_67 = arith.cmpi ne, %convert_element_type3A_65, %cond3A_66 : i32
    scf.if %cond3A_67 {
      "tpu.region"() ({
        %run_scoped3A = tpu.sem_alloc : memref<!tpu.dma_semaphore, #tpu.memory_space<semaphore_mem>>
        %dma_start3A_68 = arith.constant 0 : i32
        %dma_start3A_69 = arith.constant 0 : i32
        %dma_start3A_70 = tpu.memref_slice %arg5[%arg0, %dma_start3A_68, %dma_start3A_69] : memref<2x10000x32xf32, #tpu.memory_space<hbm>> -> memref<1x10000x32xf32, #tpu.memory_space<hbm>>
        %dma_start3A_71 = tpu.memref_squeeze %dma_start3A_70 : memref<1x10000x32xf32, #tpu.memory_space<hbm>> -> memref<10000x32xf32, #tpu.memory_space<hbm>>
        tpu.enqueue_dma source(%arg12 : memref<10000x32xf32, #tpu.memory_space<vmem_shared>>) target(%dma_start3A_71 : memref<10000x32xf32, #tpu.memory_space<hbm>>) target_semaphore(%run_scoped3A : memref<!tpu.dma_semaphore, #tpu.memory_space<semaphore_mem>>)
        %dma_wait3A_72 = arith.constant 0 : i32
        %dma_wait3A_73 = arith.constant 0 : i32
        %dma_wait3A_74 = tpu.memref_slice %arg5[%arg0, %dma_wait3A_72, %dma_wait3A_73] : memref<2x10000x32xf32, #tpu.memory_space<hbm>> -> memref<1x10000x32xf32, #tpu.memory_space<hbm>>
        %dma_wait3A_75 = tpu.memref_squeeze %dma_wait3A_74 : memref<1x10000x32xf32, #tpu.memory_space<hbm>> -> memref<10000x32xf32, #tpu.memory_space<hbm>>
        tpu.wait_dma2 semaphore(%run_scoped3A : memref<!tpu.dma_semaphore, #tpu.memory_space<semaphore_mem>>) src(%arg12 : memref<10000x32xf32, #tpu.memory_space<vmem_shared>>) dst(%dma_wait3A_75 : memref<10000x32xf32, #tpu.memory_space<hbm>>)
        tpu.yield
      }) : () -> ()
    } else {
    }
    return
  }
}

module attributes {stable_mosaic.version = 14 : i64} {
  func.func @_tc_a_body(%arg0: i32, %arg1: memref<10000x128xf32, #tpu.memory_space<vmem>>, %arg2: memref<1x10000x1xi32, #tpu.memory_space<vmem>>, %arg3: memref<10000x1xf32, #tpu.memory_space<vmem>>, %arg4: memref<10000x1xf32, #tpu.memory_space<vmem>>, %arg5: memref<3x4096xf32, #tpu.memory_space<vmem>>, %arg6: memref<4096x32xf32, #tpu.memory_space<vmem>>, %arg7: memref<128x32xf32, #tpu.memory_space<vmem>>, %arg8: memref<10000x32xf32, #tpu.memory_space<vmem>>, %arg9: memref<10000x1xf32, #tpu.memory_space<vmem>>) attributes {dimension_semantics = [#tpu.dimension_semantics<arbitrary>], iteration_bounds = array<i64: 1>, scalar_prefetch = 0 : i64, scratch_operands = 0 : i64, tpu.core_type = #tpu.core_type<tc>, window_params = [{transform_indices = @transform_0, window_bounds = array<i64: 10000, 128>}, {transform_indices = @transform_1, window_bounds = array<i64: 1, 10000, 1>}, {transform_indices = @transform_2, window_bounds = array<i64: 10000, 1>}, {transform_indices = @transform_3, window_bounds = array<i64: 10000, 1>}, {pipeline_mode = #tpu.pipeline_mode<synchronous>, transform_indices = @transform_4, window_bounds = array<i64: 3, 4096>}, {pipeline_mode = #tpu.pipeline_mode<synchronous>, transform_indices = @transform_5, window_bounds = array<i64: 4096, 32>}, {pipeline_mode = #tpu.pipeline_mode<synchronous>, transform_indices = @transform_6, window_bounds = array<i64: 128, 32>}, {transform_indices = @transform_7, window_bounds = array<i64: 10000, 32>}, {transform_indices = @transform_8, window_bounds = array<i64: 10000, 1>}]} {
    %get3A = arith.constant 0 : index
    %get3A_0 = arith.constant 0 : index
    %get3A_1 = vector.load %arg5[%get3A, %get3A_0] : memref<3x4096xf32, #tpu.memory_space<vmem>>, vector<3x4096xf32>
    %get3A_2 = arith.constant 0 : index
    %get3A_3 = arith.constant 0 : index
    %get3A_4 = vector.load %arg6[%get3A_2, %get3A_3] : memref<4096x32xf32, #tpu.memory_space<vmem>>, vector<4096x32xf32>
    %dot_general3A = arith.constant dense<0.000000e+00> : vector<3x32xf32>
    %dot_general3A_5 = tpu.matmul %get3A_1, %get3A_4, %dot_general3A {dimension_numbers = #tpu.dot_dimension_numbers<[1], [0], [0], [1], [0, 0, 1, 1], [], []>, transpose_lhs_hint = false} : vector<3x4096xf32>, vector<4096x32xf32>, vector<3x32xf32> -> vector<3x32xf32>
    %get3A_6 = arith.constant 0 : index
    %get3A_7 = arith.constant 0 : index
    %get3A_8 = arith.constant 0 : index
    %get3A_9 = vector.load %arg2[%get3A_6, %get3A_7, %get3A_8] : memref<1x10000x1xi32, #tpu.memory_space<vmem>>, vector<1x10000x1xi32>
    %get3A_10 = vector.shape_cast %get3A_9 : vector<1x10000x1xi32> to vector<10000x1xi32>
    %slice3A = vector.extract_strided_slice %dot_general3A_5 {offsets = [0, 0], sizes = [1, 32], strides = [1, 1]} : vector<3x32xf32> to vector<1x32xf32>
    %slice3A_11 = vector.extract_strided_slice %dot_general3A_5 {offsets = [1, 0], sizes = [1, 32], strides = [1, 1]} : vector<3x32xf32> to vector<1x32xf32>
    %slice3A_12 = vector.extract_strided_slice %dot_general3A_5 {offsets = [2, 0], sizes = [1, 32], strides = [1, 1]} : vector<3x32xf32> to vector<1x32xf32>
    %eq3A = arith.constant 0 : i32
    %eq3A_13 = vector.broadcast %eq3A : i32 to vector<10000x1xi32>
    %eq3A_14 = arith.cmpi eq, %get3A_10, %eq3A_13 : vector<10000x1xi32>
    %eq3A_15 = arith.constant 1 : i32
    %eq3A_16 = vector.broadcast %eq3A_15 : i32 to vector<10000x1xi32>
    %eq3A_17 = arith.cmpi eq, %get3A_10, %eq3A_16 : vector<10000x1xi32>
    %broadcast_in_dim3A = vector.shape_cast %eq3A_17 : vector<10000x1xi1> to vector<10000x1xi1>
    %broadcast_in_dim3A_18 = vector.broadcast %broadcast_in_dim3A : vector<10000x1xi1> to vector<10000x32xi1>
    %broadcast_in_dim3A_19 = vector.shape_cast %slice3A_11 : vector<1x32xf32> to vector<1x32xf32>
    %broadcast_in_dim3A_20 = vector.broadcast %broadcast_in_dim3A_19 : vector<1x32xf32> to vector<10000x32xf32>
    %broadcast_in_dim3A_21 = vector.shape_cast %slice3A_12 : vector<1x32xf32> to vector<1x32xf32>
    %broadcast_in_dim3A_22 = vector.broadcast %broadcast_in_dim3A_21 : vector<1x32xf32> to vector<10000x32xf32>
    %select_n3A = arith.select %broadcast_in_dim3A_18, %broadcast_in_dim3A_20, %broadcast_in_dim3A_22 : vector<10000x32xi1>, vector<10000x32xf32>
    %broadcast_in_dim3A_23 = vector.shape_cast %eq3A_14 : vector<10000x1xi1> to vector<10000x1xi1>
    %broadcast_in_dim3A_24 = vector.broadcast %broadcast_in_dim3A_23 : vector<10000x1xi1> to vector<10000x32xi1>
    %broadcast_in_dim3A_25 = vector.shape_cast %slice3A : vector<1x32xf32> to vector<1x32xf32>
    %broadcast_in_dim3A_26 = vector.broadcast %broadcast_in_dim3A_25 : vector<1x32xf32> to vector<10000x32xf32>
    %select_n3A_27 = arith.select %broadcast_in_dim3A_24, %broadcast_in_dim3A_26, %select_n3A : vector<10000x32xi1>, vector<10000x32xf32>
    %get3A_28 = arith.constant 0 : index
    %get3A_29 = arith.constant 0 : index
    %get3A_30 = vector.load %arg1[%get3A_28, %get3A_29] : memref<10000x128xf32, #tpu.memory_space<vmem>>, vector<10000x128xf32>
    %get3A_31 = arith.constant 0 : index
    %get3A_32 = arith.constant 0 : index
    %get3A_33 = vector.load %arg7[%get3A_31, %get3A_32] : memref<128x32xf32, #tpu.memory_space<vmem>>, vector<128x32xf32>
    %dot_general3A_34 = arith.constant dense<0.000000e+00> : vector<10000x32xf32>
    %dot_general3A_35 = tpu.matmul %get3A_30, %get3A_33, %dot_general3A_34 {dimension_numbers = #tpu.dot_dimension_numbers<[1], [0], [0], [1], [0, 0, 1, 1], [], []>, transpose_lhs_hint = false} : vector<10000x128xf32>, vector<128x32xf32>, vector<10000x32xf32> -> vector<10000x32xf32>
    %get3A_36 = arith.constant 0 : index
    %get3A_37 = arith.constant 0 : index
    %get3A_38 = vector.load %arg3[%get3A_36, %get3A_37] : memref<10000x1xf32, #tpu.memory_space<vmem>>, vector<10000x1xf32>
    %get3A_39 = arith.constant 0 : index
    %get3A_40 = arith.constant 0 : index
    %get3A_41 = vector.load %arg4[%get3A_39, %get3A_40] : memref<10000x1xf32, #tpu.memory_space<vmem>>, vector<10000x1xf32>
    %add3A = arith.addf %get3A_38, %get3A_41 : vector<10000x1xf32>
    %add3A_42 = arith.constant 1.000000e+00 : f32
    %add3A_43 = vector.broadcast %add3A_42 : f32 to vector<10000x1xf32>
    %add3A_44 = arith.addf %add3A, %add3A_43 : vector<10000x1xf32>
    %rsqrt3A = math.rsqrt %add3A_44 : vector<10000x1xf32>
    %add3A_45 = arith.addf %select_n3A_27, %dot_general3A_35 : vector<10000x32xf32>
    %mul3A = vector.broadcast %rsqrt3A : vector<10000x1xf32> to vector<10000x32xf32>
    %mul3A_46 = arith.mulf %mul3A, %add3A_45 : vector<10000x32xf32>
    %swap3A = arith.constant 0 : index
    %swap3A_47 = arith.constant 0 : index
    %swap3A_48 = vector.load %arg8[%swap3A, %swap3A_47] : memref<10000x32xf32, #tpu.memory_space<vmem>>, vector<10000x32xf32>
    tpu.vector_store %arg8[%swap3A, %swap3A_47], %mul3A_46 {strides = array<i32>} : memref<10000x32xf32, #tpu.memory_space<vmem>>, vector<10000x32xf32>,
    %swap3A_49 = arith.constant 0 : index
    %swap3A_50 = arith.constant 0 : index
    %swap3A_51 = vector.load %arg9[%swap3A_49, %swap3A_50] : memref<10000x1xf32, #tpu.memory_space<vmem>>, vector<10000x1xf32>
    tpu.vector_store %arg9[%swap3A_49, %swap3A_50], %rsqrt3A {strides = array<i32>} : memref<10000x1xf32, #tpu.memory_space<vmem>>, vector<10000x1xf32>,
    return
  }
  func.func @transform_0(%arg0: i32) -> (i32, i32) {
    %c0_i32 = arith.constant 0 : i32
    %c0_i32_0 = arith.constant 0 : i32
    return %arg0, %c0_i32 : i32, i32
  }
  func.func @transform_1(%arg0: i32) -> (i32, i32, i32) {
    %c0_i32 = arith.constant 0 : i32
    %c0_i32_0 = arith.constant 0 : i32
    %c0_i32_1 = arith.constant 0 : i32
    return %arg0, %c0_i32, %c0_i32_0 : i32, i32, i32
  }
  func.func @transform_2(%arg0: i32) -> (i32, i32) {
    %c0_i32 = arith.constant 0 : i32
    %c0_i32_0 = arith.constant 0 : i32
    return %arg0, %c0_i32 : i32, i32
  }
  func.func @transform_3(%arg0: i32) -> (i32, i32) {
    %c0_i32 = arith.constant 0 : i32
    %c0_i32_0 = arith.constant 0 : i32
    return %arg0, %c0_i32 : i32, i32
  }
  func.func @transform_4(%arg0: i32) -> (i32, i32) {
    %c0_i32 = arith.constant 0 : i32
    %c0_i32_0 = arith.constant 0 : i32
    %c0_i32_1 = arith.constant 0 : i32
    return %c0_i32, %c0_i32_0 : i32, i32
  }
  func.func @transform_5(%arg0: i32) -> (i32, i32) {
    %c0_i32 = arith.constant 0 : i32
    %c0_i32_0 = arith.constant 0 : i32
    %c0_i32_1 = arith.constant 0 : i32
    return %c0_i32, %c0_i32_0 : i32, i32
  }
  func.func @transform_6(%arg0: i32) -> (i32, i32) {
    %c0_i32 = arith.constant 0 : i32
    %c0_i32_0 = arith.constant 0 : i32
    %c0_i32_1 = arith.constant 0 : i32
    return %c0_i32, %c0_i32_0 : i32, i32
  }
  func.func @transform_7(%arg0: i32) -> (i32, i32) {
    %c0_i32 = arith.constant 0 : i32
    %c0_i32_0 = arith.constant 0 : i32
    return %arg0, %c0_i32 : i32, i32
  }
  func.func @transform_8(%arg0: i32) -> (i32, i32) {
    %c0_i32 = arith.constant 0 : i32
    %c0_i32_0 = arith.constant 0 : i32
    return %arg0, %c0_i32 : i32, i32
  }
}

module attributes {stable_mosaic.version = 14 : i64} {
  func.func @_tc_b_body(%arg0: i32, %arg1: memref<10000x32xf32, #tpu.memory_space<vmem>>, %arg2: memref<10000x32xf32, #tpu.memory_space<vmem>>, %arg3: memref<10000x32xf32, #tpu.memory_space<vmem>>, %arg4: memref<10000x1xf32, #tpu.memory_space<vmem>>, %arg5: memref<1x32xf32, #tpu.memory_space<vmem>>, %arg6: memref<32x8xf32, #tpu.memory_space<vmem>>, %arg7: memref<8x32xf32, #tpu.memory_space<vmem>>, %arg8: memref<10000x32xf32, #tpu.memory_space<vmem>>) attributes {dimension_semantics = [#tpu.dimension_semantics<arbitrary>], iteration_bounds = array<i64: 1>, scalar_prefetch = 0 : i64, scratch_operands = 0 : i64, tpu.core_type = #tpu.core_type<tc>, window_params = [{transform_indices = @transform_0, window_bounds = array<i64: 10000, 32>}, {transform_indices = @transform_1, window_bounds = array<i64: 10000, 32>}, {transform_indices = @transform_2, window_bounds = array<i64: 10000, 32>}, {transform_indices = @transform_3, window_bounds = array<i64: 10000, 1>}, {pipeline_mode = #tpu.pipeline_mode<synchronous>, transform_indices = @transform_4, window_bounds = array<i64: 1, 32>}, {pipeline_mode = #tpu.pipeline_mode<synchronous>, transform_indices = @transform_5, window_bounds = array<i64: 32, 8>}, {pipeline_mode = #tpu.pipeline_mode<synchronous>, transform_indices = @transform_6, window_bounds = array<i64: 8, 32>}, {transform_indices = @transform_7, window_bounds = array<i64: 10000, 32>}]} {
    %get3A = arith.constant 0 : index
    %get3A_0 = arith.constant 0 : index
    %get3A_1 = vector.load %arg4[%get3A, %get3A_0] : memref<10000x1xf32, #tpu.memory_space<vmem>>, vector<10000x1xf32>
    %get3A_2 = arith.constant 0 : index
    %get3A_3 = arith.constant 0 : index
    %get3A_4 = vector.load %arg1[%get3A_2, %get3A_3] : memref<10000x32xf32, #tpu.memory_space<vmem>>, vector<10000x32xf32>
    %get3A_5 = arith.constant 0 : index
    %get3A_6 = arith.constant 0 : index
    %get3A_7 = vector.load %arg2[%get3A_5, %get3A_6] : memref<10000x32xf32, #tpu.memory_space<vmem>>, vector<10000x32xf32>
    %add3A = arith.addf %get3A_4, %get3A_7 : vector<10000x32xf32>
    %get3A_8 = arith.constant 0 : index
    %get3A_9 = arith.constant 0 : index
    %get3A_10 = vector.load %arg3[%get3A_8, %get3A_9] : memref<10000x32xf32, #tpu.memory_space<vmem>>, vector<10000x32xf32>
    %sub3A = arith.subf %add3A, %get3A_10 : vector<10000x32xf32>
    %mul3A = vector.broadcast %get3A_1 : vector<10000x1xf32> to vector<10000x32xf32>
    %mul3A_11 = arith.mulf %sub3A, %mul3A : vector<10000x32xf32>
    %get3A_12 = arith.constant 0 : index
    %get3A_13 = arith.constant 0 : index
    %get3A_14 = vector.load %arg5[%get3A_12, %get3A_13] : memref<1x32xf32, #tpu.memory_space<vmem>>, vector<1x32xf32>
    %add3A_15 = vector.broadcast %get3A_14 : vector<1x32xf32> to vector<10000x32xf32>
    %add3A_16 = arith.addf %mul3A_11, %add3A_15 : vector<10000x32xf32>
    %get3A_17 = arith.constant 0 : index
    %get3A_18 = arith.constant 0 : index
    %get3A_19 = vector.load %arg6[%get3A_17, %get3A_18] : memref<32x8xf32, #tpu.memory_space<vmem>>, vector<32x8xf32>
    %get3A_20 = arith.constant 0 : index
    %get3A_21 = arith.constant 0 : index
    %get3A_22 = vector.load %arg7[%get3A_20, %get3A_21] : memref<8x32xf32, #tpu.memory_space<vmem>>, vector<8x32xf32>
    %dot_general3A = arith.constant dense<0.000000e+00> : vector<32x32xf32>
    %dot_general3A_23 = tpu.matmul %get3A_19, %get3A_22, %dot_general3A {dimension_numbers = #tpu.dot_dimension_numbers<[1], [0], [0], [1], [0, 0, 1, 1], [], []>, transpose_lhs_hint = false} : vector<32x8xf32>, vector<8x32xf32>, vector<32x32xf32> -> vector<32x32xf32>
    %mul3A_24 = arith.constant 1.250000e-01 : f32
    %mul3A_25 = vector.broadcast %mul3A_24 : f32 to vector<32x32xf32>
    %mul3A_26 = arith.mulf %dot_general3A_23, %mul3A_25 : vector<32x32xf32>
    %dot_general3A_27 = arith.constant dense<0.000000e+00> : vector<10000x32xf32>
    %dot_general3A_28 = tpu.matmul %add3A_16, %mul3A_26, %dot_general3A_27 {dimension_numbers = #tpu.dot_dimension_numbers<[1], [0], [0], [1], [0, 0, 1, 1], [], []>, transpose_lhs_hint = false} : vector<10000x32xf32>, vector<32x32xf32>, vector<10000x32xf32> -> vector<10000x32xf32>
    %max3A = arith.constant 0.000000e+00 : f32
    %max3A_29 = vector.broadcast %max3A : f32 to vector<10000x32xf32>
    %max3A_30 = arith.maximumf %dot_general3A_28, %max3A_29 : vector<10000x32xf32>
    %mul3A_31 = vector.broadcast %get3A_1 : vector<10000x1xf32> to vector<10000x32xf32>
    %mul3A_32 = arith.mulf %mul3A_31, %max3A_30 : vector<10000x32xf32>
    %swap3A = arith.constant 0 : index
    %swap3A_33 = arith.constant 0 : index
    %swap3A_34 = vector.load %arg8[%swap3A, %swap3A_33] : memref<10000x32xf32, #tpu.memory_space<vmem>>, vector<10000x32xf32>
    tpu.vector_store %arg8[%swap3A, %swap3A_33], %mul3A_32 {strides = array<i32>} : memref<10000x32xf32, #tpu.memory_space<vmem>>, vector<10000x32xf32>,
    return
  }
  func.func @transform_0(%arg0: i32) -> (i32, i32) {
    %c0_i32 = arith.constant 0 : i32
    %c0_i32_0 = arith.constant 0 : i32
    return %arg0, %c0_i32 : i32, i32
  }
  func.func @transform_1(%arg0: i32) -> (i32, i32) {
    %c0_i32 = arith.constant 0 : i32
    %c0_i32_0 = arith.constant 0 : i32
    return %arg0, %c0_i32 : i32, i32
  }
  func.func @transform_2(%arg0: i32) -> (i32, i32) {
    %c0_i32 = arith.constant 0 : i32
    %c0_i32_0 = arith.constant 0 : i32
    return %arg0, %c0_i32 : i32, i32
  }
  func.func @transform_3(%arg0: i32) -> (i32, i32) {
    %c0_i32 = arith.constant 0 : i32
    %c0_i32_0 = arith.constant 0 : i32
    return %arg0, %c0_i32 : i32, i32
  }
  func.func @transform_4(%arg0: i32) -> (i32, i32) {
    %c0_i32 = arith.constant 0 : i32
    %c0_i32_0 = arith.constant 0 : i32
    %c0_i32_1 = arith.constant 0 : i32
    return %c0_i32, %c0_i32_0 : i32, i32
  }
  func.func @transform_5(%arg0: i32) -> (i32, i32) {
    %c0_i32 = arith.constant 0 : i32
    %c0_i32_0 = arith.constant 0 : i32
    %c0_i32_1 = arith.constant 0 : i32
    return %c0_i32, %c0_i32_0 : i32, i32
  }
  func.func @transform_6(%arg0: i32) -> (i32, i32) {
    %c0_i32 = arith.constant 0 : i32
    %c0_i32_0 = arith.constant 0 : i32
    %c0_i32_1 = arith.constant 0 : i32
    return %c0_i32, %c0_i32_0 : i32, i32
  }
  func.func @transform_7(%arg0: i32) -> (i32, i32) {
    %c0_i32 = arith.constant 0 : i32
    %c0_i32_0 = arith.constant 0 : i32
    return %arg0, %c0_i32 : i32, i32
  }
}

module attributes {stable_mosaic.version = 14 : i64} {
  func.func @_tc_c_body(%arg0: i32, %arg1: memref<10000x32xf32, #tpu.memory_space<vmem>>, %arg2: memref<10000x32xf32, #tpu.memory_space<vmem>>, %arg3: memref<10000x32xf32, #tpu.memory_space<vmem>>, %arg4: memref<10000x1xf32, #tpu.memory_space<vmem>>, %arg5: memref<32x5xf32, #tpu.memory_space<vmem>>, %arg6: memref<1x5xf32, #tpu.memory_space<vmem>>, %arg7: memref<5x8xf32, #tpu.memory_space<vmem>>, %arg8: memref<8x5xf32, #tpu.memory_space<vmem>>, %arg9: memref<10000x5xf32, #tpu.memory_space<vmem>>) attributes {dimension_semantics = [#tpu.dimension_semantics<arbitrary>], iteration_bounds = array<i64: 1>, scalar_prefetch = 0 : i64, scratch_operands = 0 : i64, tpu.core_type = #tpu.core_type<tc>, window_params = [{transform_indices = @transform_0, window_bounds = array<i64: 10000, 32>}, {transform_indices = @transform_1, window_bounds = array<i64: 10000, 32>}, {transform_indices = @transform_2, window_bounds = array<i64: 10000, 32>}, {transform_indices = @transform_3, window_bounds = array<i64: 10000, 1>}, {pipeline_mode = #tpu.pipeline_mode<synchronous>, transform_indices = @transform_4, window_bounds = array<i64: 32, 5>}, {pipeline_mode = #tpu.pipeline_mode<synchronous>, transform_indices = @transform_5, window_bounds = array<i64: 1, 5>}, {pipeline_mode = #tpu.pipeline_mode<synchronous>, transform_indices = @transform_6, window_bounds = array<i64: 5, 8>}, {pipeline_mode = #tpu.pipeline_mode<synchronous>, transform_indices = @transform_7, window_bounds = array<i64: 8, 5>}, {transform_indices = @transform_8, window_bounds = array<i64: 10000, 5>}]} {
    %get3A = arith.constant 0 : index
    %get3A_0 = arith.constant 0 : index
    %get3A_1 = vector.load %arg1[%get3A, %get3A_0] : memref<10000x32xf32, #tpu.memory_space<vmem>>, vector<10000x32xf32>
    %get3A_2 = arith.constant 0 : index
    %get3A_3 = arith.constant 0 : index
    %get3A_4 = vector.load %arg2[%get3A_2, %get3A_3] : memref<10000x32xf32, #tpu.memory_space<vmem>>, vector<10000x32xf32>
    %add3A = arith.addf %get3A_1, %get3A_4 : vector<10000x32xf32>
    %get3A_5 = arith.constant 0 : index
    %get3A_6 = arith.constant 0 : index
    %get3A_7 = vector.load %arg3[%get3A_5, %get3A_6] : memref<10000x32xf32, #tpu.memory_space<vmem>>, vector<10000x32xf32>
    %sub3A = arith.subf %add3A, %get3A_7 : vector<10000x32xf32>
    %get3A_8 = arith.constant 0 : index
    %get3A_9 = arith.constant 0 : index
    %get3A_10 = vector.load %arg4[%get3A_8, %get3A_9] : memref<10000x1xf32, #tpu.memory_space<vmem>>, vector<10000x1xf32>
    %mul3A = vector.broadcast %get3A_10 : vector<10000x1xf32> to vector<10000x32xf32>
    %mul3A_11 = arith.mulf %sub3A, %mul3A : vector<10000x32xf32>
    %get3A_12 = arith.constant 0 : index
    %get3A_13 = arith.constant 0 : index
    %get3A_14 = vector.load %arg7[%get3A_12, %get3A_13] : memref<5x8xf32, #tpu.memory_space<vmem>>, vector<5x8xf32>
    %get3A_15 = arith.constant 0 : index
    %get3A_16 = arith.constant 0 : index
    %get3A_17 = vector.load %arg8[%get3A_15, %get3A_16] : memref<8x5xf32, #tpu.memory_space<vmem>>, vector<8x5xf32>
    %dot_general3A = arith.constant dense<0.000000e+00> : vector<5x5xf32>
    %dot_general3A_18 = tpu.matmul %get3A_14, %get3A_17, %dot_general3A {dimension_numbers = #tpu.dot_dimension_numbers<[1], [0], [0], [1], [0, 0, 1, 1], [], []>, transpose_lhs_hint = false} : vector<5x8xf32>, vector<8x5xf32>, vector<5x5xf32> -> vector<5x5xf32>
    %mul3A_19 = arith.constant 1.250000e-01 : f32
    %mul3A_20 = vector.broadcast %mul3A_19 : f32 to vector<5x5xf32>
    %mul3A_21 = arith.mulf %dot_general3A_18, %mul3A_20 : vector<5x5xf32>
    %get3A_22 = arith.constant 0 : index
    %get3A_23 = arith.constant 0 : index
    %get3A_24 = vector.load %arg5[%get3A_22, %get3A_23] : memref<32x5xf32, #tpu.memory_space<vmem>>, vector<32x5xf32>
    %dot_general3A_25 = arith.constant dense<0.000000e+00> : vector<32x5xf32>
    %dot_general3A_26 = tpu.matmul %get3A_24, %mul3A_21, %dot_general3A_25 {dimension_numbers = #tpu.dot_dimension_numbers<[1], [0], [0], [1], [0, 0, 1, 1], [], []>, transpose_lhs_hint = false} : vector<32x5xf32>, vector<5x5xf32>, vector<32x5xf32> -> vector<32x5xf32>
    %get3A_27 = arith.constant 0 : index
    %get3A_28 = arith.constant 0 : index
    %get3A_29 = vector.load %arg6[%get3A_27, %get3A_28] : memref<1x5xf32, #tpu.memory_space<vmem>>, vector<1x5xf32>
    %dot_general3A_30 = arith.constant dense<0.000000e+00> : vector<1x5xf32>
    %dot_general3A_31 = tpu.matmul %get3A_29, %mul3A_21, %dot_general3A_30 {dimension_numbers = #tpu.dot_dimension_numbers<[1], [0], [0], [1], [0, 0, 1, 1], [], []>, transpose_lhs_hint = false} : vector<1x5xf32>, vector<5x5xf32>, vector<1x5xf32> -> vector<1x5xf32>
    %dot_general3A_32 = arith.constant dense<0.000000e+00> : vector<10000x5xf32>
    %dot_general3A_33 = tpu.matmul %mul3A_11, %dot_general3A_26, %dot_general3A_32 {dimension_numbers = #tpu.dot_dimension_numbers<[1], [0], [0], [1], [0, 0, 1, 1], [], []>, transpose_lhs_hint = false} : vector<10000x32xf32>, vector<32x5xf32>, vector<10000x5xf32> -> vector<10000x5xf32>
    %add3A_34 = vector.broadcast %dot_general3A_31 : vector<1x5xf32> to vector<10000x5xf32>
    %add3A_35 = arith.addf %dot_general3A_33, %add3A_34 : vector<10000x5xf32>
    %reduce_max3A = arith.constant dense<0xFF800000> : vector<10000xf32>
    %reduce_max3A_36 = vector.multi_reduction <maximumf>, %add3A_35, %reduce_max3A [1] : vector<10000x5xf32> to vector<10000xf32>
    %broadcast_in_dim3A = vector.shape_cast %reduce_max3A_36 : vector<10000xf32> to vector<10000x1xf32>
    %sub3A_37 = vector.broadcast %broadcast_in_dim3A : vector<10000x1xf32> to vector<10000x5xf32>
    %sub3A_38 = arith.subf %add3A_35, %sub3A_37 : vector<10000x5xf32>
    %exp3A = math.exp %sub3A_38 : vector<10000x5xf32>
    %reduce_sum3A = arith.constant dense<0.000000e+00> : vector<10000xf32>
    %reduce_sum3A_39 = vector.multi_reduction <add>, %exp3A, %reduce_sum3A [1] : vector<10000x5xf32> to vector<10000xf32>
    %broadcast_in_dim3A_40 = vector.shape_cast %reduce_sum3A_39 : vector<10000xf32> to vector<10000x1xf32>
    %log3A = math.log %broadcast_in_dim3A_40 : vector<10000x1xf32>
    %sub3A_41 = vector.broadcast %log3A : vector<10000x1xf32> to vector<10000x5xf32>
    %sub3A_42 = arith.subf %sub3A_38, %sub3A_41 : vector<10000x5xf32>
    %swap3A = arith.constant 0 : index
    %swap3A_43 = arith.constant 0 : index
    %swap3A_44 = vector.load %arg9[%swap3A, %swap3A_43] : memref<10000x5xf32, #tpu.memory_space<vmem>>, vector<10000x5xf32>
    tpu.vector_store %arg9[%swap3A, %swap3A_43], %sub3A_42 {strides = array<i32>} : memref<10000x5xf32, #tpu.memory_space<vmem>>, vector<10000x5xf32>,
    return
  }
  func.func @transform_0(%arg0: i32) -> (i32, i32) {
    %c0_i32 = arith.constant 0 : i32
    %c0_i32_0 = arith.constant 0 : i32
    return %arg0, %c0_i32 : i32, i32
  }
  func.func @transform_1(%arg0: i32) -> (i32, i32) {
    %c0_i32 = arith.constant 0 : i32
    %c0_i32_0 = arith.constant 0 : i32
    return %arg0, %c0_i32 : i32, i32
  }
  func.func @transform_2(%arg0: i32) -> (i32, i32) {
    %c0_i32 = arith.constant 0 : i32
    %c0_i32_0 = arith.constant 0 : i32
    return %arg0, %c0_i32 : i32, i32
  }
  func.func @transform_3(%arg0: i32) -> (i32, i32) {
    %c0_i32 = arith.constant 0 : i32
    %c0_i32_0 = arith.constant 0 : i32
    return %arg0, %c0_i32 : i32, i32
  }
  func.func @transform_4(%arg0: i32) -> (i32, i32) {
    %c0_i32 = arith.constant 0 : i32
    %c0_i32_0 = arith.constant 0 : i32
    %c0_i32_1 = arith.constant 0 : i32
    return %c0_i32, %c0_i32_0 : i32, i32
  }
  func.func @transform_5(%arg0: i32) -> (i32, i32) {
    %c0_i32 = arith.constant 0 : i32
    %c0_i32_0 = arith.constant 0 : i32
    %c0_i32_1 = arith.constant 0 : i32
    return %c0_i32, %c0_i32_0 : i32, i32
  }
  func.func @transform_6(%arg0: i32) -> (i32, i32) {
    %c0_i32 = arith.constant 0 : i32
    %c0_i32_0 = arith.constant 0 : i32
    %c0_i32_1 = arith.constant 0 : i32
    return %c0_i32, %c0_i32_0 : i32, i32
  }
  func.func @transform_7(%arg0: i32) -> (i32, i32) {
    %c0_i32 = arith.constant 0 : i32
    %c0_i32_0 = arith.constant 0 : i32
    %c0_i32_1 = arith.constant 0 : i32
    return %c0_i32, %c0_i32_0 : i32, i32
  }
  func.func @transform_8(%arg0: i32) -> (i32, i32) {
    %c0_i32 = arith.constant 0 : i32
    %c0_i32_0 = arith.constant 0 : i32
    return %arg0, %c0_i32 : i32, i32
  }
}

</mosaic_0001>

<sc_bundles>
// kernel: kernel.11.cloned.1.call-start
scs
__scs_entry_jumppad:
0x0: {  	(pc) =	sbr.rel $0x88, $3  }
0x1: {  	(tag) =	ssettag $0x0;
	lr =	simm.s32 $0x1  }
0x2: {  	[smem:$0x3F95] =	sst lr;
	_ =	strace $0xD0000000  }
0x3: {  	_ = 	snop  }
0x4: {  	_ = 	snop  }
0x5: {  	_ = 	snop  }
0x6: {  	_ = 	snop  }
0x7: {  	_ = 	snop  }
__scs_overlays_trampoline_lowered:
0x8: {  	[smem:$0x3FA4] =	sst s0  }
0x9: {  	[smem:$0x3FA5] =	sst s1  }
0xa: {  	[smem:$0x3FA6] =	sst s2  }
0xb: {  	[smem:$0x3FA7] =	sst s3  }
0xc: {  	[smem:$0x3FA8] =	sst s4  }
0xd: {  	[smem:$0x3FA9] =	sst s5  }
0xe: {  	[smem:$0x3FAA] =	sst s6  }
0xf: {  	[smem:$0x3FAB] =	sst s7  }
0x10: {  	[smem:$0x3FAC] =	sst s8  }
0x11: {  	[smem:$0x3FAD] =	sst s9;
	s0 =	simm.s32 @!p0 $0x0  }
0x12: {  	s1 =	sld [smem:$0x3F93];
	s0 =	simm.s32 @p0 $0x1  }
0x13: {  	[smem:$0x3FAE] =	sst s0;
	s0 =	simm.s32 @!p1 $0x0  }
0x14: {  	s2 =	sld [smem:$0x3F92];
	s0 =	simm.s32 @p1 $0x1  }
0x15: {  	[smem:$0x3FAF] =	sst s0;
	s0 =	simm.s32 @!p2 $0x0  }
0x16: {  	s3 =	sld [smem:$0x3FDB];
	s0 =	simm.s32 @p2 $0x1  }
0x17: {  	s4 =	simm.s32 $0x1BF5;
	[smem:$0x3FB1] =	sst s0  }
0x18: {  	s0 =	sld [smem:$0x3F94];
	_ =	swait.ge [sflag:s4], $0x0  }
0x19: {  	s7 =	sld [smem:$0x3F95]  }
0x1a: {  	s8 =	sadd.s32 $0xFFFFE003, lr  }
0x1b: {  	s9 =	sadd.s32 $0xFFFFFEF7, lr;
	s5 =	simm.s32 $0xFFFFFFFF;
	p2 =	slt.u32 s8, $0xFFFFF086  }
0x1c: {  	p1 =	slt.u32 s9, $0xF7A;
	s5 =	simm.s32 @!p2 $0x0  }
0x1d: {  	s5 =	simm.s32 @p1 $0x1;
	p0 =	seq.s32 s7, s2  }
0x1e: {  	s7 =	smul.u32 @!p0 $0xF7A, s2;
	p2 =	seq.s32 @!p0 s5, $0x0  }
0x1f: {  	s9 =	smul.u32 $0xF7A, s1;
	s8 =	simm.s32 @!p0 $0x1BF5;
	p2 =	por !p2, p0  }
0x20: {  	[sflag:s8] =	ssyncset.s32 @!p0 $0xFFFFF086;
	s6 =	sadd.s32 @!p0 s3, s7;
	s7 =	simm.s32 @!p0 $0x108  }
0x21: {  	s3 =	sadd.s32 s3, s9;
	s6 =	sadd.s32 @!p0 $0x88, s6;
	s7 =	simm.s32 @p2 $0x1082  }
0x22: {  	[simem:s7], [sflag:s8] =	dma.local @!p0 [hbm:s6], $0xF7A  }
0x23: {  	s9 =	sor.u32 $0xD0000000, s2;
	s6 =	simm.s32 $0x108;
	_ =	swait.ge @!p0 [sflag:s8], $0x0  }
0x24: {  	s3 =	sadd.s32 $0x88, s3;
	s6 =	simm.s32 @!p1 $0x1082;
	[sflag:s4] =	ssyncset.s32 $0xFFFFF086  }
0x25: {  	[simem:s6], [sflag:s4] =	dma.local [hbm:s3], $0xF7A  }
0x26: {  	[smem:$0x3F95] =	sst s1;
	(tag) =	ssettag s2;
	_ =	strace s9  }
0x27: {  	s1 =	sld [smem:$0x3FA5]  }
0x28: {  	s2 =	sld [smem:$0x3FA6]  }
0x29: {  	s4 =	sld [smem:$0x3FA8]  }
0x2a: {  	p0 =	seq.s32 s5, $0x0;
	s5 =	sld [smem:$0x3FA9]  }
0x2b: {  	s6 =	sld [smem:$0x3FAA]  }
0x2c: {  	s7 =	sld [smem:$0x3FAB]  }
0x2d: {  	s3 =	simm.s32 $0x108;
	s8 =	sld [smem:$0x3FAC]  }
0x2e: {  	s3 =	simm.s32 @!p0 $0x1082;
	s9 =	sld [smem:$0x3FAD]  }
0x2f: {  	lr =	sadd.s32 s0, s3;
	s0 =	sld [smem:$0x3FA4]  }
0x30: {  	s3 =	sld [smem:$0x3FA7]  }
0x31: {  	[smem:$0x3FB0] =	sst s10  }
0x32: {  	s10 =	sld [smem:$0x3FAE];
	_ =	sdelay $0x3  }
0x33: {  	p0 =	seq.s32 s10, $0x1;
	s10 =	sld [smem:$0x3FB0];
	_ =	sdelay $0x3  }
0x34: {  	[smem:$0x3FB0] =	sst s10  }
0x35: {  	s10 =	sld [smem:$0x3FAF];
	_ =	sdelay $0x3  }
0x36: {  	p1 =	seq.s32 s10, $0x1;
	s10 =	sld [smem:$0x3FB0];
	_ =	sdelay $0x3  }
0x37: {  	[smem:$0x3FB0] =	sst s10  }
0x38: {  	s10 =	sld [smem:$0x3FB1]  }
0x39: {  	_ = 	snop;
	(pc) =	sbr.ind lr, $3  }
0x3a: {  	_ = 	snop  }
0x3b: {  	_ = 	snop  }
0x3c: {  	p2 =	seq.s32 s10, $0x1;
	s10 =	sld [smem:$0x3FB0]  }
0x3d: {  	_ =	shalt  }
0x3e: {  	_ =	shalt  }
0x3f: {  	_ =	shalt  }
0x40: {  	_ =	shalt  }
0x41: {  	_ =	shalt  }
0x42: {  	_ =	shalt  }
0x43: {  	_ =	shalt  }
0x44: {  	_ =	shalt  }
0x45: {  	_ =	shalt  }
0x46: {  	_ =	shalt  }
0x47: {  	_ =	shalt  }
0x48: {  	_ =	shalt  }
0x49: {  	_ =	shalt  }
0x4a: {  	_ =	shalt  }
0x4b: {  	_ =	shalt  }
0x4c: {  	_ =	shalt  }
0x4d: {  	_ =	shalt  }
0x4e: {  	_ =	shalt  }
0x4f: {  	_ =	shalt  }
0x50: {  	_ =	shalt  }
0x51: {  	_ =	shalt  }
0x52: {  	_ =	shalt  }
0x53: {  	_ =	shalt  }
0x54: {  	_ =	shalt  }
0x55: {  	_ =	shalt  }
0x56: {  	_ =	shalt  }
0x57: {  	_ =	shalt  }
0x58: {  	_ =	shalt  }
0x59: {  	_ =	shalt  }
0x5a: {  	_ =	shalt  }
0x5b: {  	_ =	shalt  }
0x5c: {  	_ =	shalt  }
0x5d: {  	_ =	shalt  }
0x5e: {  	_ =	shalt  }
0x5f: {  	_ =	shalt  }
0x60: {  	_ =	shalt  }
0x61: {  	_ =	shalt  }
0x62: {  	_ =	shalt  }
0x63: {  	_ =	shalt  }
0x64: {  	_ =	shalt  }
0x65: {  	_ =	shalt  }
0x66: {  	_ =	shalt  }
0x67: {  	_ =	shalt  }
0x68: {  	_ =	shalt  }
0x69: {  	_ =	shalt  }
0x6a: {  	_ =	shalt  }
0x6b: {  	_ =	shalt  }
0x6c: {  	_ =	shalt  }
0x6d: {  	_ =	shalt  }
0x6e: {  	_ =	shalt  }
0x6f: {  	_ =	shalt  }
0x70: {  	_ =	shalt  }
0x71: {  	_ =	shalt  }
0x72: {  	_ =	shalt  }
0x73: {  	_ =	shalt  }
0x74: {  	_ =	shalt  }
0x75: {  	_ =	shalt  }
0x76: {  	_ =	shalt  }
0x77: {  	_ =	shalt  }
0x78: {  	_ =	shalt  }
0x79: {  	_ =	shalt  }
0x7a: {  	_ =	shalt  }
0x7b: {  	_ =	shalt  }
0x7c: {  	_ =	shalt  }
0x7d: {  	_ =	shalt  }
0x7e: {  	_ =	shalt  }
0x7f: {  	_ =	shalt  }
0x80: {  	_ =	shalt  }
0x81: {  	_ =	shalt  }
0x82: {  	_ =	shalt  }
0x83: {  	_ =	shalt  }
0x84: {  	_ =	shalt  }
0x85: {  	_ =	shalt  }
0x86: {  	_ =	shalt  }
0x87: {  	_ =	shalt  }
.Lfunc_end0:
.L_simem_size_0:
called_computation.1_lowered:
.L_overlay_start_0:
0x88: {  	s2 =	sld [smem:$0x3FD9]  }
0x89: {  	s3 =	sld [smem:$0x3FFE];
	_ =	sdelay $0x1  }
0x8a: {  	s1 =	srdreg.scid  }
0x8b: {  	s0 =	sand.u32 $0x1, s1  }
0x8c: {  	s16 =	sshll.u32 s0, $0xA;
	s2 =	sadd.s32 s3, s2  }
0x8d: {  	s2 =	sadd.s32 s2, s16  }
0x8e: {  	[smem:$0x3FBC] =	sst s2  }
0x8f: {  	_ = 	snop  }
0x90: {  	(tm) =	ssettm $0x1  }
0x91: {  	s17 =	sld [smem:$0x3FFB];
	_ =	sdelay $0x3  }
0x92: {  	_ =	strace s17  }
0x93: {  	s2 =	sld [smem:$0x3FFC];
	_ =	sdelay $0x3  }
0x94: {  	_ =	strace s2  }
0x95: {  	s2 =	sld [smem:$0x3FFD];
	_ =	sdelay $0x3  }
0x96: {  	_ =	strace s2  }
0x97: {  	_ =	strace $0x8FFFFFFF  }
0x98: {  	s18 =	sld [smem:$0x3FDB];
	_ =	sdelay $0x1  }
0x99: {  	s19 =	simm.s32 $_scs_section_size  }
0x9a: {  	s4 =	simm.s32 $_size__tile_overlayer_lowered;
	s5 =	simm.s32 $_tile_overlayer_lowered  }
0x9b: {  	s22 =	simm.s32 $0x1BFF;
	s21 =	sshll.u32 s5, $0x1;
	s2 =	sadd.s32 s19, s18  }
0x9c: {  	s6 =	simm.s32 $0x0;
	s20 =	sshll.u32 s4, $0x1;
	s4 =	sadd.s32 s21, s2  }
0x9d: {  	[timem:s6], [sflag:s22] =	dma.local [hbm:s4], s20  }
0x9e: {  	_ =	swait.ge [sflag:s22], s20  }
0x9f: {  	s3 =	ssub.s32 $0x0, s20;
	[sflag:s22] =	ssyncset.done $0x0  }
0xa0: {  	[sflag:s22] =	ssyncadd.s32 s3;
	_ =	sdelay $0x1  }
0xa1: {  	s23 =	simm.s32 $0x1B8B  }
0xa2: {  	_ =	swait.ge [sflag:s23], $0x1  }
0xa3: {  	[sflag:s23] =	ssyncset.done $0x0  }
0xa4: {  	s25 =	simm.s32 $0x1B8E;
	s24 =	sld [smem:$0x3FFE];
	[sflag:s23] =	ssyncadd.s32 $0xFFFFFFFF  }
0xa5: {  	s26 =	simm.s32 $execute0_lowered;
	[smem:$0x3FD2] =	sst s25  }
0xa6: {  	s4 =	sshll.u32 s26, $0x1;
	_ =	strace $0x80000049;
	[dreg:$0x1] =	wrdreg $0xFFFFFFFF  }
0xa7: {  	s28 =	simm.s32 $_size_execute0_lowered;
	s2 =	sadd.s32 s2, s4;
	[dreg:$0x0] =	wrdreg $0x0  }
0xa8: {  	s4 =	sshll.u32 s28, $0x1;
	[dreg:$0x2] =	wrdreg s2  }
0xa9: {  	[dreg:$0x3] =	wrdreg s4  }
0xaa: {  	[dreg:$0x4] =	wrdreg $0xC0  }
0xab: {  	_ =	task [dreg:s6], $0x5FFFF  }
0xac: {  	[dreg:$0x1] =	wrdreg $0xFFFFFFFF  }
0xad: {  	[dreg:$0x0] =	wrdreg $0x60  }
0xae: {  	[dreg:$0x2] =	wrdreg s24  }
0xaf: {  	[dreg:$0x3] =	wrdreg $0x148C00  }
0xb0: {  	[dreg:$0x4] =	wrdreg $0x9  }
0xb1: {  	_ =	task.clear_ibuf [dreg:s6], $0x5FFFF;
	_ =	strace $0x90000049  }
0xb2: {  	s29 =	simm.s32 $0x9;
	_ =	strace $0x8000004B  }
0xb3: {  	_ =	swait.ge [sflag:s29], $0x1  }
0xb4: {  	[sflag:s29] =	ssyncadd.s32 $0xFFFFFFFF  }
0xb5: {  	_ =	strace $0x9000004B  }
0xb6: {  	_ =	sfence  }
0xb7: {  	s30 =	sld [smem:$0x0];
	_ =	sdelay $0x2  }
0xb8: {  	s31 =	sshll.u32 s1, $0xD;
	s1 =	sshrl.u32 s1, $0x2  }
0xb9: {  	s3 =	sand.u32 $0x4000, s31;
	s1 =	sadd.s32 s1, s30  }
0xba: {  	s0 =	sor.u32 s3, s0;
	s1 =	sshll.u32 s1, $0x11  }
0xbb: {  	s0 =	sor.u32 s1, s0  }
0xbc: {  	s0 =	sadd.s32 $0x8F2B, s0  }
0xbd: {  	[sflag:s0] =	ssyncadd.remote.s32 $0x1  }
0xbe: {  	_ =	sfence.sel $0xFFFF  }
0xbf: {  	[dreg:$0x0] =	wrdreg $0xFFFFFFFF;
	(pc) =	sbr.abs _section_cstart, $3  }
0xc0: {  	[dreg:$0x1] =	wrdreg $0xFFFFFFFF  }
0xc1: {  	_ =	task.clear_ibuf [dreg:s6], $0x2FFFF;
	_ =	strace $0x9FFFFFFF  }
0xc2: {  	(tm) =	ssettm $0x7FFFFFFF  }
0xc3: {  	_ =	shalt  }
tec
execute0_lowered:
.L_overlay_start_1:
0x0: {  	(tag) =	ssettag $0x1  }
0x1: {  	s3 =	rddreg [dreg:$0x0]  }
0x2: {  	s1 =	rddreg [dreg:$0x1]  }
0x3: {  	s31 =	rddreg [dreg:$0x2];
	s25 =	simm.s32 $0x0  }
0x4: {  	s21 =	simm.s32 $0x1F8;
	[smem:$0x7FF] =	sst s25  }
0x5: {  	s22 =	simm.s32 $0x3F0;
	_ =	strace $0x8000004A;
	[dreg:$0x6] =	wrdreg s21  }
0x6: {  	s23 =	simm.s32 $0x5E8;
	[dreg:$0x7] =	wrdreg s22  }
0x7: {  	s24 =	simm.s32 $0x2958;
	[dreg:$0x8] =	wrdreg s23  }
0x8: {  	s26 =	simm.s32 $0x2B50;
	[dreg:$0x9] =	wrdreg s24  }
0x9: {  	s0 =	srdreg.scid;
	s30 =	simm.s32 $0x2D48;
	[dreg:$0xa] =	wrdreg s26  }
0xa: {  	s4 =	stileid.u32;
	s8 =	simm.s32 $0xDC8;
	[dreg:$0xb] =	wrdreg s30  }
0xb: {  	s10 =	simm.s32 $0x2F40;
	s11 =	simm.s32 $0x3138;
	[dreg:$0xf] =	wrdreg s8  }
0xc: {  	s12 =	simm.s32 $0x3330;
	s13 =	simm.s32 $0x3528;
	[dreg:$0x10] =	wrdreg s10  }
0xd: {  	s14 =	simm.s32 $0xFC0;
	s28 =	simm.s32 $0x9;
	[dreg:$0x11] =	wrdreg s11  }
0xe: {  	s15 =	simm.s32 $0x11B8;
	s16 =	simm.s32 $0x13B0;
	[dreg:$0x12] =	wrdreg s12  }
0xf: {  	s18 =	simm.s32 $0x15A8;
	s19 =	simm.s32 $0x3720;
	[dreg:$0x13] =	wrdreg s13  }
0x10: {  	p1 =	por $0x0, $0x0;
	s2 =	sand.u32 $0x1, s0;
	[dreg:$0x14] =	wrdreg s14  }
0x11: {  	p0 =	sne.s32 s4, $0x0;
	s0 =	sshll.u32 s2, $0x4;
	[dreg:$0x15] =	wrdreg s15  }
0x12: {  	s6 =	smul.u32 $0x9C40, s2;
	s2 =	ssub.s32 $0x2, s2;
	[dreg:$0x16] =	wrdreg s16  }
0x13: {  	s26 =	simm.s32 $0x2760;
	s8 =	simm.s32 $0x4EC0;
	[dreg:$0x17] =	wrdreg s18  }
0x14: {  	[dreg:$0x18] =	wrdreg s19;
	s21 =	simm.s32 $0x3D08;
	s16 =	simm.s32 $0x1  }
0x15: {  	s22 =	simm.s32 $0x17A0;
	s15 =	simm.s32 $0x2;
	[dreg:$0x1b] =	wrdreg s21  }
0x16: {  	s23 =	simm.s32 $0x1998;
	s14 =	simm.s32 $0x3;
	[dreg:$0x1c] =	wrdreg s22  }
0x17: {  	s24 =	simm.s32 $0x1B90;
	s13 =	simm.s32 $0x4;
	[dreg:$0x1d] =	wrdreg s23  }
0x18: {  	s10 =	simm.s32 $0x1D88;
	s11 =	simm.s32 $0x3F00;
	[dreg:$0x1e] =	wrdreg s24  }
0x19: {  	s12 =	simm.s32 $0x40F8;
	s18 =	simm.s32 $0x42F0;
	[dreg:$0x1f] =	wrdreg s10  }
0x1a: {  	s30 =	simm.s32 $0x44E8;
	s19 =	simm.s32 $0x48D8;
	[smem:$0x7FA] =	sst s11  }
0x1b: {  	s0 =	sor.u32 s4, s0;
	s9 =	sshrl.u32 s2, $0x1;
	[smem:$0x7FB] =	sst s12  }
0x1c: {  	s4 =	simm.s32 $0x1F4;
	s10 =	simm.s32 $0x6;
	[smem:$0x7FC] =	sst s18  }
0x1d: {  	s11 =	simm.s32 $0x7;
	s12 =	simm.s32 $0x8;
	[smem:$0x7FD] =	sst s30  }
0x1e: {  	s24 =	simm.s32 $0x1F80;
	s23 =	simm.s32 $0x2178;
	s22 =	simm.s32 $0x2370  }
0x1f: {  	s21 =	simm.s32 $0x2568;
	s18 =	simm.s32 $0x4AD0;
	s5 =	smul.u32 $0x4EC, s0  }
0x20: {  	s6 =	sadd.s32 s6, s3;
	s0 =	simm.s32 $0x7E0;
	s2 =	ssub.s32 s2, s9  }
0x21: {  	s9 =	simm.s32 $0x3B10;
	s20 =	sadd.s32 $0x48A00, s6;
	[dreg:$0xc] =	wrdreg s0  }
0x22: {  	s6 =	simm.s32 $0x9D8;
	s17 =	smax.u32 s2, $0x1;
	s2 =	sshrl.u32 @!p0 s1, $0x3  }
0x23: {  	[dreg:$0x1a] =	wrdreg s9;
	s9 =	simm.s32 $0x5;
	s17 =	sadd.s32 $0xFFFFFFFF, s17  }
0x24: {  	s5 =	sadd.s32 s5, s3;
	[dreg:$0x5] =	wrdreg s20;
	p2 =	sne.s32 s17, $0x0  }
.Ltmp0:
0x25: {  	[dreg:$0xd] =	wrdreg s6;
	s20 =	simm.s32 $0x3918;
	(pc) =	sbr.rel @!p2 .LBB2_5-.Ltmp0, $4  }
0x26: {  	s3 =	sadd.s32 $0x3EC00, s3;
	s7 =	sadd.s32 $0xDC00, s5;
	[dreg:$0x19] =	wrdreg s20  }
0x27: {  	s6 =	simm.s32 $0xCBC0;
	s5 =	sadd.s32 $0x3600, s5;
	[dreg:$0x3] =	wrdreg s7  }
0x28: {  	s20 =	simm.s32 $0x46E0;
	[dreg:$0x4] =	wrdreg s5;
	s7 =	simm.s32 $0xBD0  }
0x29: {  	s5 =	simm.s32 $0x10A40;
	[dreg:$0xe] =	wrdreg s7;
	s7 =	simm.s32 $0x8D40  }
0x2a: {  	s30 =	simm.s32 @!p0 $0x1C09;
	s29 =	simm.s32 @!p0 $0x9  }
0x2b: {  	[spmem:s2], [sflag:s30] =	dma.local @!p0 [hbm:s3], $0x9C40  }
0x2c: {  	_ =	swait.ge @!p0 [sflag:s29], $0x9C40  }
0x2d: {  	[sflag:s29] =	ssyncset.done @!p0 $0x0  }
0x2e: {  	[sflag:s29] =	ssyncadd.s32 @!p0 $0xFFFF63C0  }
0x2f: {  	[bflag:$0x0] =	sbarrier.arrive $0xFFFF  }
0x30: {  	s0 =	rddreg [dreg:$0x3]  }
0x31: {  	[tilespmem:s25], [sflag:$0x9] =	stream.linear.gather [hbm4b:s0+s25], $0x2760, $0x38;
	[tilespmem:$0x196E0] =	vst v63  }
0x32: {  	_ =	swait.ge [sflag:s28], $0x2760  }
0x33: {  	[sflag:s28] =	ssyncset.done $0x0  }
0x34: {  	s0 =	rddreg [dreg:$0x4];
	[sflag:s28] =	ssyncadd.s32 $0xFFFFD8A0  }
0x35: {  	[tilespmem:s26], [sflag:$0x9] =	stream.linear.gather [hbm4b:s0+s25], $0x2760, $0x38;
	[tilespmem:$0x196E0] =	vst v63  }
0x36: {  	_ =	swait.ge [sflag:s28], $0x2760  }
0x37: {  	[sflag:s28] =	ssyncset.done $0x0  }
0x38: {  	[sflag:s28] =	ssyncadd.s32 $0xFFFFD8A0  }
0x39: {  	[tilespmem:s8], [sflag:$0x1] =	stream.indirect.gather [hbm4b:s3+s4], $0x20, s25, s4, $0xb8;
	[tilespmem:$0x196E0] =	vst v63  }
0x3a: {  	s0 =	rddreg [dreg:$0x6]  }
0x3b: {  	[tilespmem:s7], [sflag:$0x2] =	stream.indirect.gather [hbm4b:s3+s4], $0x20, s0, s4, $0xb8;
	[tilespmem:$0x196E0] =	vst v63  }
0x3c: {  	s31 =	rddreg [dreg:$0x7]  }
0x3d: {  	[tilespmem:s6], [sflag:$0x3] =	stream.indirect.gather [hbm4b:s3+s4], $0x20, s31, s4, $0xb8;
	[tilespmem:$0x196E0] =	vst v63  }
0x3e: {  	s0 =	rddreg [dreg:$0x8]  }
0x3f: {  	[tilespmem:s5], [sflag:$0x4] =	stream.indirect.gather [hbm4b:s3+s4], $0x20, s0, s4, $0xb8;
	[tilespmem:$0x196E0] =	vst v63  }
0x40: {  	_ =	swait.ge [sflag:s16], $0x3E80  }
0x41: {  	[sflag:s16] =	ssyncset.done $0x0  }
0x42: {  	[sflag:s16] =	ssyncadd.s32 $0xFFFFC180  }
0x43: {  	[spmem:s1] =	stream.indirect.scatter.add.f32 [tilespmem:s8], [sflag:$0x5], $0x20, s26, s4, $0xb8;
	[tilespmem:$0x196E0] =	vst v63  }
0x44: {  	_ =	swait.ge [sflag:s15], $0x3E80  }
0x45: {  	[sflag:s15] =	ssyncset.done $0x0  }
0x46: {  	s0 =	rddreg [dreg:$0x9];
	[sflag:s15] =	ssyncadd.s32 $0xFFFFC180  }
0x47: {  	[spmem:s1] =	stream.indirect.scatter.add.f32 [tilespmem:s7], [sflag:$0x6], $0x20, s0, s4, $0xb8;
	[tilespmem:$0x196E0] =	vst v63  }
0x48: {  	_ =	swait.ge [sflag:s14], $0x3E80  }
0x49: {  	[sflag:s14] =	ssyncset.done $0x0  }
0x4a: {  	s0 =	rddreg [dreg:$0xa];
	[sflag:s14] =	ssyncadd.s32 $0xFFFFC180  }
0x4b: {  	[spmem:s1] =	stream.indirect.scatter.add.f32 [tilespmem:s6], [sflag:$0x7], $0x20, s0, s4, $0xb8;
	[tilespmem:$0x196E0] =	vst v63  }
0x4c: {  	_ =	swait.ge [sflag:s13], $0x3E80  }
0x4d: {  	[sflag:s13] =	ssyncset.done $0x0  }
0x4e: {  	s0 =	rddreg [dreg:$0xb];
	[sflag:s13] =	ssyncadd.s32 $0xFFFFC180  }
0x4f: {  	[spmem:s1] =	stream.indirect.scatter.add.f32 [tilespmem:s5], [sflag:$0x8], $0x20, s0, s4, $0xb8;
	[tilespmem:$0x196E0] =	vst v63  }
0x50: {  	_ =	swait.ge [sflag:s9], $0x3E80  }
0x51: {  	[sflag:s9] =	ssyncset.done $0x0  }
0x52: {  	s0 =	rddreg [dreg:$0xc];
	[sflag:s9] =	ssyncadd.s32 $0xFFFFC180  }
0x53: {  	[tilespmem:s8], [sflag:$0x1] =	stream.indirect.gather [hbm4b:s3+s4], $0x20, s0, s4, $0xb8;
	[tilespmem:$0x196E0] =	vst v63  }
0x54: {  	_ =	swait.ge [sflag:s10], $0x3E80  }
0x55: {  	[sflag:s10] =	ssyncset.done $0x0  }
0x56: {  	s0 =	rddreg [dreg:$0xd];
	[sflag:s10] =	ssyncadd.s32 $0xFFFFC180  }
0x57: {  	[tilespmem:s7], [sflag:$0x2] =	stream.indirect.gather [hbm4b:s3+s4], $0x20, s0, s4, $0xb8;
	[tilespmem:$0x196E0] =	vst v63  }
0x58: {  	_ =	swait.ge [sflag:s11], $0x3E80  }
0x59: {  	[sflag:s11] =	ssyncset.done $0x0  }
0x5a: {  	s0 =	rddreg [dreg:$0xe];
	[sflag:s11] =	ssyncadd.s32 $0xFFFFC180  }
0x5b: {  	[tilespmem:s6], [sflag:$0x3] =	stream.indirect.gather [hbm4b:s3+s4], $0x20, s0, s4, $0xb8;
	[tilespmem:$0x196E0] =	vst v63  }
0x5c: {  	_ =	swait.ge [sflag:s12], $0x3E80  }
0x5d: {  	[sflag:s12] =	ssyncset.done $0x0  }
0x5e: {  	s0 =	rddreg [dreg:$0xf];
	[sflag:s12] =	ssyncadd.s32 $0xFFFFC180  }
0x5f: {  	[tilespmem:s5], [sflag:$0x4] =	stream.indirect.gather [hbm4b:s3+s4], $0x20, s0, s4, $0xb8;
	[tilespmem:$0x196E0] =	vst v63  }
0x60: {  	_ =	swait.ge [sflag:s16], $0x3E80  }
0x61: {  	[sflag:s16] =	ssyncset.done $0x0  }
0x62: {  	s0 =	rddreg [dreg:$0x10];
	[sflag:s16] =	ssyncadd.s32 $0xFFFFC180  }
0x63: {  	[spmem:s1] =	stream.indirect.scatter.add.f32 [tilespmem:s8], [sflag:$0x5], $0x20, s0, s4, $0xb8;
	[tilespmem:$0x196E0] =	vst v63  }
0x64: {  	_ =	swait.ge [sflag:s15], $0x3E80  }
0x65: {  	[sflag:s15] =	ssyncset.done $0x0  }
0x66: {  	s0 =	rddreg [dreg:$0x11];
	[sflag:s15] =	ssyncadd.s32 $0xFFFFC180  }
0x67: {  	[spmem:s1] =	stream.indirect.scatter.add.f32 [tilespmem:s7], [sflag:$0x6], $0x20, s0, s4, $0xb8;
	[tilespmem:$0x196E0] =	vst v63  }
0x68: {  	_ =	swait.ge [sflag:s14], $0x3E80  }
0x69: {  	[sflag:s14] =	ssyncset.done $0x0  }
0x6a: {  	s0 =	rddreg [dreg:$0x12];
	[sflag:s14] =	ssyncadd.s32 $0xFFFFC180  }
0x6b: {  	[spmem:s1] =	stream.indirect.scatter.add.f32 [tilespmem:s6], [sflag:$0x7], $0x20, s0, s4, $0xb8;
	[tilespmem:$0x196E0] =	vst v63  }
0x6c: {  	_ =	swait.ge [sflag:s13], $0x3E80  }
0x6d: {  	[sflag:s13] =	ssyncset.done $0x0  }
0x6e: {  	s0 =	rddreg [dreg:$0x13];
	[sflag:s13] =	ssyncadd.s32 $0xFFFFC180  }
0x6f: {  	[spmem:s1] =	stream.indirect.scatter.add.f32 [tilespmem:s5], [sflag:$0x8], $0x20, s0, s4, $0xb8;
	[tilespmem:$0x196E0] =	vst v63  }
0x70: {  	_ =	swait.ge [sflag:s9], $0x3E80  }
0x71: {  	[sflag:s9] =	ssyncset.done $0x0  }
0x72: {  	s0 =	rddreg [dreg:$0x14];
	[sflag:s9] =	ssyncadd.s32 $0xFFFFC180  }
0x73: {  	[tilespmem:s8], [sflag:$0x1] =	stream.indirect.gather [hbm4b:s3+s4], $0x20, s0, s4, $0xb8;
	[tilespmem:$0x196E0] =	vst v63  }
0x74: {  	_ =	swait.ge [sflag:s10], $0x3E80  }
0x75: {  	[sflag:s10] =	ssyncset.done $0x0  }
0x76: {  	s0 =	rddreg [dreg:$0x15];
	[sflag:s10] =	ssyncadd.s32 $0xFFFFC180  }
0x77: {  	[tilespmem:s7], [sflag:$0x2] =	stream.indirect.gather [hbm4b:s3+s4], $0x20, s0, s4, $0xb8;
	[tilespmem:$0x196E0] =	vst v63  }
0x78: {  	_ =	swait.ge [sflag:s11], $0x3E80  }
0x79: {  	[sflag:s11] =	ssyncset.done $0x0  }
0x7a: {  	s0 =	rddreg [dreg:$0x16];
	[sflag:s11] =	ssyncadd.s32 $0xFFFFC180  }
0x7b: {  	[tilespmem:s6], [sflag:$0x3] =	stream.indirect.gather [hbm4b:s3+s4], $0x20, s0, s4, $0xb8;
	[tilespmem:$0x196E0] =	vst v63  }
0x7c: {  	_ =	swait.ge [sflag:s12], $0x3E80  }
0x7d: {  	[sflag:s12] =	ssyncset.done $0x0  }
0x7e: {  	s0 =	rddreg [dreg:$0x17];
	[sflag:s12] =	ssyncadd.s32 $0xFFFFC180  }
0x7f: {  	[tilespmem:s5], [sflag:$0x4] =	stream.indirect.gather [hbm4b:s3+s4], $0x20, s0, s4, $0xb8;
	[tilespmem:$0x196E0] =	vst v63  }
0x80: {  	_ =	swait.ge [sflag:s16], $0x3E80  }
0x81: {  	[sflag:s16] =	ssyncset.done $0x0  }
0x82: {  	s0 =	rddreg [dreg:$0x18];
	[sflag:s16] =	ssyncadd.s32 $0xFFFFC180  }
0x83: {  	[spmem:s1] =	stream.indirect.scatter.add.f32 [tilespmem:s8], [sflag:$0x5], $0x20, s0, s4, $0xb8;
	[tilespmem:$0x196E0] =	vst v63  }
0x84: {  	_ =	swait.ge [sflag:s15], $0x3E80  }
0x85: {  	[sflag:s15] =	ssyncset.done $0x0  }
0x86: {  	s0 =	rddreg [dreg:$0x19];
	[sflag:s15] =	ssyncadd.s32 $0xFFFFC180  }
0x87: {  	[spmem:s1] =	stream.indirect.scatter.add.f32 [tilespmem:s7], [sflag:$0x6], $0x20, s0, s4, $0xb8;
	[tilespmem:$0x196E0] =	vst v63  }
0x88: {  	_ =	swait.ge [sflag:s14], $0x3E80  }
0x89: {  	[sflag:s14] =	ssyncset.done $0x0  }
0x8a: {  	s0 =	rddreg [dreg:$0x1a];
	[sflag:s14] =	ssyncadd.s32 $0xFFFFC180  }
0x8b: {  	[spmem:s1] =	stream.indirect.scatter.add.f32 [tilespmem:s6], [sflag:$0x7], $0x20, s0, s4, $0xb8;
	[tilespmem:$0x196E0] =	vst v63  }
0x8c: {  	_ =	swait.ge [sflag:s13], $0x3E80  }
0x8d: {  	[sflag:s13] =	ssyncset.done $0x0  }
0x8e: {  	s0 =	rddreg [dreg:$0x1b];
	[sflag:s13] =	ssyncadd.s32 $0xFFFFC180  }
0x8f: {  	[spmem:s1] =	stream.indirect.scatter.add.f32 [tilespmem:s5], [sflag:$0x8], $0x20, s0, s4, $0xb8;
	[tilespmem:$0x196E0] =	vst v63  }
0x90: {  	_ =	swait.ge [sflag:s9], $0x3E80  }
0x91: {  	[sflag:s9] =	ssyncset.done $0x0  }
0x92: {  	s0 =	rddreg [dreg:$0x1c];
	[sflag:s9] =	ssyncadd.s32 $0xFFFFC180  }
0x93: {  	[tilespmem:s8], [sflag:$0x1] =	stream.indirect.gather [hbm4b:s3+s4], $0x20, s0, s4, $0xb8;
	[tilespmem:$0x196E0] =	vst v63  }
0x94: {  	_ =	swait.ge [sflag:s10], $0x3E80  }
0x95: {  	[sflag:s10] =	ssyncset.done $0x0  }
0x96: {  	s0 =	rddreg [dreg:$0x1d];
	[sflag:s10] =	ssyncadd.s32 $0xFFFFC180  }
0x97: {  	[tilespmem:s7], [sflag:$0x2] =	stream.indirect.gather [hbm4b:s3+s4], $0x20, s0, s4, $0xb8;
	[tilespmem:$0x196E0] =	vst v63  }
0x98: {  	_ =	swait.ge [sflag:s11], $0x3E80  }
0x99: {  	[sflag:s11] =	ssyncset.done $0x0  }
0x9a: {  	s0 =	rddreg [dreg:$0x1e];
	[sflag:s11] =	ssyncadd.s32 $0xFFFFC180  }
0x9b: {  	[tilespmem:s6], [sflag:$0x3] =	stream.indirect.gather [hbm4b:s3+s4], $0x20, s0, s4, $0xb8;
	[tilespmem:$0x196E0] =	vst v63  }
0x9c: {  	_ =	swait.ge [sflag:s12], $0x3E80  }
0x9d: {  	[sflag:s12] =	ssyncset.done $0x0  }
0x9e: {  	s0 =	rddreg [dreg:$0x1f];
	[sflag:s12] =	ssyncadd.s32 $0xFFFFC180  }
0x9f: {  	[tilespmem:s5], [sflag:$0x4] =	stream.indirect.gather [hbm4b:s3+s4], $0x20, s0, s4, $0xb8;
	[tilespmem:$0x196E0] =	vst v63  }
0xa0: {  	_ =	swait.ge [sflag:s16], $0x3E80  }
0xa1: {  	s0 =	sld [smem:$0x7FA]  }
0xa2: {  	[sflag:s16] =	ssyncset.done $0x0  }
0xa3: {  	[sflag:s16] =	ssyncadd.s32 $0xFFFFC180  }
0xa4: {  	[spmem:s1] =	stream.indirect.scatter.add.f32 [tilespmem:s8], [sflag:$0x5], $0x20, s0, s4, $0xb8;
	[tilespmem:$0x196E0] =	vst v63  }
0xa5: {  	_ =	swait.ge [sflag:s15], $0x3E80  }
0xa6: {  	s0 =	sld [smem:$0x7FB]  }
0xa7: {  	[sflag:s15] =	ssyncset.done $0x0  }
0xa8: {  	[sflag:s15] =	ssyncadd.s32 $0xFFFFC180  }
0xa9: {  	[spmem:s1] =	stream.indirect.scatter.add.f32 [tilespmem:s7], [sflag:$0x6], $0x20, s0, s4, $0xb8;
	[tilespmem:$0x196E0] =	vst v63  }
0xaa: {  	_ =	swait.ge [sflag:s14], $0x3E80  }
0xab: {  	s0 =	sld [smem:$0x7FC]  }
0xac: {  	[sflag:s14] =	ssyncset.done $0x0  }
0xad: {  	[sflag:s14] =	ssyncadd.s32 $0xFFFFC180  }
0xae: {  	[spmem:s1] =	stream.indirect.scatter.add.f32 [tilespmem:s6], [sflag:$0x7], $0x20, s0, s4, $0xb8;
	[tilespmem:$0x196E0] =	vst v63  }
0xaf: {  	_ =	swait.ge [sflag:s13], $0x3E80  }
0xb0: {  	s0 =	sld [smem:$0x7FD]  }
0xb1: {  	[sflag:s13] =	ssyncset.done $0x0  }
0xb2: {  	[sflag:s13] =	ssyncadd.s32 $0xFFFFC180  }
0xb3: {  	[spmem:s1] =	stream.indirect.scatter.add.f32 [tilespmem:s5], [sflag:$0x8], $0x20, s0, s4, $0xb8;
	[tilespmem:$0x196E0] =	vst v63  }
0xb4: {  	_ =	swait.ge [sflag:s9], $0x3E80  }
0xb5: {  	[sflag:s9] =	ssyncset.done $0x0  }
0xb6: {  	[sflag:s9] =	ssyncadd.s32 $0xFFFFC180  }
0xb7: {  	[tilespmem:s8], [sflag:$0x1] =	stream.indirect.gather [hbm4b:s3+s4], $0x20, s24, s4, $0xb8;
	[tilespmem:$0x196E0] =	vst v63  }
0xb8: {  	_ =	swait.ge [sflag:s10], $0x3E80  }
0xb9: {  	[sflag:s10] =	ssyncset.done $0x0  }
0xba: {  	[sflag:s10] =	ssyncadd.s32 $0xFFFFC180  }
0xbb: {  	[tilespmem:s7], [sflag:$0x2] =	stream.indirect.gather [hbm4b:s3+s4], $0x20, s23, s4, $0xb8;
	[tilespmem:$0x196E0] =	vst v63  }
0xbc: {  	_ =	swait.ge [sflag:s11], $0x3E80  }
0xbd: {  	[sflag:s11] =	ssyncset.done $0x0  }
0xbe: {  	[sflag:s11] =	ssyncadd.s32 $0xFFFFC180  }
0xbf: {  	[tilespmem:s6], [sflag:$0x3] =	stream.indirect.gather [hbm4b:s3+s4], $0x20, s22, s4, $0xb8;
	[tilespmem:$0x196E0] =	vst v63  }
0xc0: {  	_ =	swait.ge [sflag:s12], $0x3E80  }
0xc1: {  	[sflag:s12] =	ssyncset.done $0x0  }
0xc2: {  	[sflag:s12] =	ssyncadd.s32 $0xFFFFC180  }
0xc3: {  	[tilespmem:s5], [sflag:$0x4] =	stream.indirect.gather [hbm4b:s3+s4], $0x20, s21, s4, $0xb8;
	[tilespmem:$0x196E0] =	vst v63  }
0xc4: {  	_ =	swait.ge [sflag:s16], $0x3E80  }
0xc5: {  	[sflag:s16] =	ssyncset.done $0x0  }
0xc6: {  	[sflag:s16] =	ssyncadd.s32 $0xFFFFC180  }
0xc7: {  	[spmem:s1] =	stream.indirect.scatter.add.f32 [tilespmem:s8], [sflag:$0x5], $0x20, s20, s4, $0xb8;
	[tilespmem:$0x196E0] =	vst v63  }
0xc8: {  	_ =	swait.ge [sflag:s15], $0x3E80  }
0xc9: {  	[sflag:s15] =	ssyncset.done $0x0  }
0xca: {  	[sflag:s15] =	ssyncadd.s32 $0xFFFFC180  }
0xcb: {  	[spmem:s1] =	stream.indirect.scatter.add.f32 [tilespmem:s7], [sflag:$0x6], $0x20, s19, s4, $0xb8;
	[tilespmem:$0x196E0] =	vst v63  }
0xcc: {  	_ =	swait.ge [sflag:s14], $0x3E80  }
0xcd: {  	[sflag:s14] =	ssyncset.done $0x0  }
0xce: {  	[sflag:s14] =	ssyncadd.s32 $0xFFFFC180  }
0xcf: {  	[spmem:s1] =	stream.indirect.scatter.add.f32 [tilespmem:s6], [sflag:$0x7], $0x20, s18, s4, $0xb8;
	[tilespmem:$0x196E0] =	vst v63  }
0xd0: {  	_ =	swait.ge [sflag:s13], $0x3E80  }
0xd1: {  	[sflag:s13] =	ssyncset.done $0x0  }
0xd2: {  	s0 =	simm.s32 $0x4CC8;
	[sflag:s13] =	ssyncadd.s32 $0xFFFFC180  }
0xd3: {  	[spmem:s1] =	stream.indirect.scatter.add.f32 [tilespmem:s5], [sflag:$0x8], $0x20, s0, s4, $0xb8;
	[tilespmem:$0x196E0] =	vst v63  }
0xd4: {  	_ =	swait.ge [sflag:s9], $0x3E80  }
0xd5: {  	[sflag:s9] =	ssyncset.done $0x0  }
0xd6: {  	[sflag:s9] =	ssyncadd.s32 $0xFFFFC180  }
0xd7: {  	_ =	swait.ge [sflag:s10], $0x3E80  }
0xd8: {  	[sflag:s10] =	ssyncset.done $0x0  }
0xd9: {  	[sflag:s10] =	ssyncadd.s32 $0xFFFFC180  }
0xda: {  	_ =	swait.ge [sflag:s11], $0x3E80  }
0xdb: {  	[sflag:s11] =	ssyncset.done $0x0  }
0xdc: {  	[sflag:s11] =	ssyncadd.s32 $0xFFFFC180  }
0xdd: {  	_ =	swait.ge [sflag:s12], $0x3E80  }
0xde: {  	s31 =	sadd.s32 $0xFFFFFFFF, s17;
	[sflag:s12] =	ssyncset.done $0x0  }
0xdf: {  	p2 =	sne.s32 s31, $0x0;
	[sflag:s12] =	ssyncadd.s32 $0xFFFFC180  }
.Ltmp1:
0xe0: {  	[bflag:$0x0] =	sbarrier.arrive $0xFFFF;
	(pc) =	sbr.rel @!p2 .LBB2_2-.Ltmp1, $4  }
0xe1: {  	s0 =	rddreg [dreg:$0x5]  }
0xe2: {  	[hbm:s0], [sflag:s30] =	dma.local @!p0 [spmem:s2], $0x9C40  }
0xe3: {  	_ =	swait.ge @!p0 [sflag:s29], $0x9C40  }
0xe4: {  	p1 =	por $0x1, $0x1;
	[sflag:s29] =	ssyncset.done @!p0 $0x0  }
.LBB2_3:
0xe5: {  	[sflag:s29] =	ssyncadd.s32 @!p0 $0xFFFF63C0  }
0xe6: {  	[spmem:s2], [sflag:s30] =	dma.local @!p0 [hbm:s3], $0x9C40  }
0xe7: {  	_ =	swait.ge @!p0 [sflag:s29], $0x9C40  }
0xe8: {  	[sflag:s29] =	ssyncset.done @!p0 $0x0  }
0xe9: {  	[sflag:s29] =	ssyncadd.s32 @!p0 $0xFFFF63C0  }
0xea: {  	[bflag:$0x0] =	sbarrier.arrive $0xFFFF  }
0xeb: {  	s0 =	rddreg [dreg:$0x3]  }
0xec: {  	[tilespmem:s25], [sflag:$0x9] =	stream.linear.gather [hbm4b:s0+s25], $0x2760, $0x38;
	[tilespmem:$0x196E0] =	vst v63  }
0xed: {  	_ =	swait.ge [sflag:s28], $0x2760  }
0xee: {  	[sflag:s28] =	ssyncset.done $0x0  }
0xef: {  	s17 =	rddreg [dreg:$0x4];
	[sflag:s28] =	ssyncadd.s32 $0xFFFFD8A0  }
0xf0: {  	[tilespmem:s26], [sflag:$0x9] =	stream.linear.gather [hbm4b:s17+s25], $0x2760, $0x38;
	[tilespmem:$0x196E0] =	vst v63  }
0xf1: {  	_ =	swait.ge [sflag:s28], $0x2760  }
0xf2: {  	[sflag:s28] =	ssyncset.done $0x0  }
0xf3: {  	[sflag:s28] =	ssyncadd.s32 $0xFFFFD8A0  }
0xf4: {  	[tilespmem:s8], [sflag:$0x1] =	stream.indirect.gather [hbm4b:s3+s4], $0x20, s25, s4, $0xb8;
	[tilespmem:$0x196E0] =	vst v63  }
0xf5: {  	s0 =	rddreg [dreg:$0x6]  }
0xf6: {  	[tilespmem:s7], [sflag:$0x2] =	stream.indirect.gather [hbm4b:s3+s4], $0x20, s0, s4, $0xb8;
	[tilespmem:$0x196E0] =	vst v63  }
0xf7: {  	s17 =	rddreg [dreg:$0x7]  }
0xf8: {  	[tilespmem:s6], [sflag:$0x3] =	stream.indirect.gather [hbm4b:s3+s4], $0x20, s17, s4, $0xb8;
	[tilespmem:$0x196E0] =	vst v63  }
0xf9: {  	s0 =	rddreg [dreg:$0x8]  }
0xfa: {  	[tilespmem:s5], [sflag:$0x4] =	stream.indirect.gather [hbm4b:s3+s4], $0x20, s0, s4, $0xb8;
	[tilespmem:$0x196E0] =	vst v63  }
0xfb: {  	_ =	swait.ge [sflag:s16], $0x3E80  }
0xfc: {  	[sflag:s16] =	ssyncset.done $0x0  }
0xfd: {  	[sflag:s16] =	ssyncadd.s32 $0xFFFFC180  }
0xfe: {  	[spmem:s1] =	stream.indirect.scatter.add.f32 [tilespmem:s8], [sflag:$0x5], $0x20, s26, s4, $0xb8;
	[tilespmem:$0x196E0] =	vst v63  }
0xff: {  	_ =	swait.ge [sflag:s15], $0x3E80  }
0x100: {  	[sflag:s15] =	ssyncset.done $0x0  }
0x101: {  	s0 =	rddreg [dreg:$0x9];
	[sflag:s15] =	ssyncadd.s32 $0xFFFFC180  }
0x102: {  	[spmem:s1] =	stream.indirect.scatter.add.f32 [tilespmem:s7], [sflag:$0x6], $0x20, s0, s4, $0xb8;
	[tilespmem:$0x196E0] =	vst v63  }
0x103: {  	_ =	swait.ge [sflag:s14], $0x3E80  }
0x104: {  	[sflag:s14] =	ssyncset.done $0x0  }
0x105: {  	s0 =	rddreg [dreg:$0xa];
	[sflag:s14] =	ssyncadd.s32 $0xFFFFC180  }
0x106: {  	[spmem:s1] =	stream.indirect.scatter.add.f32 [tilespmem:s6], [sflag:$0x7], $0x20, s0, s4, $0xb8;
	[tilespmem:$0x196E0] =	vst v63  }
0x107: {  	_ =	swait.ge [sflag:s13], $0x3E80  }
0x108: {  	[sflag:s13] =	ssyncset.done $0x0  }
0x109: {  	s0 =	rddreg [dreg:$0xb];
	[sflag:s13] =	ssyncadd.s32 $0xFFFFC180  }
0x10a: {  	[spmem:s1] =	stream.indirect.scatter.add.f32 [tilespmem:s5], [sflag:$0x8], $0x20, s0, s4, $0xb8;
	[tilespmem:$0x196E0] =	vst v63  }
0x10b: {  	_ =	swait.ge [sflag:s9], $0x3E80  }
0x10c: {  	[sflag:s9] =	ssyncset.done $0x0  }
0x10d: {  	s0 =	rddreg [dreg:$0xc];
	[sflag:s9] =	ssyncadd.s32 $0xFFFFC180  }
0x10e: {  	[tilespmem:s8], [sflag:$0x1] =	stream.indirect.gather [hbm4b:s3+s4], $0x20, s0, s4, $0xb8;
	[tilespmem:$0x196E0] =	vst v63  }
0x10f: {  	_ =	swait.ge [sflag:s10], $0x3E80  }
0x110: {  	[sflag:s10] =	ssyncset.done $0x0  }
0x111: {  	s0 =	rddreg [dreg:$0xd];
	[sflag:s10] =	ssyncadd.s32 $0xFFFFC180  }
0x112: {  	[tilespmem:s7], [sflag:$0x2] =	stream.indirect.gather [hbm4b:s3+s4], $0x20, s0, s4, $0xb8;
	[tilespmem:$0x196E0] =	vst v63  }
0x113: {  	_ =	swait.ge [sflag:s11], $0x3E80  }
0x114: {  	[sflag:s11] =	ssyncset.done $0x0  }
0x115: {  	s0 =	rddreg [dreg:$0xe];
	[sflag:s11] =	ssyncadd.s32 $0xFFFFC180  }
0x116: {  	[tilespmem:s6], [sflag:$0x3] =	stream.indirect.gather [hbm4b:s3+s4], $0x20, s0, s4, $0xb8;
	[tilespmem:$0x196E0] =	vst v63  }
0x117: {  	_ =	swait.ge [sflag:s12], $0x3E80  }
0x118: {  	[sflag:s12] =	ssyncset.done $0x0  }
0x119: {  	s0 =	rddreg [dreg:$0xf];
	[sflag:s12] =	ssyncadd.s32 $0xFFFFC180  }
0x11a: {  	[tilespmem:s5], [sflag:$0x4] =	stream.indirect.gather [hbm4b:s3+s4], $0x20, s0, s4, $0xb8;
	[tilespmem:$0x196E0] =	vst v63  }
0x11b: {  	_ =	swait.ge [sflag:s16], $0x3E80  }
0x11c: {  	[sflag:s16] =	ssyncset.done $0x0  }
0x11d: {  	s0 =	rddreg [dreg:$0x10];
	[sflag:s16] =	ssyncadd.s32 $0xFFFFC180  }
0x11e: {  	[spmem:s1] =	stream.indirect.scatter.add.f32 [tilespmem:s8], [sflag:$0x5], $0x20, s0, s4, $0xb8;
	[tilespmem:$0x196E0] =	vst v63  }
0x11f: {  	_ =	swait.ge [sflag:s15], $0x3E80  }
0x120: {  	[sflag:s15] =	ssyncset.done $0x0  }
0x121: {  	s0 =	rddreg [dreg:$0x11];
	[sflag:s15] =	ssyncadd.s32 $0xFFFFC180  }
0x122: {  	[spmem:s1] =	stream.indirect.scatter.add.f32 [tilespmem:s7], [sflag:$0x6], $0x20, s0, s4, $0xb8;
	[tilespmem:$0x196E0] =	vst v63  }
0x123: {  	_ =	swait.ge [sflag:s14], $0x3E80  }
0x124: {  	[sflag:s14] =	ssyncset.done $0x0  }
0x125: {  	s0 =	rddreg [dreg:$0x12];
	[sflag:s14] =	ssyncadd.s32 $0xFFFFC180  }
0x126: {  	[spmem:s1] =	stream.indirect.scatter.add.f32 [tilespmem:s6], [sflag:$0x7], $0x20, s0, s4, $0xb8;
	[tilespmem:$0x196E0] =	vst v63  }
0x127: {  	_ =	swait.ge [sflag:s13], $0x3E80  }
0x128: {  	[sflag:s13] =	ssyncset.done $0x0  }
0x129: {  	s0 =	rddreg [dreg:$0x13];
	[sflag:s13] =	ssyncadd.s32 $0xFFFFC180  }
0x12a: {  	[spmem:s1] =	stream.indirect.scatter.add.f32 [tilespmem:s5], [sflag:$0x8], $0x20, s0, s4, $0xb8;
	[tilespmem:$0x196E0] =	vst v63  }
0x12b: {  	_ =	swait.ge [sflag:s9], $0x3E80  }
0x12c: {  	[sflag:s9] =	ssyncset.done $0x0  }
0x12d: {  	s0 =	rddreg [dreg:$0x14];
	[sflag:s9] =	ssyncadd.s32 $0xFFFFC180  }
0x12e: {  	[tilespmem:s8], [sflag:$0x1] =	stream.indirect.gather [hbm4b:s3+s4], $0x20, s0, s4, $0xb8;
	[tilespmem:$0x196E0] =	vst v63  }
0x12f: {  	_ =	swait.ge [sflag:s10], $0x3E80  }
0x130: {  	[sflag:s10] =	ssyncset.done $0x0  }
0x131: {  	s0 =	rddreg [dreg:$0x15];
	[sflag:s10] =	ssyncadd.s32 $0xFFFFC180  }
0x132: {  	[tilespmem:s7], [sflag:$0x2] =	stream.indirect.gather [hbm4b:s3+s4], $0x20, s0, s4, $0xb8;
	[tilespmem:$0x196E0] =	vst v63  }
0x133: {  	_ =	swait.ge [sflag:s11], $0x3E80  }
0x134: {  	[sflag:s11] =	ssyncset.done $0x0  }
0x135: {  	s0 =	rddreg [dreg:$0x16];
	[sflag:s11] =	ssyncadd.s32 $0xFFFFC180  }
0x136: {  	[tilespmem:s6], [sflag:$0x3] =	stream.indirect.gather [hbm4b:s3+s4], $0x20, s0, s4, $0xb8;
	[tilespmem:$0x196E0] =	vst v63  }
0x137: {  	_ =	swait.ge [sflag:s12], $0x3E80  }
0x138: {  	[sflag:s12] =	ssyncset.done $0x0  }
0x139: {  	s0 =	rddreg [dreg:$0x17];
	[sflag:s12] =	ssyncadd.s32 $0xFFFFC180  }
0x13a: {  	[tilespmem:s5], [sflag:$0x4] =	stream.indirect.gather [hbm4b:s3+s4], $0x20, s0, s4, $0xb8;
	[tilespmem:$0x196E0] =	vst v63  }
0x13b: {  	_ =	swait.ge [sflag:s16], $0x3E80  }
0x13c: {  	[sflag:s16] =	ssyncset.done $0x0  }
0x13d: {  	s0 =	rddreg [dreg:$0x18];
	[sflag:s16] =	ssyncadd.s32 $0xFFFFC180  }
0x13e: {  	[spmem:s1] =	stream.indirect.scatter.add.f32 [tilespmem:s8], [sflag:$0x5], $0x20, s0, s4, $0xb8;
	[tilespmem:$0x196E0] =	vst v63  }
0x13f: {  	_ =	swait.ge [sflag:s15], $0x3E80  }
0x140: {  	[sflag:s15] =	ssyncset.done $0x0  }
0x141: {  	s0 =	rddreg [dreg:$0x19];
	[sflag:s15] =	ssyncadd.s32 $0xFFFFC180  }
0x142: {  	[spmem:s1] =	stream.indirect.scatter.add.f32 [tilespmem:s7], [sflag:$0x6], $0x20, s0, s4, $0xb8;
	[tilespmem:$0x196E0] =	vst v63  }
0x143: {  	_ =	swait.ge [sflag:s14], $0x3E80  }
0x144: {  	[sflag:s14] =	ssyncset.done $0x0  }
0x145: {  	s0 =	rddreg [dreg:$0x1a];
	[sflag:s14] =	ssyncadd.s32 $0xFFFFC180  }
0x146: {  	[spmem:s1] =	stream.indirect.scatter.add.f32 [tilespmem:s6], [sflag:$0x7], $0x20, s0, s4, $0xb8;
	[tilespmem:$0x196E0] =	vst v63  }
0x147: {  	_ =	swait.ge [sflag:s13], $0x3E80  }
0x148: {  	[sflag:s13] =	ssyncset.done $0x0  }
0x149: {  	s0 =	rddreg [dreg:$0x1b];
	[sflag:s13] =	ssyncadd.s32 $0xFFFFC180  }
0x14a: {  	[spmem:s1] =	stream.indirect.scatter.add.f32 [tilespmem:s5], [sflag:$0x8], $0x20, s0, s4, $0xb8;
	[tilespmem:$0x196E0] =	vst v63  }
0x14b: {  	_ =	swait.ge [sflag:s9], $0x3E80  }
0x14c: {  	[sflag:s9] =	ssyncset.done $0x0  }
0x14d: {  	s0 =	rddreg [dreg:$0x1c];
	[sflag:s9] =	ssyncadd.s32 $0xFFFFC180  }
0x14e: {  	[tilespmem:s8], [sflag:$0x1] =	stream.indirect.gather [hbm4b:s3+s4], $0x20, s0, s4, $0xb8;
	[tilespmem:$0x196E0] =	vst v63  }
0x14f: {  	_ =	swait.ge [sflag:s10], $0x3E80  }
0x150: {  	[sflag:s10] =	ssyncset.done $0x0  }
0x151: {  	s0 =	rddreg [dreg:$0x1d];
	[sflag:s10] =	ssyncadd.s32 $0xFFFFC180  }
0x152: {  	[tilespmem:s7], [sflag:$0x2] =	stream.indirect.gather [hbm4b:s3+s4], $0x20, s0, s4, $0xb8;
	[tilespmem:$0x196E0] =	vst v63  }
0x153: {  	_ =	swait.ge [sflag:s11], $0x3E80  }
0x154: {  	[sflag:s11] =	ssyncset.done $0x0  }
0x155: {  	s0 =	rddreg [dreg:$0x1e];
	[sflag:s11] =	ssyncadd.s32 $0xFFFFC180  }
0x156: {  	[tilespmem:s6], [sflag:$0x3] =	stream.indirect.gather [hbm4b:s3+s4], $0x20, s0, s4, $0xb8;
	[tilespmem:$0x196E0] =	vst v63  }
0x157: {  	_ =	swait.ge [sflag:s12], $0x3E80  }
0x158: {  	[sflag:s12] =	ssyncset.done $0x0  }
0x159: {  	s0 =	rddreg [dreg:$0x1f];
	[sflag:s12] =	ssyncadd.s32 $0xFFFFC180  }
0x15a: {  	[tilespmem:s5], [sflag:$0x4] =	stream.indirect.gather [hbm4b:s3+s4], $0x20, s0, s4, $0xb8;
	[tilespmem:$0x196E0] =	vst v63  }
0x15b: {  	_ =	swait.ge [sflag:s16], $0x3E80  }
0x15c: {  	s0 =	sld [smem:$0x7FA]  }
0x15d: {  	[sflag:s16] =	ssyncset.done $0x0  }
0x15e: {  	[sflag:s16] =	ssyncadd.s32 $0xFFFFC180  }
0x15f: {  	[spmem:s1] =	stream.indirect.scatter.add.f32 [tilespmem:s8], [sflag:$0x5], $0x20, s0, s4, $0xb8;
	[tilespmem:$0x196E0] =	vst v63  }
0x160: {  	_ =	swait.ge [sflag:s15], $0x3E80  }
0x161: {  	s0 =	sld [smem:$0x7FB]  }
0x162: {  	[sflag:s15] =	ssyncset.done $0x0  }
0x163: {  	[sflag:s15] =	ssyncadd.s32 $0xFFFFC180  }
0x164: {  	[spmem:s1] =	stream.indirect.scatter.add.f32 [tilespmem:s7], [sflag:$0x6], $0x20, s0, s4, $0xb8;
	[tilespmem:$0x196E0] =	vst v63  }
0x165: {  	_ =	swait.ge [sflag:s14], $0x3E80  }
0x166: {  	s0 =	sld [smem:$0x7FC]  }
0x167: {  	[sflag:s14] =	ssyncset.done $0x0  }
0x168: {  	[sflag:s14] =	ssyncadd.s32 $0xFFFFC180  }
0x169: {  	[spmem:s1] =	stream.indirect.scatter.add.f32 [tilespmem:s6], [sflag:$0x7], $0x20, s0, s4, $0xb8;
	[tilespmem:$0x196E0] =	vst v63  }
0x16a: {  	_ =	swait.ge [sflag:s13], $0x3E80  }
0x16b: {  	s0 =	sld [smem:$0x7FD]  }
0x16c: {  	[sflag:s13] =	ssyncset.done $0x0  }
0x16d: {  	[sflag:s13] =	ssyncadd.s32 $0xFFFFC180  }
0x16e: {  	[spmem:s1] =	stream.indirect.scatter.add.f32 [tilespmem:s5], [sflag:$0x8], $0x20, s0, s4, $0xb8;
	[tilespmem:$0x196E0] =	vst v63  }
0x16f: {  	_ =	swait.ge [sflag:s9], $0x3E80  }
0x170: {  	[sflag:s9] =	ssyncset.done $0x0  }
0x171: {  	[sflag:s9] =	ssyncadd.s32 $0xFFFFC180  }
0x172: {  	[tilespmem:s8], [sflag:$0x1] =	stream.indirect.gather [hbm4b:s3+s4], $0x20, s24, s4, $0xb8;
	[tilespmem:$0x196E0] =	vst v63  }
0x173: {  	_ =	swait.ge [sflag:s10], $0x3E80  }
0x174: {  	[sflag:s10] =	ssyncset.done $0x0  }
0x175: {  	[sflag:s10] =	ssyncadd.s32 $0xFFFFC180  }
0x176: {  	[tilespmem:s7], [sflag:$0x2] =	stream.indirect.gather [hbm4b:s3+s4], $0x20, s23, s4, $0xb8;
	[tilespmem:$0x196E0] =	vst v63  }
0x177: {  	_ =	swait.ge [sflag:s11], $0x3E80  }
0x178: {  	[sflag:s11] =	ssyncset.done $0x0  }
0x179: {  	[sflag:s11] =	ssyncadd.s32 $0xFFFFC180  }
0x17a: {  	[tilespmem:s6], [sflag:$0x3] =	stream.indirect.gather [hbm4b:s3+s4], $0x20, s22, s4, $0xb8;
	[tilespmem:$0x196E0] =	vst v63  }
0x17b: {  	_ =	swait.ge [sflag:s12], $0x3E80  }
0x17c: {  	[sflag:s12] =	ssyncset.done $0x0  }
0x17d: {  	[sflag:s12] =	ssyncadd.s32 $0xFFFFC180  }
0x17e: {  	[tilespmem:s5], [sflag:$0x4] =	stream.indirect.gather [hbm4b:s3+s4], $0x20, s21, s4, $0xb8;
	[tilespmem:$0x196E0] =	vst v63  }
0x17f: {  	_ =	swait.ge [sflag:s16], $0x3E80  }
0x180: {  	[sflag:s16] =	ssyncset.done $0x0  }
0x181: {  	[sflag:s16] =	ssyncadd.s32 $0xFFFFC180  }
0x182: {  	[spmem:s1] =	stream.indirect.scatter.add.f32 [tilespmem:s8], [sflag:$0x5], $0x20, s20, s4, $0xb8;
	[tilespmem:$0x196E0] =	vst v63  }
0x183: {  	_ =	swait.ge [sflag:s15], $0x3E80  }
0x184: {  	[sflag:s15] =	ssyncset.done $0x0  }
0x185: {  	[sflag:s15] =	ssyncadd.s32 $0xFFFFC180  }
0x186: {  	[spmem:s1] =	stream.indirect.scatter.add.f32 [tilespmem:s7], [sflag:$0x6], $0x20, s19, s4, $0xb8;
	[tilespmem:$0x196E0] =	vst v63  }
0x187: {  	_ =	swait.ge [sflag:s14], $0x3E80  }
0x188: {  	[sflag:s14] =	ssyncset.done $0x0  }
0x189: {  	[sflag:s14] =	ssyncadd.s32 $0xFFFFC180  }
0x18a: {  	[spmem:s1] =	stream.indirect.scatter.add.f32 [tilespmem:s6], [sflag:$0x7], $0x20, s18, s4, $0xb8;
	[tilespmem:$0x196E0] =	vst v63  }
0x18b: {  	_ =	swait.ge [sflag:s13], $0x3E80  }
0x18c: {  	[sflag:s13] =	ssyncset.done $0x0  }
0x18d: {  	s17 =	simm.s32 $0x4CC8;
	[sflag:s13] =	ssyncadd.s32 $0xFFFFC180  }
0x18e: {  	[spmem:s1] =	stream.indirect.scatter.add.f32 [tilespmem:s5], [sflag:$0x8], $0x20, s17, s4, $0xb8;
	[tilespmem:$0x196E0] =	vst v63  }
0x18f: {  	_ =	swait.ge [sflag:s9], $0x3E80  }
0x190: {  	[sflag:s9] =	ssyncset.done $0x0  }
0x191: {  	[sflag:s9] =	ssyncadd.s32 $0xFFFFC180  }
0x192: {  	_ =	swait.ge [sflag:s10], $0x3E80  }
0x193: {  	[sflag:s10] =	ssyncset.done $0x0  }
0x194: {  	[sflag:s10] =	ssyncadd.s32 $0xFFFFC180  }
0x195: {  	_ =	swait.ge [sflag:s11], $0x3E80  }
0x196: {  	[sflag:s11] =	ssyncset.done $0x0  }
0x197: {  	[sflag:s11] =	ssyncadd.s32 $0xFFFFC180  }
0x198: {  	_ =	swait.ge [sflag:s12], $0x3E80  }
0x199: {  	s31 =	sadd.s32 $0xFFFFFFFF, s31;
	[sflag:s12] =	ssyncset.done $0x0  }
0x19a: {  	p2 =	sne.s32 s31, $0x0;
	[sflag:s12] =	ssyncadd.s32 $0xFFFFC180  }
.Ltmp2:
0x19b: {  	[bflag:$0x0] =	sbarrier.arrive $0xFFFF;
	(pc) =	sbr.rel @p2 .LBB2_3-.Ltmp2, $4  }
0x19c: {  	s0 =	rddreg [dreg:$0x5]  }
0x19d: {  	[hbm:s0], [sflag:s30] =	dma.local @!p0 [spmem:s2], $0x9C40  }
0x19e: {  	_ =	swait.ge @!p0 [sflag:s29], $0x9C40  }
0x19f: {  	[sflag:s29] =	ssyncset.done @!p0 $0x0  }
0x1a0: {  	s31 =	rddreg [dreg:$0x2]  }
.LBB2_5:
0x1a1: {  	p1 =	por p0, !p1  }
0x1a2: {  	s30 =	simm.s32 @!p0 $0x1C09;
	[sflag:s29] =	ssyncadd.s32 @!p1 $0xFFFF63C0;
	s29 =	simm.s32 @!p0 $0x9  }
0x1a3: {  	[spmem:s2], [sflag:s30] =	dma.local @!p0 [hbm:s3], $0x9C40  }
0x1a4: {  	_ =	swait.ge @!p0 [sflag:s29], $0x9C40  }
0x1a5: {  	[sflag:s29] =	ssyncset.done @!p0 $0x0  }
0x1a6: {  	[sflag:s29] =	ssyncadd.s32 @!p0 $0xFFFF63C0  }
0x1a7: {  	[bflag:$0x0] =	sbarrier.arrive $0xFFFF  }
0x1a8: {  	s0 =	rddreg [dreg:$0x3]  }
0x1a9: {  	[tilespmem:s25], [sflag:$0x9] =	stream.linear.gather [hbm4b:s0+s25], $0x2760, $0x38;
	[tilespmem:$0x196E0] =	vst v63  }
0x1aa: {  	_ =	swait.ge [sflag:s28], $0x2760  }
0x1ab: {  	[sflag:s28] =	ssyncset.done $0x0  }
0x1ac: {  	s17 =	rddreg [dreg:$0x4];
	[sflag:s28] =	ssyncadd.s32 $0xFFFFD8A0  }
0x1ad: {  	[tilespmem:s26], [sflag:$0x9] =	stream.linear.gather [hbm4b:s17+s25], $0x2760, $0x38;
	[tilespmem:$0x196E0] =	vst v63  }
0x1ae: {  	_ =	swait.ge [sflag:s28], $0x2760  }
0x1af: {  	[sflag:s28] =	ssyncset.done $0x0  }
0x1b0: {  	[sflag:s28] =	ssyncadd.s32 $0xFFFFD8A0  }
0x1b1: {  	[tilespmem:s8], [sflag:$0x1] =	stream.indirect.gather [hbm4b:s3+s4], $0x20, s25, s4, $0xb8;
	[tilespmem:$0x196E0] =	vst v63  }
0x1b2: {  	s28 =	rddreg [dreg:$0x6]  }
0x1b3: {  	[tilespmem:s7], [sflag:$0x2] =	stream.indirect.gather [hbm4b:s3+s4], $0x20, s28, s4, $0xb8;
	[tilespmem:$0x196E0] =	vst v63  }
0x1b4: {  	s17 =	rddreg [dreg:$0x7]  }
0x1b5: {  	[tilespmem:s6], [sflag:$0x3] =	stream.indirect.gather [hbm4b:s3+s4], $0x20, s17, s4, $0xb8;
	[tilespmem:$0x196E0] =	vst v63  }
0x1b6: {  	s28 =	rddreg [dreg:$0x8]  }
0x1b7: {  	[tilespmem:s5], [sflag:$0x4] =	stream.indirect.gather [hbm4b:s3+s4], $0x20, s28, s4, $0xb8;
	[tilespmem:$0x196E0] =	vst v63  }
0x1b8: {  	_ =	swait.ge [sflag:s16], $0x3E80  }
0x1b9: {  	[sflag:s16] =	ssyncset.done $0x0  }
0x1ba: {  	[sflag:s16] =	ssyncadd.s32 $0xFFFFC180  }
0x1bb: {  	[spmem:s1] =	stream.indirect.scatter.add.f32 [tilespmem:s8], [sflag:$0x5], $0x20, s26, s4, $0xb8;
	[tilespmem:$0x196E0] =	vst v63  }
0x1bc: {  	_ =	swait.ge [sflag:s15], $0x3E80  }
0x1bd: {  	[sflag:s15] =	ssyncset.done $0x0  }
0x1be: {  	s17 =	rddreg [dreg:$0x9];
	[sflag:s15] =	ssyncadd.s32 $0xFFFFC180  }
0x1bf: {  	[spmem:s1] =	stream.indirect.scatter.add.f32 [tilespmem:s7], [sflag:$0x6], $0x20, s17, s4, $0xb8;
	[tilespmem:$0x196E0] =	vst v63  }
0x1c0: {  	_ =	swait.ge [sflag:s14], $0x3E80  }
0x1c1: {  	[sflag:s14] =	ssyncset.done $0x0  }
0x1c2: {  	s26 =	rddreg [dreg:$0xa];
	[sflag:s14] =	ssyncadd.s32 $0xFFFFC180  }
0x1c3: {  	[spmem:s1] =	stream.indirect.scatter.add.f32 [tilespmem:s6], [sflag:$0x7], $0x20, s26, s4, $0xb8;
	[tilespmem:$0x196E0] =	vst v63  }
0x1c4: {  	_ =	swait.ge [sflag:s13], $0x3E80  }
0x1c5: {  	[sflag:s13] =	ssyncset.done $0x0  }
0x1c6: {  	s28 =	rddreg [dreg:$0xb];
	[sflag:s13] =	ssyncadd.s32 $0xFFFFC180  }
0x1c7: {  	[spmem:s1] =	stream.indirect.scatter.add.f32 [tilespmem:s5], [sflag:$0x8], $0x20, s28, s4, $0xb8;
	[tilespmem:$0x196E0] =	vst v63  }
0x1c8: {  	_ =	swait.ge [sflag:s9], $0x3E80  }
0x1c9: {  	[sflag:s9] =	ssyncset.done $0x0  }
0x1ca: {  	s17 =	rddreg [dreg:$0xc];
	[sflag:s9] =	ssyncadd.s32 $0xFFFFC180  }
0x1cb: {  	[tilespmem:s8], [sflag:$0x1] =	stream.indirect.gather [hbm4b:s3+s4], $0x20, s17, s4, $0xb8;
	[tilespmem:$0x196E0] =	vst v63  }
0x1cc: {  	_ =	swait.ge [sflag:s10], $0x3E80  }
0x1cd: {  	[sflag:s10] =	ssyncset.done $0x0  }
0x1ce: {  	s26 =	rddreg [dreg:$0xd];
	[sflag:s10] =	ssyncadd.s32 $0xFFFFC180  }
0x1cf: {  	[tilespmem:s7], [sflag:$0x2] =	stream.indirect.gather [hbm4b:s3+s4], $0x20, s26, s4, $0xb8;
	[tilespmem:$0x196E0] =	vst v63  }
0x1d0: {  	_ =	swait.ge [sflag:s11], $0x3E80  }
0x1d1: {  	[sflag:s11] =	ssyncset.done $0x0  }
0x1d2: {  	s28 =	rddreg [dreg:$0xe];
	[sflag:s11] =	ssyncadd.s32 $0xFFFFC180  }
0x1d3: {  	[tilespmem:s6], [sflag:$0x3] =	stream.indirect.gather [hbm4b:s3+s4], $0x20, s28, s4, $0xb8;
	[tilespmem:$0x196E0] =	vst v63  }
0x1d4: {  	_ =	swait.ge [sflag:s12], $0x3E80  }
0x1d5: {  	[sflag:s12] =	ssyncset.done $0x0  }
0x1d6: {  	s17 =	rddreg [dreg:$0xf];
	[sflag:s12] =	ssyncadd.s32 $0xFFFFC180  }
0x1d7: {  	[tilespmem:s5], [sflag:$0x4] =	stream.indirect.gather [hbm4b:s3+s4], $0x20, s17, s4, $0xb8;
	[tilespmem:$0x196E0] =	vst v63  }
0x1d8: {  	_ =	swait.ge [sflag:s16], $0x3E80  }
0x1d9: {  	[sflag:s16] =	ssyncset.done $0x0  }
0x1da: {  	s26 =	rddreg [dreg:$0x10];
	[sflag:s16] =	ssyncadd.s32 $0xFFFFC180  }
0x1db: {  	[spmem:s1] =	stream.indirect.scatter.add.f32 [tilespmem:s8], [sflag:$0x5], $0x20, s26, s4, $0xb8;
	[tilespmem:$0x196E0] =	vst v63  }
0x1dc: {  	_ =	swait.ge [sflag:s15], $0x3E80  }
0x1dd: {  	[sflag:s15] =	ssyncset.done $0x0  }
0x1de: {  	s28 =	rddreg [dreg:$0x11];
	[sflag:s15] =	ssyncadd.s32 $0xFFFFC180  }
0x1df: {  	[spmem:s1] =	stream.indirect.scatter.add.f32 [tilespmem:s7], [sflag:$0x6], $0x20, s28, s4, $0xb8;
	[tilespmem:$0x196E0] =	vst v63  }
0x1e0: {  	_ =	swait.ge [sflag:s14], $0x3E80  }
0x1e1: {  	[sflag:s14] =	ssyncset.done $0x0  }
0x1e2: {  	s17 =	rddreg [dreg:$0x12];
	[sflag:s14] =	ssyncadd.s32 $0xFFFFC180  }
0x1e3: {  	[spmem:s1] =	stream.indirect.scatter.add.f32 [tilespmem:s6], [sflag:$0x7], $0x20, s17, s4, $0xb8;
	[tilespmem:$0x196E0] =	vst v63  }
0x1e4: {  	_ =	swait.ge [sflag:s13], $0x3E80  }
0x1e5: {  	[sflag:s13] =	ssyncset.done $0x0  }
0x1e6: {  	s26 =	rddreg [dreg:$0x13];
	[sflag:s13] =	ssyncadd.s32 $0xFFFFC180  }
0x1e7: {  	[spmem:s1] =	stream.indirect.scatter.add.f32 [tilespmem:s5], [sflag:$0x8], $0x20, s26, s4, $0xb8;
	[tilespmem:$0x196E0] =	vst v63  }
0x1e8: {  	_ =	swait.ge [sflag:s9], $0x3E80  }
0x1e9: {  	[sflag:s9] =	ssyncset.done $0x0  }
0x1ea: {  	s28 =	rddreg [dreg:$0x14];
	[sflag:s9] =	ssyncadd.s32 $0xFFFFC180  }
0x1eb: {  	[tilespmem:s8], [sflag:$0x1] =	stream.indirect.gather [hbm4b:s3+s4], $0x20, s28, s4, $0xb8;
	[tilespmem:$0x196E0] =	vst v63  }
0x1ec: {  	_ =	swait.ge [sflag:s10], $0x3E80  }
0x1ed: {  	[sflag:s10] =	ssyncset.done $0x0  }
0x1ee: {  	s17 =	rddreg [dreg:$0x15];
	[sflag:s10] =	ssyncadd.s32 $0xFFFFC180  }
0x1ef: {  	[tilespmem:s7], [sflag:$0x2] =	stream.indirect.gather [hbm4b:s3+s4], $0x20, s17, s4, $0xb8;
	[tilespmem:$0x196E0] =	vst v63  }
0x1f0: {  	_ =	swait.ge [sflag:s11], $0x3E80  }
0x1f1: {  	[sflag:s11] =	ssyncset.done $0x0  }
0x1f2: {  	s26 =	rddreg [dreg:$0x16];
	[sflag:s11] =	ssyncadd.s32 $0xFFFFC180  }
0x1f3: {  	[tilespmem:s6], [sflag:$0x3] =	stream.indirect.gather [hbm4b:s3+s4], $0x20, s26, s4, $0xb8;
	[tilespmem:$0x196E0] =	vst v63  }
0x1f4: {  	_ =	swait.ge [sflag:s12], $0x3E80  }
0x1f5: {  	[sflag:s12] =	ssyncset.done $0x0  }
0x1f6: {  	s28 =	rddreg [dreg:$0x17];
	[sflag:s12] =	ssyncadd.s32 $0xFFFFC180  }
0x1f7: {  	[tilespmem:s5], [sflag:$0x4] =	stream.indirect.gather [hbm4b:s3+s4], $0x20, s28, s4, $0xb8;
	[tilespmem:$0x196E0] =	vst v63  }
0x1f8: {  	_ =	swait.ge [sflag:s16], $0x3E80  }
0x1f9: {  	[sflag:s16] =	ssyncset.done $0x0  }
0x1fa: {  	s17 =	rddreg [dreg:$0x18];
	[sflag:s16] =	ssyncadd.s32 $0xFFFFC180  }
0x1fb: {  	[spmem:s1] =	stream.indirect.scatter.add.f32 [tilespmem:s8], [sflag:$0x5], $0x20, s17, s4, $0xb8;
	[tilespmem:$0x196E0] =	vst v63  }
0x1fc: {  	_ =	swait.ge [sflag:s15], $0x3E80  }
0x1fd: {  	[sflag:s15] =	ssyncset.done $0x0  }
0x1fe: {  	s26 =	rddreg [dreg:$0x19];
	[sflag:s15] =	ssyncadd.s32 $0xFFFFC180  }
0x1ff: {  	[spmem:s1] =	stream.indirect.scatter.add.f32 [tilespmem:s7], [sflag:$0x6], $0x20, s26, s4, $0xb8;
	[tilespmem:$0x196E0] =	vst v63  }
0x200: {  	_ =	swait.ge [sflag:s14], $0x3E80  }
0x201: {  	[sflag:s14] =	ssyncset.done $0x0  }
0x202: {  	s28 =	rddreg [dreg:$0x1a];
	[sflag:s14] =	ssyncadd.s32 $0xFFFFC180  }
0x203: {  	[spmem:s1] =	stream.indirect.scatter.add.f32 [tilespmem:s6], [sflag:$0x7], $0x20, s28, s4, $0xb8;
	[tilespmem:$0x196E0] =	vst v63  }
0x204: {  	_ =	swait.ge [sflag:s13], $0x3E80  }
0x205: {  	[sflag:s13] =	ssyncset.done $0x0  }
0x206: {  	s17 =	rddreg [dreg:$0x1b];
	[sflag:s13] =	ssyncadd.s32 $0xFFFFC180  }
0x207: {  	[spmem:s1] =	stream.indirect.scatter.add.f32 [tilespmem:s5], [sflag:$0x8], $0x20, s17, s4, $0xb8;
	[tilespmem:$0x196E0] =	vst v63  }
0x208: {  	_ =	swait.ge [sflag:s9], $0x3E80  }
0x209: {  	[sflag:s9] =	ssyncset.done $0x0  }
0x20a: {  	s26 =	rddreg [dreg:$0x1c];
	[sflag:s9] =	ssyncadd.s32 $0xFFFFC180  }
0x20b: {  	[tilespmem:s8], [sflag:$0x1] =	stream.indirect.gather [hbm4b:s3+s4], $0x20, s26, s4, $0xb8;
	[tilespmem:$0x196E0] =	vst v63  }
0x20c: {  	_ =	swait.ge [sflag:s10], $0x3E80  }
0x20d: {  	[sflag:s10] =	ssyncset.done $0x0  }
0x20e: {  	s28 =	rddreg [dreg:$0x1d];
	[sflag:s10] =	ssyncadd.s32 $0xFFFFC180  }
0x20f: {  	[tilespmem:s7], [sflag:$0x2] =	stream.indirect.gather [hbm4b:s3+s4], $0x20, s28, s4, $0xb8;
	[tilespmem:$0x196E0] =	vst v63  }
0x210: {  	_ =	swait.ge [sflag:s11], $0x3E80  }
0x211: {  	[sflag:s11] =	ssyncset.done $0x0  }
0x212: {  	s17 =	rddreg [dreg:$0x1e];
	[sflag:s11] =	ssyncadd.s32 $0xFFFFC180  }
0x213: {  	[tilespmem:s6], [sflag:$0x3] =	stream.indirect.gather [hbm4b:s3+s4], $0x20, s17, s4, $0xb8;
	[tilespmem:$0x196E0] =	vst v63  }
0x214: {  	_ =	swait.ge [sflag:s12], $0x3E80  }
0x215: {  	[sflag:s12] =	ssyncset.done $0x0  }
0x216: {  	s26 =	rddreg [dreg:$0x1f];
	[sflag:s12] =	ssyncadd.s32 $0xFFFFC180  }
0x217: {  	[tilespmem:s5], [sflag:$0x4] =	stream.indirect.gather [hbm4b:s3+s4], $0x20, s26, s4, $0xb8;
	[tilespmem:$0x196E0] =	vst v63  }
0x218: {  	_ =	swait.ge [sflag:s16], $0x3E80  }
0x219: {  	s28 =	sld [smem:$0x7FA]  }
0x21a: {  	[sflag:s16] =	ssyncset.done $0x0  }
0x21b: {  	[sflag:s16] =	ssyncadd.s32 $0xFFFFC180  }
0x21c: {  	[spmem:s1] =	stream.indirect.scatter.add.f32 [tilespmem:s8], [sflag:$0x5], $0x20, s28, s4, $0xb8;
	[tilespmem:$0x196E0] =	vst v63  }
0x21d: {  	_ =	swait.ge [sflag:s15], $0x3E80  }
0x21e: {  	s17 =	sld [smem:$0x7FB]  }
0x21f: {  	[sflag:s15] =	ssyncset.done $0x0  }
0x220: {  	[sflag:s15] =	ssyncadd.s32 $0xFFFFC180  }
0x221: {  	[spmem:s1] =	stream.indirect.scatter.add.f32 [tilespmem:s7], [sflag:$0x6], $0x20, s17, s4, $0xb8;
	[tilespmem:$0x196E0] =	vst v63  }
0x222: {  	_ =	swait.ge [sflag:s14], $0x3E80  }
0x223: {  	s26 =	sld [smem:$0x7FC]  }
0x224: {  	[sflag:s14] =	ssyncset.done $0x0  }
0x225: {  	[sflag:s14] =	ssyncadd.s32 $0xFFFFC180  }
0x226: {  	[spmem:s1] =	stream.indirect.scatter.add.f32 [tilespmem:s6], [sflag:$0x7], $0x20, s26, s4, $0xb8;
	[tilespmem:$0x196E0] =	vst v63  }
0x227: {  	_ =	swait.ge [sflag:s13], $0x3E80  }
0x228: {  	s28 =	sld [smem:$0x7FD]  }
0x229: {  	[sflag:s13] =	ssyncset.done $0x0  }
0x22a: {  	[sflag:s13] =	ssyncadd.s32 $0xFFFFC180  }
0x22b: {  	[spmem:s1] =	stream.indirect.scatter.add.f32 [tilespmem:s5], [sflag:$0x8], $0x20, s28, s4, $0xb8;
	[tilespmem:$0x196E0] =	vst v63  }
0x22c: {  	_ =	swait.ge [sflag:s9], $0x3E80  }
0x22d: {  	[sflag:s9] =	ssyncset.done $0x0  }
0x22e: {  	[sflag:s9] =	ssyncadd.s32 $0xFFFFC180  }
0x22f: {  	[tilespmem:s8], [sflag:$0x1] =	stream.indirect.gather [hbm4b:s3+s4], $0x20, s24, s4, $0xb8;
	[tilespmem:$0x196E0] =	vst v63  }
0x230: {  	_ =	swait.ge [sflag:s10], $0x3E80  }
0x231: {  	[sflag:s10] =	ssyncset.done $0x0  }
0x232: {  	[sflag:s10] =	ssyncadd.s32 $0xFFFFC180  }
0x233: {  	[tilespmem:s7], [sflag:$0x2] =	stream.indirect.gather [hbm4b:s3+s4], $0x20, s23, s4, $0xb8;
	[tilespmem:$0x196E0] =	vst v63  }
0x234: {  	_ =	swait.ge [sflag:s11], $0x3E80  }
0x235: {  	[sflag:s11] =	ssyncset.done $0x0  }
0x236: {  	[sflag:s11] =	ssyncadd.s32 $0xFFFFC180  }
0x237: {  	[tilespmem:s6], [sflag:$0x3] =	stream.indirect.gather [hbm4b:s3+s4], $0x20, s22, s4, $0xb8;
	[tilespmem:$0x196E0] =	vst v63  }
0x238: {  	_ =	swait.ge [sflag:s12], $0x3E80  }
0x239: {  	[sflag:s12] =	ssyncset.done $0x0  }
0x23a: {  	[sflag:s12] =	ssyncadd.s32 $0xFFFFC180  }
0x23b: {  	[tilespmem:s5], [sflag:$0x4] =	stream.indirect.gather [hbm4b:s3+s4], $0x20, s21, s4, $0xb8;
	[tilespmem:$0x196E0] =	vst v63  }
0x23c: {  	_ =	swait.ge [sflag:s16], $0x3E80  }
0x23d: {  	[sflag:s16] =	ssyncset.done $0x0  }
0x23e: {  	[sflag:s16] =	ssyncadd.s32 $0xFFFFC180  }
0x23f: {  	[spmem:s1] =	stream.indirect.scatter.add.f32 [tilespmem:s8], [sflag:$0x5], $0x20, s20, s4, $0xb8;
	[tilespmem:$0x196E0] =	vst v63  }
0x240: {  	_ =	swait.ge [sflag:s15], $0x3E80  }
0x241: {  	[sflag:s15] =	ssyncset.done $0x0  }
0x242: {  	[sflag:s15] =	ssyncadd.s32 $0xFFFFC180  }
0x243: {  	[spmem:s1] =	stream.indirect.scatter.add.f32 [tilespmem:s7], [sflag:$0x6], $0x20, s19, s4, $0xb8;
	[tilespmem:$0x196E0] =	vst v63  }
0x244: {  	_ =	swait.ge [sflag:s14], $0x3E80  }
0x245: {  	[sflag:s14] =	ssyncset.done $0x0  }
0x246: {  	[sflag:s14] =	ssyncadd.s32 $0xFFFFC180  }
0x247: {  	[spmem:s1] =	stream.indirect.scatter.add.f32 [tilespmem:s6], [sflag:$0x7], $0x20, s18, s4, $0xb8;
	[tilespmem:$0x196E0] =	vst v63  }
0x248: {  	_ =	swait.ge [sflag:s13], $0x3E80  }
0x249: {  	[sflag:s13] =	ssyncset.done $0x0  }
0x24a: {  	s25 =	simm.s32 $0x4CC8;
	[sflag:s13] =	ssyncadd.s32 $0xFFFFC180  }
0x24b: {  	[spmem:s1] =	stream.indirect.scatter.add.f32 [tilespmem:s5], [sflag:$0x8], $0x20, s25, s4, $0xb8;
	[tilespmem:$0x196E0] =	vst v63  }
0x24c: {  	_ =	swait.ge [sflag:s9], $0x3E80  }
0x24d: {  	[sflag:s9] =	ssyncset.done $0x0  }
0x24e: {  	[sflag:s9] =	ssyncadd.s32 $0xFFFFC180  }
0x24f: {  	_ =	swait.ge [sflag:s10], $0x3E80  }
0x250: {  	[sflag:s10] =	ssyncset.done $0x0  }
0x251: {  	[sflag:s10] =	ssyncadd.s32 $0xFFFFC180  }
0x252: {  	_ =	swait.ge [sflag:s11], $0x3E80  }
0x253: {  	[sflag:s11] =	ssyncset.done $0x0  }
0x254: {  	[sflag:s11] =	ssyncadd.s32 $0xFFFFC180  }
0x255: {  	_ =	swait.ge [sflag:s12], $0x3E80  }
0x256: {  	[sflag:s12] =	ssyncset.done $0x0  }
0x257: {  	[sflag:s12] =	ssyncadd.s32 $0xFFFFC180  }
0x258: {  	[bflag:$0x0] =	sbarrier.arrive $0xFFFF  }
0x259: {  	s0 =	rddreg [dreg:$0x5]  }
0x25a: {  	[hbm:s0], [sflag:s30] =	dma.local @!p0 [spmem:s2], $0x9C40  }
0x25b: {  	_ =	swait.ge @!p0 [sflag:s29], $0x9C40  }
0x25c: {  	[sflag:s29] =	ssyncset.done @!p0 $0x0  }
0x25d: {  	[sflag:s29] =	ssyncadd.s32 @!p0 $0xFFFF63C0  }
0x25e: {  	_ =	sfence.sel $0x180000  }
0x25f: {  	[bflag:$0x0] =	sbarrier.arrive $0xFFFF  }
0x260: {  	_ =	strace $0x9000004A  }
0x261: {  	s0 =	sadd.s32 @!p0 $0x100000, s31;
	[bflag:$0x2] =	sbarrier.arrive $0xFFFF  }
0x262: {  	[sflag:s0] =	ssyncadd.tile.s32 @!p0 $0x1;
	_ =	shalt  }
.LBB2_2:
.Ltmp3:
0x263: {  	(pc) =	sbr.rel .LBB2_5-.Ltmp3, $2  }
0x264: {  	_ =	sdelay $0x2  }
0x265: {  	s31 =	rddreg [dreg:$0x2]  }
.Lfunc_end2:
_tile_overlayer_lowered:
.L_overlay_start_2:
0x266: {  	(tag) =	ssettag $0x2  }
0x267: {  	s0 =	rddreg [dreg:$0x0];
	s2 =	stileid.u32  }
0x268: {  	s1 =	rddreg [dreg:$0x1];
	p0 =	sne.s32 s2, $0x0  }
0x269: {  	s3 =	rddreg [dreg:$0x2];
	[bflag:$0x3] =	sbarrier.arrive $0xFFFF;
	s2 =	simm.s32 @!p0 $0x1C09  }
0x26a: {  	[timem:s3], [sflag:s2] =	dma.local @!p0 [hbm:s0], s1  }
0x26b: {  	s0 =	simm.s32 @!p0 $0x9  }
0x26c: {  	_ =	swait.ge @!p0 [sflag:s0], s1  }
0x26d: {  	s1 =	ssub.s32 @!p0 $0x0, s1;
	[sflag:s0] =	ssyncset.done @!p0 $0x0  }
0x26e: {  	[sflag:s0] =	ssyncadd.s32 @!p0 s1  }
0x26f: {  	[bflag:$0x3] =	sbarrier.arrive $0xFFFF  }
0x270: {  	_ =	shalt  }

// kernel: kernel.14.cloned.1.call-start
scs
__scs_entry_jumppad:
0x0: {  	(pc) =	sbr.rel $0x88, $3  }
0x1: {  	(tag) =	ssettag $0x0;
	lr =	simm.s32 $0x1  }
0x2: {  	[smem:$0x3F95] =	sst lr;
	_ =	strace $0xD0000000  }
0x3: {  	_ = 	snop  }
0x4: {  	_ = 	snop  }
0x5: {  	_ = 	snop  }
0x6: {  	_ = 	snop  }
0x7: {  	_ = 	snop  }
__scs_overlays_trampoline_lowered:
0x8: {  	[smem:$0x3FA4] =	sst s0  }
0x9: {  	[smem:$0x3FA5] =	sst s1  }
0xa: {  	[smem:$0x3FA6] =	sst s2  }
0xb: {  	[smem:$0x3FA7] =	sst s3  }
0xc: {  	[smem:$0x3FA8] =	sst s4  }
0xd: {  	[smem:$0x3FA9] =	sst s5  }
0xe: {  	[smem:$0x3FAA] =	sst s6  }
0xf: {  	[smem:$0x3FAB] =	sst s7  }
0x10: {  	[smem:$0x3FAC] =	sst s8  }
0x11: {  	[smem:$0x3FAD] =	sst s9;
	s0 =	simm.s32 @!p0 $0x0  }
0x12: {  	s1 =	sld [smem:$0x3F93];
	s0 =	simm.s32 @p0 $0x1  }
0x13: {  	[smem:$0x3FAE] =	sst s0;
	s0 =	simm.s32 @!p1 $0x0  }
0x14: {  	s2 =	sld [smem:$0x3F92];
	s0 =	simm.s32 @p1 $0x1  }
0x15: {  	[smem:$0x3FAF] =	sst s0;
	s0 =	simm.s32 @!p2 $0x0  }
0x16: {  	s3 =	sld [smem:$0x3FDB];
	s0 =	simm.s32 @p2 $0x1  }
0x17: {  	s4 =	simm.s32 $0x1BF5;
	[smem:$0x3FB1] =	sst s0  }
0x18: {  	s0 =	sld [smem:$0x3F94];
	_ =	swait.ge [sflag:s4], $0x0  }
0x19: {  	s7 =	sld [smem:$0x3F95]  }
0x1a: {  	s8 =	sadd.s32 $0xFFFFE003, lr  }
0x1b: {  	s9 =	sadd.s32 $0xFFFFFEF7, lr;
	s5 =	simm.s32 $0xFFFFFFFF;
	p2 =	slt.u32 s8, $0xFFFFF086  }
0x1c: {  	p1 =	slt.u32 s9, $0xF7A;
	s5 =	simm.s32 @!p2 $0x0  }
0x1d: {  	s5 =	simm.s32 @p1 $0x1;
	p0 =	seq.s32 s7, s2  }
0x1e: {  	s7 =	smul.u32 @!p0 $0xF7A, s2;
	p2 =	seq.s32 @!p0 s5, $0x0  }
0x1f: {  	s9 =	smul.u32 $0xF7A, s1;
	s8 =	simm.s32 @!p0 $0x1BF5;
	p2 =	por !p2, p0  }
0x20: {  	[sflag:s8] =	ssyncset.s32 @!p0 $0xFFFFF086;
	s6 =	sadd.s32 @!p0 s3, s7;
	s7 =	simm.s32 @!p0 $0x108  }
0x21: {  	s3 =	sadd.s32 s3, s9;
	s6 =	sadd.s32 @!p0 $0x88, s6;
	s7 =	simm.s32 @p2 $0x1082  }
0x22: {  	[simem:s7], [sflag:s8] =	dma.local @!p0 [hbm:s6], $0xF7A  }
0x23: {  	s9 =	sor.u32 $0xD0000000, s2;
	s6 =	simm.s32 $0x108;
	_ =	swait.ge @!p0 [sflag:s8], $0x0  }
0x24: {  	s3 =	sadd.s32 $0x88, s3;
	s6 =	simm.s32 @!p1 $0x1082;
	[sflag:s4] =	ssyncset.s32 $0xFFFFF086  }
0x25: {  	[simem:s6], [sflag:s4] =	dma.local [hbm:s3], $0xF7A  }
0x26: {  	[smem:$0x3F95] =	sst s1;
	(tag) =	ssettag s2;
	_ =	strace s9  }
0x27: {  	s1 =	sld [smem:$0x3FA5]  }
0x28: {  	s2 =	sld [smem:$0x3FA6]  }
0x29: {  	s4 =	sld [smem:$0x3FA8]  }
0x2a: {  	p0 =	seq.s32 s5, $0x0;
	s5 =	sld [smem:$0x3FA9]  }
0x2b: {  	s6 =	sld [smem:$0x3FAA]  }
0x2c: {  	s7 =	sld [smem:$0x3FAB]  }
0x2d: {  	s3 =	simm.s32 $0x108;
	s8 =	sld [smem:$0x3FAC]  }
0x2e: {  	s3 =	simm.s32 @!p0 $0x1082;
	s9 =	sld [smem:$0x3FAD]  }
0x2f: {  	lr =	sadd.s32 s0, s3;
	s0 =	sld [smem:$0x3FA4]  }
0x30: {  	s3 =	sld [smem:$0x3FA7]  }
0x31: {  	[smem:$0x3FB0] =	sst s10  }
0x32: {  	s10 =	sld [smem:$0x3FAE];
	_ =	sdelay $0x3  }
0x33: {  	p0 =	seq.s32 s10, $0x1;
	s10 =	sld [smem:$0x3FB0];
	_ =	sdelay $0x3  }
0x34: {  	[smem:$0x3FB0] =	sst s10  }
0x35: {  	s10 =	sld [smem:$0x3FAF];
	_ =	sdelay $0x3  }
0x36: {  	p1 =	seq.s32 s10, $0x1;
	s10 =	sld [smem:$0x3FB0];
	_ =	sdelay $0x3  }
0x37: {  	[smem:$0x3FB0] =	sst s10  }
0x38: {  	s10 =	sld [smem:$0x3FB1]  }
0x39: {  	_ = 	snop;
	(pc) =	sbr.ind lr, $3  }
0x3a: {  	_ = 	snop  }
0x3b: {  	_ = 	snop  }
0x3c: {  	p2 =	seq.s32 s10, $0x1;
	s10 =	sld [smem:$0x3FB0]  }
0x3d: {  	_ =	shalt  }
0x3e: {  	_ =	shalt  }
0x3f: {  	_ =	shalt  }
0x40: {  	_ =	shalt  }
0x41: {  	_ =	shalt  }
0x42: {  	_ =	shalt  }
0x43: {  	_ =	shalt  }
0x44: {  	_ =	shalt  }
0x45: {  	_ =	shalt  }
0x46: {  	_ =	shalt  }
0x47: {  	_ =	shalt  }
0x48: {  	_ =	shalt  }
0x49: {  	_ =	shalt  }
0x4a: {  	_ =	shalt  }
0x4b: {  	_ =	shalt  }
0x4c: {  	_ =	shalt  }
0x4d: {  	_ =	shalt  }
0x4e: {  	_ =	shalt  }
0x4f: {  	_ =	shalt  }
0x50: {  	_ =	shalt  }
0x51: {  	_ =	shalt  }
0x52: {  	_ =	shalt  }
0x53: {  	_ =	shalt  }
0x54: {  	_ =	shalt  }
0x55: {  	_ =	shalt  }
0x56: {  	_ =	shalt  }
0x57: {  	_ =	shalt  }
0x58: {  	_ =	shalt  }
0x59: {  	_ =	shalt  }
0x5a: {  	_ =	shalt  }
0x5b: {  	_ =	shalt  }
0x5c: {  	_ =	shalt  }
0x5d: {  	_ =	shalt  }
0x5e: {  	_ =	shalt  }
0x5f: {  	_ =	shalt  }
0x60: {  	_ =	shalt  }
0x61: {  	_ =	shalt  }
0x62: {  	_ =	shalt  }
0x63: {  	_ =	shalt  }
0x64: {  	_ =	shalt  }
0x65: {  	_ =	shalt  }
0x66: {  	_ =	shalt  }
0x67: {  	_ =	shalt  }
0x68: {  	_ =	shalt  }
0x69: {  	_ =	shalt  }
0x6a: {  	_ =	shalt  }
0x6b: {  	_ =	shalt  }
0x6c: {  	_ =	shalt  }
0x6d: {  	_ =	shalt  }
0x6e: {  	_ =	shalt  }
0x6f: {  	_ =	shalt  }
0x70: {  	_ =	shalt  }
0x71: {  	_ =	shalt  }
0x72: {  	_ =	shalt  }
0x73: {  	_ =	shalt  }
0x74: {  	_ =	shalt  }
0x75: {  	_ =	shalt  }
0x76: {  	_ =	shalt  }
0x77: {  	_ =	shalt  }
0x78: {  	_ =	shalt  }
0x79: {  	_ =	shalt  }
0x7a: {  	_ =	shalt  }
0x7b: {  	_ =	shalt  }
0x7c: {  	_ =	shalt  }
0x7d: {  	_ =	shalt  }
0x7e: {  	_ =	shalt  }
0x7f: {  	_ =	shalt  }
0x80: {  	_ =	shalt  }
0x81: {  	_ =	shalt  }
0x82: {  	_ =	shalt  }
0x83: {  	_ =	shalt  }
0x84: {  	_ =	shalt  }
0x85: {  	_ =	shalt  }
0x86: {  	_ =	shalt  }
0x87: {  	_ =	shalt  }
.Lfunc_end0:
.L_simem_size_0:
called_computation.2_lowered:
.L_overlay_start_0:
0x88: {  	s2 =	sld [smem:$0x3FD9]  }
0x89: {  	s3 =	sld [smem:$0x3FFE];
	_ =	sdelay $0x1  }
0x8a: {  	s1 =	srdreg.scid  }
0x8b: {  	s0 =	sand.u32 $0x1, s1  }
0x8c: {  	s16 =	sshll.u32 s0, $0xA;
	s2 =	sadd.s32 s3, s2  }
0x8d: {  	s2 =	sadd.s32 s2, s16  }
0x8e: {  	[smem:$0x3FBC] =	sst s2  }
0x8f: {  	_ = 	snop  }
0x90: {  	(tm) =	ssettm $0x1  }
0x91: {  	s17 =	sld [smem:$0x3FFB];
	_ =	sdelay $0x3  }
0x92: {  	_ =	strace s17  }
0x93: {  	s2 =	sld [smem:$0x3FFC];
	_ =	sdelay $0x3  }
0x94: {  	_ =	strace s2  }
0x95: {  	s2 =	sld [smem:$0x3FFD];
	_ =	sdelay $0x3  }
0x96: {  	_ =	strace s2  }
0x97: {  	_ =	strace $0x8FFFFFFF  }
0x98: {  	s18 =	sld [smem:$0x3FDB];
	_ =	sdelay $0x1  }
0x99: {  	s19 =	simm.s32 $_scs_section_size  }
0x9a: {  	s4 =	simm.s32 $_size__tile_overlayer_lowered;
	s5 =	simm.s32 $_tile_overlayer_lowered  }
0x9b: {  	s22 =	simm.s32 $0x1BFF;
	s21 =	sshll.u32 s5, $0x1;
	s2 =	sadd.s32 s19, s18  }
0x9c: {  	s6 =	simm.s32 $0x0;
	s20 =	sshll.u32 s4, $0x1;
	s4 =	sadd.s32 s21, s2  }
0x9d: {  	[timem:s6], [sflag:s22] =	dma.local [hbm:s4], s20  }
0x9e: {  	_ =	swait.ge [sflag:s22], s20  }
0x9f: {  	s3 =	ssub.s32 $0x0, s20;
	[sflag:s22] =	ssyncset.done $0x0  }
0xa0: {  	[sflag:s22] =	ssyncadd.s32 s3;
	_ =	sdelay $0x1  }
0xa1: {  	s23 =	simm.s32 $0x1B8B  }
0xa2: {  	_ =	swait.ge [sflag:s23], $0x1  }
0xa3: {  	[sflag:s23] =	ssyncset.done $0x0  }
0xa4: {  	s25 =	simm.s32 $0x1B8E;
	s24 =	sld [smem:$0x3FFE];
	[sflag:s23] =	ssyncadd.s32 $0xFFFFFFFF  }
0xa5: {  	s26 =	simm.s32 $execute0_lowered;
	[smem:$0x3FD2] =	sst s25  }
0xa6: {  	s4 =	sshll.u32 s26, $0x1;
	_ =	strace $0x8000004C;
	[dreg:$0x1] =	wrdreg $0xFFFFFFFF  }
0xa7: {  	s28 =	simm.s32 $_size_execute0_lowered;
	s2 =	sadd.s32 s2, s4;
	[dreg:$0x0] =	wrdreg $0x0  }
0xa8: {  	s4 =	sshll.u32 s28, $0x1;
	[dreg:$0x2] =	wrdreg s2  }
0xa9: {  	[dreg:$0x3] =	wrdreg s4  }
0xaa: {  	[dreg:$0x4] =	wrdreg $0xC0  }
0xab: {  	_ =	task [dreg:s6], $0x5FFFF  }
0xac: {  	[dreg:$0x1] =	wrdreg $0xFFFFFFFF  }
0xad: {  	[dreg:$0x0] =	wrdreg $0x60  }
0xae: {  	[dreg:$0x2] =	wrdreg s24  }
0xaf: {  	[dreg:$0x3] =	wrdreg $0x148C00  }
0xb0: {  	[dreg:$0x4] =	wrdreg $0x9  }
0xb1: {  	_ =	task.clear_ibuf [dreg:s6], $0x5FFFF;
	_ =	strace $0x9000004C  }
0xb2: {  	s29 =	simm.s32 $0x9;
	_ =	strace $0x8000004E  }
0xb3: {  	_ =	swait.ge [sflag:s29], $0x1  }
0xb4: {  	[sflag:s29] =	ssyncadd.s32 $0xFFFFFFFF  }
0xb5: {  	_ =	strace $0x9000004E  }
0xb6: {  	_ =	sfence  }
0xb7: {  	s30 =	sld [smem:$0x0];
	_ =	sdelay $0x2  }
0xb8: {  	s31 =	sshll.u32 s1, $0xD;
	s1 =	sshrl.u32 s1, $0x2  }
0xb9: {  	s3 =	sand.u32 $0x4000, s31;
	s1 =	sadd.s32 s1, s30  }
0xba: {  	s0 =	sor.u32 s3, s0;
	s1 =	sshll.u32 s1, $0x11  }
0xbb: {  	s0 =	sor.u32 s1, s0  }
0xbc: {  	s0 =	sadd.s32 $0x8F2B, s0  }
0xbd: {  	[sflag:s0] =	ssyncadd.remote.s32 $0x1  }
0xbe: {  	_ =	sfence.sel $0xFFFF  }
0xbf: {  	[dreg:$0x0] =	wrdreg $0xFFFFFFFF;
	(pc) =	sbr.abs _section_cstart, $3  }
0xc0: {  	[dreg:$0x1] =	wrdreg $0xFFFFFFFF  }
0xc1: {  	_ =	task.clear_ibuf [dreg:s6], $0x2FFFF;
	_ =	strace $0x9FFFFFFF  }
0xc2: {  	(tm) =	ssettm $0x7FFFFFFF  }
0xc3: {  	_ =	shalt  }
tec
execute0_lowered:
.L_overlay_start_1:
0x0: {  	(tag) =	ssettag $0x1  }
0x1: {  	s3 =	rddreg [dreg:$0x0]  }
0x2: {  	s1 =	rddreg [dreg:$0x1]  }
0x3: {  	s31 =	rddreg [dreg:$0x2];
	s25 =	simm.s32 $0x0  }
0x4: {  	s21 =	simm.s32 $0x1F8;
	[smem:$0x7FF] =	sst s25  }
0x5: {  	s22 =	simm.s32 $0x3F0;
	_ =	strace $0x8000004D;
	[dreg:$0x6] =	wrdreg s21  }
0x6: {  	s23 =	simm.s32 $0x5E8;
	[dreg:$0x7] =	wrdreg s22  }
0x7: {  	s24 =	simm.s32 $0x2958;
	[dreg:$0x8] =	wrdreg s23  }
0x8: {  	s26 =	simm.s32 $0x2B50;
	[dreg:$0x9] =	wrdreg s24  }
0x9: {  	s0 =	srdreg.scid;
	s30 =	simm.s32 $0x2D48;
	[dreg:$0xa] =	wrdreg s26  }
0xa: {  	s4 =	stileid.u32;
	s8 =	simm.s32 $0xDC8;
	[dreg:$0xb] =	wrdreg s30  }
0xb: {  	s10 =	simm.s32 $0x2F40;
	s11 =	simm.s32 $0x3138;
	[dreg:$0xf] =	wrdreg s8  }
0xc: {  	s12 =	simm.s32 $0x3330;
	s13 =	simm.s32 $0x3528;
	[dreg:$0x10] =	wrdreg s10  }
0xd: {  	s14 =	simm.s32 $0xFC0;
	s28 =	simm.s32 $0x9;
	[dreg:$0x11] =	wrdreg s11  }
0xe: {  	s15 =	simm.s32 $0x11B8;
	s16 =	simm.s32 $0x13B0;
	[dreg:$0x12] =	wrdreg s12  }
0xf: {  	s18 =	simm.s32 $0x15A8;
	s19 =	simm.s32 $0x3720;
	[dreg:$0x13] =	wrdreg s13  }
0x10: {  	p1 =	por $0x0, $0x0;
	s2 =	sand.u32 $0x1, s0;
	[dreg:$0x14] =	wrdreg s14  }
0x11: {  	p0 =	sne.s32 s4, $0x0;
	s0 =	sshll.u32 s2, $0x4;
	[dreg:$0x15] =	wrdreg s15  }
0x12: {  	s6 =	smul.u32 $0x9C40, s2;
	s2 =	ssub.s32 $0x2, s2;
	[dreg:$0x16] =	wrdreg s16  }
0x13: {  	s26 =	simm.s32 $0x2760;
	s8 =	simm.s32 $0x4EC0;
	[dreg:$0x17] =	wrdreg s18  }
0x14: {  	[dreg:$0x18] =	wrdreg s19;
	s21 =	simm.s32 $0x3D08;
	s16 =	simm.s32 $0x1  }
0x15: {  	s22 =	simm.s32 $0x17A0;
	s15 =	simm.s32 $0x2;
	[dreg:$0x1b] =	wrdreg s21  }
0x16: {  	s23 =	simm.s32 $0x1998;
	s14 =	simm.s32 $0x3;
	[dreg:$0x1c] =	wrdreg s22  }
0x17: {  	s24 =	simm.s32 $0x1B90;
	s13 =	simm.s32 $0x4;
	[dreg:$0x1d] =	wrdreg s23  }
0x18: {  	s10 =	simm.s32 $0x1D88;
	s11 =	simm.s32 $0x3F00;
	[dreg:$0x1e] =	wrdreg s24  }
0x19: {  	s12 =	simm.s32 $0x40F8;
	s18 =	simm.s32 $0x42F0;
	[dreg:$0x1f] =	wrdreg s10  }
0x1a: {  	s30 =	simm.s32 $0x44E8;
	s19 =	simm.s32 $0x48D8;
	[smem:$0x7FA] =	sst s11  }
0x1b: {  	s0 =	sor.u32 s4, s0;
	s9 =	sshrl.u32 s2, $0x1;
	[smem:$0x7FB] =	sst s12  }
0x1c: {  	s4 =	simm.s32 $0x1F4;
	s10 =	simm.s32 $0x6;
	[smem:$0x7FC] =	sst s18  }
0x1d: {  	s11 =	simm.s32 $0x7;
	s12 =	simm.s32 $0x8;
	[smem:$0x7FD] =	sst s30  }
0x1e: {  	s24 =	simm.s32 $0x1F80;
	s23 =	simm.s32 $0x2178;
	s22 =	simm.s32 $0x2370  }
0x1f: {  	s21 =	simm.s32 $0x2568;
	s18 =	simm.s32 $0x4AD0;
	s5 =	smul.u32 $0x4EC, s0  }
0x20: {  	s6 =	sadd.s32 s6, s3;
	s0 =	simm.s32 $0x7E0;
	s2 =	ssub.s32 s2, s9  }
0x21: {  	s9 =	simm.s32 $0x3B10;
	s20 =	sadd.s32 $0x48A00, s6;
	[dreg:$0xc] =	wrdreg s0  }
0x22: {  	s6 =	simm.s32 $0x9D8;
	s17 =	smax.u32 s2, $0x1;
	s2 =	sshrl.u32 @!p0 s1, $0x3  }
0x23: {  	[dreg:$0x1a] =	wrdreg s9;
	s9 =	simm.s32 $0x5;
	s17 =	sadd.s32 $0xFFFFFFFF, s17  }
0x24: {  	s5 =	sadd.s32 s5, s3;
	[dreg:$0x5] =	wrdreg s20;
	p2 =	sne.s32 s17, $0x0  }
.Ltmp0:
0x25: {  	[dreg:$0xd] =	wrdreg s6;
	s20 =	simm.s32 $0x3918;
	(pc) =	sbr.rel @!p2 .LBB2_5-.Ltmp0, $4  }
0x26: {  	s3 =	sadd.s32 $0x3EC00, s3;
	s7 =	sadd.s32 $0xDC00, s5;
	[dreg:$0x19] =	wrdreg s20  }
0x27: {  	s6 =	simm.s32 $0xCBC0;
	s5 =	sadd.s32 $0x3600, s5;
	[dreg:$0x3] =	wrdreg s7  }
0x28: {  	s20 =	simm.s32 $0x46E0;
	[dreg:$0x4] =	wrdreg s5;
	s7 =	simm.s32 $0xBD0  }
0x29: {  	s5 =	simm.s32 $0x10A40;
	[dreg:$0xe] =	wrdreg s7;
	s7 =	simm.s32 $0x8D40  }
0x2a: {  	s30 =	simm.s32 @!p0 $0x1C09;
	s29 =	simm.s32 @!p0 $0x9  }
0x2b: {  	[spmem:s2], [sflag:s30] =	dma.local @!p0 [hbm:s3], $0x9C40  }
0x2c: {  	_ =	swait.ge @!p0 [sflag:s29], $0x9C40  }
0x2d: {  	[sflag:s29] =	ssyncset.done @!p0 $0x0  }
0x2e: {  	[sflag:s29] =	ssyncadd.s32 @!p0 $0xFFFF63C0  }
0x2f: {  	[bflag:$0x0] =	sbarrier.arrive $0xFFFF  }
0x30: {  	s0 =	rddreg [dreg:$0x3]  }
0x31: {  	[tilespmem:s25], [sflag:$0x9] =	stream.linear.gather [hbm4b:s0+s25], $0x2760, $0x38;
	[tilespmem:$0x196E0] =	vst v63  }
0x32: {  	_ =	swait.ge [sflag:s28], $0x2760  }
0x33: {  	[sflag:s28] =	ssyncset.done $0x0  }
0x34: {  	s0 =	rddreg [dreg:$0x4];
	[sflag:s28] =	ssyncadd.s32 $0xFFFFD8A0  }
0x35: {  	[tilespmem:s26], [sflag:$0x9] =	stream.linear.gather [hbm4b:s0+s25], $0x2760, $0x38;
	[tilespmem:$0x196E0] =	vst v63  }
0x36: {  	_ =	swait.ge [sflag:s28], $0x2760  }
0x37: {  	[sflag:s28] =	ssyncset.done $0x0  }
0x38: {  	[sflag:s28] =	ssyncadd.s32 $0xFFFFD8A0  }
0x39: {  	[tilespmem:s8], [sflag:$0x1] =	stream.indirect.gather [hbm4b:s3+s4], $0x20, s25, s4, $0xb8;
	[tilespmem:$0x196E0] =	vst v63  }
0x3a: {  	s0 =	rddreg [dreg:$0x6]  }
0x3b: {  	[tilespmem:s7], [sflag:$0x2] =	stream.indirect.gather [hbm4b:s3+s4], $0x20, s0, s4, $0xb8;
	[tilespmem:$0x196E0] =	vst v63  }
0x3c: {  	s31 =	rddreg [dreg:$0x7]  }
0x3d: {  	[tilespmem:s6], [sflag:$0x3] =	stream.indirect.gather [hbm4b:s3+s4], $0x20, s31, s4, $0xb8;
	[tilespmem:$0x196E0] =	vst v63  }
0x3e: {  	s0 =	rddreg [dreg:$0x8]  }
0x3f: {  	[tilespmem:s5], [sflag:$0x4] =	stream.indirect.gather [hbm4b:s3+s4], $0x20, s0, s4, $0xb8;
	[tilespmem:$0x196E0] =	vst v63  }
0x40: {  	_ =	swait.ge [sflag:s16], $0x3E80  }
0x41: {  	[sflag:s16] =	ssyncset.done $0x0  }
0x42: {  	[sflag:s16] =	ssyncadd.s32 $0xFFFFC180  }
0x43: {  	[spmem:s1] =	stream.indirect.scatter.add.f32 [tilespmem:s8], [sflag:$0x5], $0x20, s26, s4, $0xb8;
	[tilespmem:$0x196E0] =	vst v63  }
0x44: {  	_ =	swait.ge [sflag:s15], $0x3E80  }
0x45: {  	[sflag:s15] =	ssyncset.done $0x0  }
0x46: {  	s0 =	rddreg [dreg:$0x9];
	[sflag:s15] =	ssyncadd.s32 $0xFFFFC180  }
0x47: {  	[spmem:s1] =	stream.indirect.scatter.add.f32 [tilespmem:s7], [sflag:$0x6], $0x20, s0, s4, $0xb8;
	[tilespmem:$0x196E0] =	vst v63  }
0x48: {  	_ =	swait.ge [sflag:s14], $0x3E80  }
0x49: {  	[sflag:s14] =	ssyncset.done $0x0  }
0x4a: {  	s0 =	rddreg [dreg:$0xa];
	[sflag:s14] =	ssyncadd.s32 $0xFFFFC180  }
0x4b: {  	[spmem:s1] =	stream.indirect.scatter.add.f32 [tilespmem:s6], [sflag:$0x7], $0x20, s0, s4, $0xb8;
	[tilespmem:$0x196E0] =	vst v63  }
0x4c: {  	_ =	swait.ge [sflag:s13], $0x3E80  }
0x4d: {  	[sflag:s13] =	ssyncset.done $0x0  }
0x4e: {  	s0 =	rddreg [dreg:$0xb];
	[sflag:s13] =	ssyncadd.s32 $0xFFFFC180  }
0x4f: {  	[spmem:s1] =	stream.indirect.scatter.add.f32 [tilespmem:s5], [sflag:$0x8], $0x20, s0, s4, $0xb8;
	[tilespmem:$0x196E0] =	vst v63  }
0x50: {  	_ =	swait.ge [sflag:s9], $0x3E80  }
0x51: {  	[sflag:s9] =	ssyncset.done $0x0  }
0x52: {  	s0 =	rddreg [dreg:$0xc];
	[sflag:s9] =	ssyncadd.s32 $0xFFFFC180  }
0x53: {  	[tilespmem:s8], [sflag:$0x1] =	stream.indirect.gather [hbm4b:s3+s4], $0x20, s0, s4, $0xb8;
	[tilespmem:$0x196E0] =	vst v63  }
0x54: {  	_ =	swait.ge [sflag:s10], $0x3E80  }
0x55: {  	[sflag:s10] =	ssyncset.done $0x0  }
0x56: {  	s0 =	rddreg [dreg:$0xd];
	[sflag:s10] =	ssyncadd.s32 $0xFFFFC180  }
0x57: {  	[tilespmem:s7], [sflag:$0x2] =	stream.indirect.gather [hbm4b:s3+s4], $0x20, s0, s4, $0xb8;
	[tilespmem:$0x196E0] =	vst v63  }
0x58: {  	_ =	swait.ge [sflag:s11], $0x3E80  }
0x59: {  	[sflag:s11] =	ssyncset.done $0x0  }
0x5a: {  	s0 =	rddreg [dreg:$0xe];
	[sflag:s11] =	ssyncadd.s32 $0xFFFFC180  }
0x5b: {  	[tilespmem:s6], [sflag:$0x3] =	stream.indirect.gather [hbm4b:s3+s4], $0x20, s0, s4, $0xb8;
	[tilespmem:$0x196E0] =	vst v63  }
0x5c: {  	_ =	swait.ge [sflag:s12], $0x3E80  }
0x5d: {  	[sflag:s12] =	ssyncset.done $0x0  }
0x5e: {  	s0 =	rddreg [dreg:$0xf];
	[sflag:s12] =	ssyncadd.s32 $0xFFFFC180  }
0x5f: {  	[tilespmem:s5], [sflag:$0x4] =	stream.indirect.gather [hbm4b:s3+s4], $0x20, s0, s4, $0xb8;
	[tilespmem:$0x196E0] =	vst v63  }
0x60: {  	_ =	swait.ge [sflag:s16], $0x3E80  }
0x61: {  	[sflag:s16] =	ssyncset.done $0x0  }
0x62: {  	s0 =	rddreg [dreg:$0x10];
	[sflag:s16] =	ssyncadd.s32 $0xFFFFC180  }
0x63: {  	[spmem:s1] =	stream.indirect.scatter.add.f32 [tilespmem:s8], [sflag:$0x5], $0x20, s0, s4, $0xb8;
	[tilespmem:$0x196E0] =	vst v63  }
0x64: {  	_ =	swait.ge [sflag:s15], $0x3E80  }
0x65: {  	[sflag:s15] =	ssyncset.done $0x0  }
0x66: {  	s0 =	rddreg [dreg:$0x11];
	[sflag:s15] =	ssyncadd.s32 $0xFFFFC180  }
0x67: {  	[spmem:s1] =	stream.indirect.scatter.add.f32 [tilespmem:s7], [sflag:$0x6], $0x20, s0, s4, $0xb8;
	[tilespmem:$0x196E0] =	vst v63  }
0x68: {  	_ =	swait.ge [sflag:s14], $0x3E80  }
0x69: {  	[sflag:s14] =	ssyncset.done $0x0  }
0x6a: {  	s0 =	rddreg [dreg:$0x12];
	[sflag:s14] =	ssyncadd.s32 $0xFFFFC180  }
0x6b: {  	[spmem:s1] =	stream.indirect.scatter.add.f32 [tilespmem:s6], [sflag:$0x7], $0x20, s0, s4, $0xb8;
	[tilespmem:$0x196E0] =	vst v63  }
0x6c: {  	_ =	swait.ge [sflag:s13], $0x3E80  }
0x6d: {  	[sflag:s13] =	ssyncset.done $0x0  }
0x6e: {  	s0 =	rddreg [dreg:$0x13];
	[sflag:s13] =	ssyncadd.s32 $0xFFFFC180  }
0x6f: {  	[spmem:s1] =	stream.indirect.scatter.add.f32 [tilespmem:s5], [sflag:$0x8], $0x20, s0, s4, $0xb8;
	[tilespmem:$0x196E0] =	vst v63  }
0x70: {  	_ =	swait.ge [sflag:s9], $0x3E80  }
0x71: {  	[sflag:s9] =	ssyncset.done $0x0  }
0x72: {  	s0 =	rddreg [dreg:$0x14];
	[sflag:s9] =	ssyncadd.s32 $0xFFFFC180  }
0x73: {  	[tilespmem:s8], [sflag:$0x1] =	stream.indirect.gather [hbm4b:s3+s4], $0x20, s0, s4, $0xb8;
	[tilespmem:$0x196E0] =	vst v63  }
0x74: {  	_ =	swait.ge [sflag:s10], $0x3E80  }
0x75: {  	[sflag:s10] =	ssyncset.done $0x0  }
0x76: {  	s0 =	rddreg [dreg:$0x15];
	[sflag:s10] =	ssyncadd.s32 $0xFFFFC180  }
0x77: {  	[tilespmem:s7], [sflag:$0x2] =	stream.indirect.gather [hbm4b:s3+s4], $0x20, s0, s4, $0xb8;
	[tilespmem:$0x196E0] =	vst v63  }
0x78: {  	_ =	swait.ge [sflag:s11], $0x3E80  }
0x79: {  	[sflag:s11] =	ssyncset.done $0x0  }
0x7a: {  	s0 =	rddreg [dreg:$0x16];
	[sflag:s11] =	ssyncadd.s32 $0xFFFFC180  }
0x7b: {  	[tilespmem:s6], [sflag:$0x3] =	stream.indirect.gather [hbm4b:s3+s4], $0x20, s0, s4, $0xb8;
	[tilespmem:$0x196E0] =	vst v63  }
0x7c: {  	_ =	swait.ge [sflag:s12], $0x3E80  }
0x7d: {  	[sflag:s12] =	ssyncset.done $0x0  }
0x7e: {  	s0 =	rddreg [dreg:$0x17];
	[sflag:s12] =	ssyncadd.s32 $0xFFFFC180  }
0x7f: {  	[tilespmem:s5], [sflag:$0x4] =	stream.indirect.gather [hbm4b:s3+s4], $0x20, s0, s4, $0xb8;
	[tilespmem:$0x196E0] =	vst v63  }
0x80: {  	_ =	swait.ge [sflag:s16], $0x3E80  }
0x81: {  	[sflag:s16] =	ssyncset.done $0x0  }
0x82: {  	s0 =	rddreg [dreg:$0x18];
	[sflag:s16] =	ssyncadd.s32 $0xFFFFC180  }
0x83: {  	[spmem:s1] =	stream.indirect.scatter.add.f32 [tilespmem:s8], [sflag:$0x5], $0x20, s0, s4, $0xb8;
	[tilespmem:$0x196E0] =	vst v63  }
0x84: {  	_ =	swait.ge [sflag:s15], $0x3E80  }
0x85: {  	[sflag:s15] =	ssyncset.done $0x0  }
0x86: {  	s0 =	rddreg [dreg:$0x19];
	[sflag:s15] =	ssyncadd.s32 $0xFFFFC180  }
0x87: {  	[spmem:s1] =	stream.indirect.scatter.add.f32 [tilespmem:s7], [sflag:$0x6], $0x20, s0, s4, $0xb8;
	[tilespmem:$0x196E0] =	vst v63  }
0x88: {  	_ =	swait.ge [sflag:s14], $0x3E80  }
0x89: {  	[sflag:s14] =	ssyncset.done $0x0  }
0x8a: {  	s0 =	rddreg [dreg:$0x1a];
	[sflag:s14] =	ssyncadd.s32 $0xFFFFC180  }
0x8b: {  	[spmem:s1] =	stream.indirect.scatter.add.f32 [tilespmem:s6], [sflag:$0x7], $0x20, s0, s4, $0xb8;
	[tilespmem:$0x196E0] =	vst v63  }
0x8c: {  	_ =	swait.ge [sflag:s13], $0x3E80  }
0x8d: {  	[sflag:s13] =	ssyncset.done $0x0  }
0x8e: {  	s0 =	rddreg [dreg:$0x1b];
	[sflag:s13] =	ssyncadd.s32 $0xFFFFC180  }
0x8f: {  	[spmem:s1] =	stream.indirect.scatter.add.f32 [tilespmem:s5], [sflag:$0x8], $0x20, s0, s4, $0xb8;
	[tilespmem:$0x196E0] =	vst v63  }
0x90: {  	_ =	swait.ge [sflag:s9], $0x3E80  }
0x91: {  	[sflag:s9] =	ssyncset.done $0x0  }
0x92: {  	s0 =	rddreg [dreg:$0x1c];
	[sflag:s9] =	ssyncadd.s32 $0xFFFFC180  }
0x93: {  	[tilespmem:s8], [sflag:$0x1] =	stream.indirect.gather [hbm4b:s3+s4], $0x20, s0, s4, $0xb8;
	[tilespmem:$0x196E0] =	vst v63  }
0x94: {  	_ =	swait.ge [sflag:s10], $0x3E80  }
0x95: {  	[sflag:s10] =	ssyncset.done $0x0  }
0x96: {  	s0 =	rddreg [dreg:$0x1d];
	[sflag:s10] =	ssyncadd.s32 $0xFFFFC180  }
0x97: {  	[tilespmem:s7], [sflag:$0x2] =	stream.indirect.gather [hbm4b:s3+s4], $0x20, s0, s4, $0xb8;
	[tilespmem:$0x196E0] =	vst v63  }
0x98: {  	_ =	swait.ge [sflag:s11], $0x3E80  }
0x99: {  	[sflag:s11] =	ssyncset.done $0x0  }
0x9a: {  	s0 =	rddreg [dreg:$0x1e];
	[sflag:s11] =	ssyncadd.s32 $0xFFFFC180  }
0x9b: {  	[tilespmem:s6], [sflag:$0x3] =	stream.indirect.gather [hbm4b:s3+s4], $0x20, s0, s4, $0xb8;
	[tilespmem:$0x196E0] =	vst v63  }
0x9c: {  	_ =	swait.ge [sflag:s12], $0x3E80  }
0x9d: {  	[sflag:s12] =	ssyncset.done $0x0  }
0x9e: {  	s0 =	rddreg [dreg:$0x1f];
	[sflag:s12] =	ssyncadd.s32 $0xFFFFC180  }
0x9f: {  	[tilespmem:s5], [sflag:$0x4] =	stream.indirect.gather [hbm4b:s3+s4], $0x20, s0, s4, $0xb8;
	[tilespmem:$0x196E0] =	vst v63  }
0xa0: {  	_ =	swait.ge [sflag:s16], $0x3E80  }
0xa1: {  	s0 =	sld [smem:$0x7FA]  }
0xa2: {  	[sflag:s16] =	ssyncset.done $0x0  }
0xa3: {  	[sflag:s16] =	ssyncadd.s32 $0xFFFFC180  }
0xa4: {  	[spmem:s1] =	stream.indirect.scatter.add.f32 [tilespmem:s8], [sflag:$0x5], $0x20, s0, s4, $0xb8;
	[tilespmem:$0x196E0] =	vst v63  }
0xa5: {  	_ =	swait.ge [sflag:s15], $0x3E80  }
0xa6: {  	s0 =	sld [smem:$0x7FB]  }
0xa7: {  	[sflag:s15] =	ssyncset.done $0x0  }
0xa8: {  	[sflag:s15] =	ssyncadd.s32 $0xFFFFC180  }
0xa9: {  	[spmem:s1] =	stream.indirect.scatter.add.f32 [tilespmem:s7], [sflag:$0x6], $0x20, s0, s4, $0xb8;
	[tilespmem:$0x196E0] =	vst v63  }
0xaa: {  	_ =	swait.ge [sflag:s14], $0x3E80  }
0xab: {  	s0 =	sld [smem:$0x7FC]  }
0xac: {  	[sflag:s14] =	ssyncset.done $0x0  }
0xad: {  	[sflag:s14] =	ssyncadd.s32 $0xFFFFC180  }
0xae: {  	[spmem:s1] =	stream.indirect.scatter.add.f32 [tilespmem:s6], [sflag:$0x7], $0x20, s0, s4, $0xb8;
	[tilespmem:$0x196E0] =	vst v63  }
0xaf: {  	_ =	swait.ge [sflag:s13], $0x3E80  }
0xb0: {  	s0 =	sld [smem:$0x7FD]  }
0xb1: {  	[sflag:s13] =	ssyncset.done $0x0  }
0xb2: {  	[sflag:s13] =	ssyncadd.s32 $0xFFFFC180  }
0xb3: {  	[spmem:s1] =	stream.indirect.scatter.add.f32 [tilespmem:s5], [sflag:$0x8], $0x20, s0, s4, $0xb8;
	[tilespmem:$0x196E0] =	vst v63  }
0xb4: {  	_ =	swait.ge [sflag:s9], $0x3E80  }
0xb5: {  	[sflag:s9] =	ssyncset.done $0x0  }
0xb6: {  	[sflag:s9] =	ssyncadd.s32 $0xFFFFC180  }
0xb7: {  	[tilespmem:s8], [sflag:$0x1] =	stream.indirect.gather [hbm4b:s3+s4], $0x20, s24, s4, $0xb8;
	[tilespmem:$0x196E0] =	vst v63  }
0xb8: {  	_ =	swait.ge [sflag:s10], $0x3E80  }
0xb9: {  	[sflag:s10] =	ssyncset.done $0x0  }
0xba: {  	[sflag:s10] =	ssyncadd.s32 $0xFFFFC180  }
0xbb: {  	[tilespmem:s7], [sflag:$0x2] =	stream.indirect.gather [hbm4b:s3+s4], $0x20, s23, s4, $0xb8;
	[tilespmem:$0x196E0] =	vst v63  }
0xbc: {  	_ =	swait.ge [sflag:s11], $0x3E80  }
0xbd: {  	[sflag:s11] =	ssyncset.done $0x0  }
0xbe: {  	[sflag:s11] =	ssyncadd.s32 $0xFFFFC180  }
0xbf: {  	[tilespmem:s6], [sflag:$0x3] =	stream.indirect.gather [hbm4b:s3+s4], $0x20, s22, s4, $0xb8;
	[tilespmem:$0x196E0] =	vst v63  }
0xc0: {  	_ =	swait.ge [sflag:s12], $0x3E80  }
0xc1: {  	[sflag:s12] =	ssyncset.done $0x0  }
0xc2: {  	[sflag:s12] =	ssyncadd.s32 $0xFFFFC180  }
0xc3: {  	[tilespmem:s5], [sflag:$0x4] =	stream.indirect.gather [hbm4b:s3+s4], $0x20, s21, s4, $0xb8;
	[tilespmem:$0x196E0] =	vst v63  }
0xc4: {  	_ =	swait.ge [sflag:s16], $0x3E80  }
0xc5: {  	[sflag:s16] =	ssyncset.done $0x0  }
0xc6: {  	[sflag:s16] =	ssyncadd.s32 $0xFFFFC180  }
0xc7: {  	[spmem:s1] =	stream.indirect.scatter.add.f32 [tilespmem:s8], [sflag:$0x5], $0x20, s20, s4, $0xb8;
	[tilespmem:$0x196E0] =	vst v63  }
0xc8: {  	_ =	swait.ge [sflag:s15], $0x3E80  }
0xc9: {  	[sflag:s15] =	ssyncset.done $0x0  }
0xca: {  	[sflag:s15] =	ssyncadd.s32 $0xFFFFC180  }
0xcb: {  	[spmem:s1] =	stream.indirect.scatter.add.f32 [tilespmem:s7], [sflag:$0x6], $0x20, s19, s4, $0xb8;
	[tilespmem:$0x196E0] =	vst v63  }
0xcc: {  	_ =	swait.ge [sflag:s14], $0x3E80  }
0xcd: {  	[sflag:s14] =	ssyncset.done $0x0  }
0xce: {  	[sflag:s14] =	ssyncadd.s32 $0xFFFFC180  }
0xcf: {  	[spmem:s1] =	stream.indirect.scatter.add.f32 [tilespmem:s6], [sflag:$0x7], $0x20, s18, s4, $0xb8;
	[tilespmem:$0x196E0] =	vst v63  }
0xd0: {  	_ =	swait.ge [sflag:s13], $0x3E80  }
0xd1: {  	[sflag:s13] =	ssyncset.done $0x0  }
0xd2: {  	s0 =	simm.s32 $0x4CC8;
	[sflag:s13] =	ssyncadd.s32 $0xFFFFC180  }
0xd3: {  	[spmem:s1] =	stream.indirect.scatter.add.f32 [tilespmem:s5], [sflag:$0x8], $0x20, s0, s4, $0xb8;
	[tilespmem:$0x196E0] =	vst v63  }
0xd4: {  	_ =	swait.ge [sflag:s9], $0x3E80  }
0xd5: {  	[sflag:s9] =	ssyncset.done $0x0  }
0xd6: {  	[sflag:s9] =	ssyncadd.s32 $0xFFFFC180  }
0xd7: {  	_ =	swait.ge [sflag:s10], $0x3E80  }
0xd8: {  	[sflag:s10] =	ssyncset.done $0x0  }
0xd9: {  	[sflag:s10] =	ssyncadd.s32 $0xFFFFC180  }
0xda: {  	_ =	swait.ge [sflag:s11], $0x3E80  }
0xdb: {  	[sflag:s11] =	ssyncset.done $0x0  }
0xdc: {  	[sflag:s11] =	ssyncadd.s32 $0xFFFFC180  }
0xdd: {  	_ =	swait.ge [sflag:s12], $0x3E80  }
0xde: {  	s31 =	sadd.s32 $0xFFFFFFFF, s17;
	[sflag:s12] =	ssyncset.done $0x0  }
0xdf: {  	p2 =	sne.s32 s31, $0x0;
	[sflag:s12] =	ssyncadd.s32 $0xFFFFC180  }
.Ltmp1:
0xe0: {  	[bflag:$0x0] =	sbarrier.arrive $0xFFFF;
	(pc) =	sbr.rel @!p2 .LBB2_2-.Ltmp1, $4  }
0xe1: {  	s0 =	rddreg [dreg:$0x5]  }
0xe2: {  	[hbm:s0], [sflag:s30] =	dma.local @!p0 [spmem:s2], $0x9C40  }
0xe3: {  	_ =	swait.ge @!p0 [sflag:s29], $0x9C40  }
0xe4: {  	p1 =	por $0x1, $0x1;
	[sflag:s29] =	ssyncset.done @!p0 $0x0  }
.LBB2_3:
0xe5: {  	[sflag:s29] =	ssyncadd.s32 @!p0 $0xFFFF63C0  }
0xe6: {  	[spmem:s2], [sflag:s30] =	dma.local @!p0 [hbm:s3], $0x9C40  }
0xe7: {  	_ =	swait.ge @!p0 [sflag:s29], $0x9C40  }
0xe8: {  	[sflag:s29] =	ssyncset.done @!p0 $0x0  }
0xe9: {  	[sflag:s29] =	ssyncadd.s32 @!p0 $0xFFFF63C0  }
0xea: {  	[bflag:$0x0] =	sbarrier.arrive $0xFFFF  }
0xeb: {  	s0 =	rddreg [dreg:$0x3]  }
0xec: {  	[tilespmem:s25], [sflag:$0x9] =	stream.linear.gather [hbm4b:s0+s25], $0x2760, $0x38;
	[tilespmem:$0x196E0] =	vst v63  }
0xed: {  	_ =	swait.ge [sflag:s28], $0x2760  }
0xee: {  	[sflag:s28] =	ssyncset.done $0x0  }
0xef: {  	s17 =	rddreg [dreg:$0x4];
	[sflag:s28] =	ssyncadd.s32 $0xFFFFD8A0  }
0xf0: {  	[tilespmem:s26], [sflag:$0x9] =	stream.linear.gather [hbm4b:s17+s25], $0x2760, $0x38;
	[tilespmem:$0x196E0] =	vst v63  }
0xf1: {  	_ =	swait.ge [sflag:s28], $0x2760  }
0xf2: {  	[sflag:s28] =	ssyncset.done $0x0  }
0xf3: {  	[sflag:s28] =	ssyncadd.s32 $0xFFFFD8A0  }
0xf4: {  	[tilespmem:s8], [sflag:$0x1] =	stream.indirect.gather [hbm4b:s3+s4], $0x20, s25, s4, $0xb8;
	[tilespmem:$0x196E0] =	vst v63  }
0xf5: {  	s0 =	rddreg [dreg:$0x6]  }
0xf6: {  	[tilespmem:s7], [sflag:$0x2] =	stream.indirect.gather [hbm4b:s3+s4], $0x20, s0, s4, $0xb8;
	[tilespmem:$0x196E0] =	vst v63  }
0xf7: {  	s17 =	rddreg [dreg:$0x7]  }
0xf8: {  	[tilespmem:s6], [sflag:$0x3] =	stream.indirect.gather [hbm4b:s3+s4], $0x20, s17, s4, $0xb8;
	[tilespmem:$0x196E0] =	vst v63  }
0xf9: {  	s0 =	rddreg [dreg:$0x8]  }
0xfa: {  	[tilespmem:s5], [sflag:$0x4] =	stream.indirect.gather [hbm4b:s3+s4], $0x20, s0, s4, $0xb8;
	[tilespmem:$0x196E0] =	vst v63  }
0xfb: {  	_ =	swait.ge [sflag:s16], $0x3E80  }
0xfc: {  	[sflag:s16] =	ssyncset.done $0x0  }
0xfd: {  	[sflag:s16] =	ssyncadd.s32 $0xFFFFC180  }
0xfe: {  	[spmem:s1] =	stream.indirect.scatter.add.f32 [tilespmem:s8], [sflag:$0x5], $0x20, s26, s4, $0xb8;
	[tilespmem:$0x196E0] =	vst v63  }
0xff: {  	_ =	swait.ge [sflag:s15], $0x3E80  }
0x100: {  	[sflag:s15] =	ssyncset.done $0x0  }
0x101: {  	s0 =	rddreg [dreg:$0x9];
	[sflag:s15] =	ssyncadd.s32 $0xFFFFC180  }
0x102: {  	[spmem:s1] =	stream.indirect.scatter.add.f32 [tilespmem:s7], [sflag:$0x6], $0x20, s0, s4, $0xb8;
	[tilespmem:$0x196E0] =	vst v63  }
0x103: {  	_ =	swait.ge [sflag:s14], $0x3E80  }
0x104: {  	[sflag:s14] =	ssyncset.done $0x0  }
0x105: {  	s0 =	rddreg [dreg:$0xa];
	[sflag:s14] =	ssyncadd.s32 $0xFFFFC180  }
0x106: {  	[spmem:s1] =	stream.indirect.scatter.add.f32 [tilespmem:s6], [sflag:$0x7], $0x20, s0, s4, $0xb8;
	[tilespmem:$0x196E0] =	vst v63  }
0x107: {  	_ =	swait.ge [sflag:s13], $0x3E80  }
0x108: {  	[sflag:s13] =	ssyncset.done $0x0  }
0x109: {  	s0 =	rddreg [dreg:$0xb];
	[sflag:s13] =	ssyncadd.s32 $0xFFFFC180  }
0x10a: {  	[spmem:s1] =	stream.indirect.scatter.add.f32 [tilespmem:s5], [sflag:$0x8], $0x20, s0, s4, $0xb8;
	[tilespmem:$0x196E0] =	vst v63  }
0x10b: {  	_ =	swait.ge [sflag:s9], $0x3E80  }
0x10c: {  	[sflag:s9] =	ssyncset.done $0x0  }
0x10d: {  	s0 =	rddreg [dreg:$0xc];
	[sflag:s9] =	ssyncadd.s32 $0xFFFFC180  }
0x10e: {  	[tilespmem:s8], [sflag:$0x1] =	stream.indirect.gather [hbm4b:s3+s4], $0x20, s0, s4, $0xb8;
	[tilespmem:$0x196E0] =	vst v63  }
0x10f: {  	_ =	swait.ge [sflag:s10], $0x3E80  }
0x110: {  	[sflag:s10] =	ssyncset.done $0x0  }
0x111: {  	s0 =	rddreg [dreg:$0xd];
	[sflag:s10] =	ssyncadd.s32 $0xFFFFC180  }
0x112: {  	[tilespmem:s7], [sflag:$0x2] =	stream.indirect.gather [hbm4b:s3+s4], $0x20, s0, s4, $0xb8;
	[tilespmem:$0x196E0] =	vst v63  }
0x113: {  	_ =	swait.ge [sflag:s11], $0x3E80  }
0x114: {  	[sflag:s11] =	ssyncset.done $0x0  }
0x115: {  	s0 =	rddreg [dreg:$0xe];
	[sflag:s11] =	ssyncadd.s32 $0xFFFFC180  }
0x116: {  	[tilespmem:s6], [sflag:$0x3] =	stream.indirect.gather [hbm4b:s3+s4], $0x20, s0, s4, $0xb8;
	[tilespmem:$0x196E0] =	vst v63  }
0x117: {  	_ =	swait.ge [sflag:s12], $0x3E80  }
0x118: {  	[sflag:s12] =	ssyncset.done $0x0  }
0x119: {  	s0 =	rddreg [dreg:$0xf];
	[sflag:s12] =	ssyncadd.s32 $0xFFFFC180  }
0x11a: {  	[tilespmem:s5], [sflag:$0x4] =	stream.indirect.gather [hbm4b:s3+s4], $0x20, s0, s4, $0xb8;
	[tilespmem:$0x196E0] =	vst v63  }
0x11b: {  	_ =	swait.ge [sflag:s16], $0x3E80  }
0x11c: {  	[sflag:s16] =	ssyncset.done $0x0  }
0x11d: {  	s0 =	rddreg [dreg:$0x10];
	[sflag:s16] =	ssyncadd.s32 $0xFFFFC180  }
0x11e: {  	[spmem:s1] =	stream.indirect.scatter.add.f32 [tilespmem:s8], [sflag:$0x5], $0x20, s0, s4, $0xb8;
	[tilespmem:$0x196E0] =	vst v63  }
0x11f: {  	_ =	swait.ge [sflag:s15], $0x3E80  }
0x120: {  	[sflag:s15] =	ssyncset.done $0x0  }
0x121: {  	s0 =	rddreg [dreg:$0x11];
	[sflag:s15] =	ssyncadd.s32 $0xFFFFC180  }
0x122: {  	[spmem:s1] =	stream.indirect.scatter.add.f32 [tilespmem:s7], [sflag:$0x6], $0x20, s0, s4, $0xb8;
	[tilespmem:$0x196E0] =	vst v63  }
0x123: {  	_ =	swait.ge [sflag:s14], $0x3E80  }
0x124: {  	[sflag:s14] =	ssyncset.done $0x0  }
0x125: {  	s0 =	rddreg [dreg:$0x12];
	[sflag:s14] =	ssyncadd.s32 $0xFFFFC180  }
0x126: {  	[spmem:s1] =	stream.indirect.scatter.add.f32 [tilespmem:s6], [sflag:$0x7], $0x20, s0, s4, $0xb8;
	[tilespmem:$0x196E0] =	vst v63  }
0x127: {  	_ =	swait.ge [sflag:s13], $0x3E80  }
0x128: {  	[sflag:s13] =	ssyncset.done $0x0  }
0x129: {  	s0 =	rddreg [dreg:$0x13];
	[sflag:s13] =	ssyncadd.s32 $0xFFFFC180  }
0x12a: {  	[spmem:s1] =	stream.indirect.scatter.add.f32 [tilespmem:s5], [sflag:$0x8], $0x20, s0, s4, $0xb8;
	[tilespmem:$0x196E0] =	vst v63  }
0x12b: {  	_ =	swait.ge [sflag:s9], $0x3E80  }
0x12c: {  	[sflag:s9] =	ssyncset.done $0x0  }
0x12d: {  	s0 =	rddreg [dreg:$0x14];
	[sflag:s9] =	ssyncadd.s32 $0xFFFFC180  }
0x12e: {  	[tilespmem:s8], [sflag:$0x1] =	stream.indirect.gather [hbm4b:s3+s4], $0x20, s0, s4, $0xb8;
	[tilespmem:$0x196E0] =	vst v63  }
0x12f: {  	_ =	swait.ge [sflag:s10], $0x3E80  }
0x130: {  	[sflag:s10] =	ssyncset.done $0x0  }
0x131: {  	s0 =	rddreg [dreg:$0x15];
	[sflag:s10] =	ssyncadd.s32 $0xFFFFC180  }
0x132: {  	[tilespmem:s7], [sflag:$0x2] =	stream.indirect.gather [hbm4b:s3+s4], $0x20, s0, s4, $0xb8;
	[tilespmem:$0x196E0] =	vst v63  }
0x133: {  	_ =	swait.ge [sflag:s11], $0x3E80  }
0x134: {  	[sflag:s11] =	ssyncset.done $0x0  }
0x135: {  	s0 =	rddreg [dreg:$0x16];
	[sflag:s11] =	ssyncadd.s32 $0xFFFFC180  }
0x136: {  	[tilespmem:s6], [sflag:$0x3] =	stream.indirect.gather [hbm4b:s3+s4], $0x20, s0, s4, $0xb8;
	[tilespmem:$0x196E0] =	vst v63  }
0x137: {  	_ =	swait.ge [sflag:s12], $0x3E80  }
0x138: {  	[sflag:s12] =	ssyncset.done $0x0  }
0x139: {  	s0 =	rddreg [dreg:$0x17];
	[sflag:s12] =	ssyncadd.s32 $0xFFFFC180  }
0x13a: {  	[tilespmem:s5], [sflag:$0x4] =	stream.indirect.gather [hbm4b:s3+s4], $0x20, s0, s4, $0xb8;
	[tilespmem:$0x196E0] =	vst v63  }
0x13b: {  	_ =	swait.ge [sflag:s16], $0x3E80  }
0x13c: {  	[sflag:s16] =	ssyncset.done $0x0  }
0x13d: {  	s0 =	rddreg [dreg:$0x18];
	[sflag:s16] =	ssyncadd.s32 $0xFFFFC180  }
0x13e: {  	[spmem:s1] =	stream.indirect.scatter.add.f32 [tilespmem:s8], [sflag:$0x5], $0x20, s0, s4, $0xb8;
	[tilespmem:$0x196E0] =	vst v63  }
0x13f: {  	_ =	swait.ge [sflag:s15], $0x3E80  }
0x140: {  	[sflag:s15] =	ssyncset.done $0x0  }
0x141: {  	s0 =	rddreg [dreg:$0x19];
	[sflag:s15] =	ssyncadd.s32 $0xFFFFC180  }
0x142: {  	[spmem:s1] =	stream.indirect.scatter.add.f32 [tilespmem:s7], [sflag:$0x6], $0x20, s0, s4, $0xb8;
	[tilespmem:$0x196E0] =	vst v63  }
0x143: {  	_ =	swait.ge [sflag:s14], $0x3E80  }
0x144: {  	[sflag:s14] =	ssyncset.done $0x0  }
0x145: {  	s0 =	rddreg [dreg:$0x1a];
	[sflag:s14] =	ssyncadd.s32 $0xFFFFC180  }
0x146: {  	[spmem:s1] =	stream.indirect.scatter.add.f32 [tilespmem:s6], [sflag:$0x7], $0x20, s0, s4, $0xb8;
	[tilespmem:$0x196E0] =	vst v63  }
0x147: {  	_ =	swait.ge [sflag:s13], $0x3E80  }
0x148: {  	[sflag:s13] =	ssyncset.done $0x0  }
0x149: {  	s0 =	rddreg [dreg:$0x1b];
	[sflag:s13] =	ssyncadd.s32 $0xFFFFC180  }
0x14a: {  	[spmem:s1] =	stream.indirect.scatter.add.f32 [tilespmem:s5], [sflag:$0x8], $0x20, s0, s4, $0xb8;
	[tilespmem:$0x196E0] =	vst v63  }
0x14b: {  	_ =	swait.ge [sflag:s9], $0x3E80  }
0x14c: {  	[sflag:s9] =	ssyncset.done $0x0  }
0x14d: {  	s0 =	rddreg [dreg:$0x1c];
	[sflag:s9] =	ssyncadd.s32 $0xFFFFC180  }
0x14e: {  	[tilespmem:s8], [sflag:$0x1] =	stream.indirect.gather [hbm4b:s3+s4], $0x20, s0, s4, $0xb8;
	[tilespmem:$0x196E0] =	vst v63  }
0x14f: {  	_ =	swait.ge [sflag:s10], $0x3E80  }
0x150: {  	[sflag:s10] =	ssyncset.done $0x0  }
0x151: {  	s0 =	rddreg [dreg:$0x1d];
	[sflag:s10] =	ssyncadd.s32 $0xFFFFC180  }
0x152: {  	[tilespmem:s7], [sflag:$0x2] =	stream.indirect.gather [hbm4b:s3+s4], $0x20, s0, s4, $0xb8;
	[tilespmem:$0x196E0] =	vst v63  }
0x153: {  	_ =	swait.ge [sflag:s11], $0x3E80  }
0x154: {  	[sflag:s11] =	ssyncset.done $0x0  }
0x155: {  	s0 =	rddreg [dreg:$0x1e];
	[sflag:s11] =	ssyncadd.s32 $0xFFFFC180  }
0x156: {  	[tilespmem:s6], [sflag:$0x3] =	stream.indirect.gather [hbm4b:s3+s4], $0x20, s0, s4, $0xb8;
	[tilespmem:$0x196E0] =	vst v63  }
0x157: {  	_ =	swait.ge [sflag:s12], $0x3E80  }
0x158: {  	[sflag:s12] =	ssyncset.done $0x0  }
0x159: {  	s0 =	rddreg [dreg:$0x1f];
	[sflag:s12] =	ssyncadd.s32 $0xFFFFC180  }
0x15a: {  	[tilespmem:s5], [sflag:$0x4] =	stream.indirect.gather [hbm4b:s3+s4], $0x20, s0, s4, $0xb8;
	[tilespmem:$0x196E0] =	vst v63  }
0x15b: {  	_ =	swait.ge [sflag:s16], $0x3E80  }
0x15c: {  	s0 =	sld [smem:$0x7FA]  }
0x15d: {  	[sflag:s16] =	ssyncset.done $0x0  }
0x15e: {  	[sflag:s16] =	ssyncadd.s32 $0xFFFFC180  }
0x15f: {  	[spmem:s1] =	stream.indirect.scatter.add.f32 [tilespmem:s8], [sflag:$0x5], $0x20, s0, s4, $0xb8;
	[tilespmem:$0x196E0] =	vst v63  }
0x160: {  	_ =	swait.ge [sflag:s15], $0x3E80  }
0x161: {  	s0 =	sld [smem:$0x7FB]  }
0x162: {  	[sflag:s15] =	ssyncset.done $0x0  }
0x163: {  	[sflag:s15] =	ssyncadd.s32 $0xFFFFC180  }
0x164: {  	[spmem:s1] =	stream.indirect.scatter.add.f32 [tilespmem:s7], [sflag:$0x6], $0x20, s0, s4, $0xb8;
	[tilespmem:$0x196E0] =	vst v63  }
0x165: {  	_ =	swait.ge [sflag:s14], $0x3E80  }
0x166: {  	s0 =	sld [smem:$0x7FC]  }
0x167: {  	[sflag:s14] =	ssyncset.done $0x0  }
0x168: {  	[sflag:s14] =	ssyncadd.s32 $0xFFFFC180  }
0x169: {  	[spmem:s1] =	stream.indirect.scatter.add.f32 [tilespmem:s6], [sflag:$0x7], $0x20, s0, s4, $0xb8;
	[tilespmem:$0x196E0] =	vst v63  }
0x16a: {  	_ =	swait.ge [sflag:s13], $0x3E80  }
0x16b: {  	s0 =	sld [smem:$0x7FD]  }
0x16c: {  	[sflag:s13] =	ssyncset.done $0x0  }
0x16d: {  	[sflag:s13] =	ssyncadd.s32 $0xFFFFC180  }
0x16e: {  	[spmem:s1] =	stream.indirect.scatter.add.f32 [tilespmem:s5], [sflag:$0x8], $0x20, s0, s4, $0xb8;
	[tilespmem:$0x196E0] =	vst v63  }
0x16f: {  	_ =	swait.ge [sflag:s9], $0x3E80  }
0x170: {  	[sflag:s9] =	ssyncset.done $0x0  }
0x171: {  	[sflag:s9] =	ssyncadd.s32 $0xFFFFC180  }
0x172: {  	[tilespmem:s8], [sflag:$0x1] =	stream.indirect.gather [hbm4b:s3+s4], $0x20, s24, s4, $0xb8;
	[tilespmem:$0x196E0] =	vst v63  }
0x173: {  	_ =	swait.ge [sflag:s10], $0x3E80  }
0x174: {  	[sflag:s10] =	ssyncset.done $0x0  }
0x175: {  	[sflag:s10] =	ssyncadd.s32 $0xFFFFC180  }
0x176: {  	[tilespmem:s7], [sflag:$0x2] =	stream.indirect.gather [hbm4b:s3+s4], $0x20, s23, s4, $0xb8;
	[tilespmem:$0x196E0] =	vst v63  }
0x177: {  	_ =	swait.ge [sflag:s11], $0x3E80  }
0x178: {  	[sflag:s11] =	ssyncset.done $0x0  }
0x179: {  	[sflag:s11] =	ssyncadd.s32 $0xFFFFC180  }
0x17a: {  	[tilespmem:s6], [sflag:$0x3] =	stream.indirect.gather [hbm4b:s3+s4], $0x20, s22, s4, $0xb8;
	[tilespmem:$0x196E0] =	vst v63  }
0x17b: {  	_ =	swait.ge [sflag:s12], $0x3E80  }
0x17c: {  	[sflag:s12] =	ssyncset.done $0x0  }
0x17d: {  	[sflag:s12] =	ssyncadd.s32 $0xFFFFC180  }
0x17e: {  	[tilespmem:s5], [sflag:$0x4] =	stream.indirect.gather [hbm4b:s3+s4], $0x20, s21, s4, $0xb8;
	[tilespmem:$0x196E0] =	vst v63  }
0x17f: {  	_ =	swait.ge [sflag:s16], $0x3E80  }
0x180: {  	[sflag:s16] =	ssyncset.done $0x0  }
0x181: {  	[sflag:s16] =	ssyncadd.s32 $0xFFFFC180  }
0x182: {  	[spmem:s1] =	stream.indirect.scatter.add.f32 [tilespmem:s8], [sflag:$0x5], $0x20, s20, s4, $0xb8;
	[tilespmem:$0x196E0] =	vst v63  }
0x183: {  	_ =	swait.ge [sflag:s15], $0x3E80  }
0x184: {  	[sflag:s15] =	ssyncset.done $0x0  }
0x185: {  	[sflag:s15] =	ssyncadd.s32 $0xFFFFC180  }
0x186: {  	[spmem:s1] =	stream.indirect.scatter.add.f32 [tilespmem:s7], [sflag:$0x6], $0x20, s19, s4, $0xb8;
	[tilespmem:$0x196E0] =	vst v63  }
0x187: {  	_ =	swait.ge [sflag:s14], $0x3E80  }
0x188: {  	[sflag:s14] =	ssyncset.done $0x0  }
0x189: {  	[sflag:s14] =	ssyncadd.s32 $0xFFFFC180  }
0x18a: {  	[spmem:s1] =	stream.indirect.scatter.add.f32 [tilespmem:s6], [sflag:$0x7], $0x20, s18, s4, $0xb8;
	[tilespmem:$0x196E0] =	vst v63  }
0x18b: {  	_ =	swait.ge [sflag:s13], $0x3E80  }
0x18c: {  	[sflag:s13] =	ssyncset.done $0x0  }
0x18d: {  	s17 =	simm.s32 $0x4CC8;
	[sflag:s13] =	ssyncadd.s32 $0xFFFFC180  }
0x18e: {  	[spmem:s1] =	stream.indirect.scatter.add.f32 [tilespmem:s5], [sflag:$0x8], $0x20, s17, s4, $0xb8;
	[tilespmem:$0x196E0] =	vst v63  }
0x18f: {  	_ =	swait.ge [sflag:s9], $0x3E80  }
0x190: {  	[sflag:s9] =	ssyncset.done $0x0  }
0x191: {  	[sflag:s9] =	ssyncadd.s32 $0xFFFFC180  }
0x192: {  	_ =	swait.ge [sflag:s10], $0x3E80  }
0x193: {  	[sflag:s10] =	ssyncset.done $0x0  }
0x194: {  	[sflag:s10] =	ssyncadd.s32 $0xFFFFC180  }
0x195: {  	_ =	swait.ge [sflag:s11], $0x3E80  }
0x196: {  	[sflag:s11] =	ssyncset.done $0x0  }
0x197: {  	[sflag:s11] =	ssyncadd.s32 $0xFFFFC180  }
0x198: {  	_ =	swait.ge [sflag:s12], $0x3E80  }
0x199: {  	s31 =	sadd.s32 $0xFFFFFFFF, s31;
	[sflag:s12] =	ssyncset.done $0x0  }
0x19a: {  	p2 =	sne.s32 s31, $0x0;
	[sflag:s12] =	ssyncadd.s32 $0xFFFFC180  }
.Ltmp2:
0x19b: {  	[bflag:$0x0] =	sbarrier.arrive $0xFFFF;
	(pc) =	sbr.rel @p2 .LBB2_3-.Ltmp2, $4  }
0x19c: {  	s0 =	rddreg [dreg:$0x5]  }
0x19d: {  	[hbm:s0], [sflag:s30] =	dma.local @!p0 [spmem:s2], $0x9C40  }
0x19e: {  	_ =	swait.ge @!p0 [sflag:s29], $0x9C40  }
0x19f: {  	[sflag:s29] =	ssyncset.done @!p0 $0x0  }
0x1a0: {  	s31 =	rddreg [dreg:$0x2]  }
.LBB2_5:
0x1a1: {  	p1 =	por p0, !p1  }
0x1a2: {  	s30 =	simm.s32 @!p0 $0x1C09;
	[sflag:s29] =	ssyncadd.s32 @!p1 $0xFFFF63C0;
	s29 =	simm.s32 @!p0 $0x9  }
0x1a3: {  	[spmem:s2], [sflag:s30] =	dma.local @!p0 [hbm:s3], $0x9C40  }
0x1a4: {  	_ =	swait.ge @!p0 [sflag:s29], $0x9C40  }
0x1a5: {  	[sflag:s29] =	ssyncset.done @!p0 $0x0  }
0x1a6: {  	[sflag:s29] =	ssyncadd.s32 @!p0 $0xFFFF63C0  }
0x1a7: {  	[bflag:$0x0] =	sbarrier.arrive $0xFFFF  }
0x1a8: {  	s0 =	rddreg [dreg:$0x3]  }
0x1a9: {  	[tilespmem:s25], [sflag:$0x9] =	stream.linear.gather [hbm4b:s0+s25], $0x2760, $0x38;
	[tilespmem:$0x196E0] =	vst v63  }
0x1aa: {  	_ =	swait.ge [sflag:s28], $0x2760  }
0x1ab: {  	[sflag:s28] =	ssyncset.done $0x0  }
0x1ac: {  	s17 =	rddreg [dreg:$0x4];
	[sflag:s28] =	ssyncadd.s32 $0xFFFFD8A0  }
0x1ad: {  	[tilespmem:s26], [sflag:$0x9] =	stream.linear.gather [hbm4b:s17+s25], $0x2760, $0x38;
	[tilespmem:$0x196E0] =	vst v63  }
0x1ae: {  	_ =	swait.ge [sflag:s28], $0x2760  }
0x1af: {  	[sflag:s28] =	ssyncset.done $0x0  }
0x1b0: {  	[sflag:s28] =	ssyncadd.s32 $0xFFFFD8A0  }
0x1b1: {  	[tilespmem:s8], [sflag:$0x1] =	stream.indirect.gather [hbm4b:s3+s4], $0x20, s25, s4, $0xb8;
	[tilespmem:$0x196E0] =	vst v63  }
0x1b2: {  	s28 =	rddreg [dreg:$0x6]  }
0x1b3: {  	[tilespmem:s7], [sflag:$0x2] =	stream.indirect.gather [hbm4b:s3+s4], $0x20, s28, s4, $0xb8;
	[tilespmem:$0x196E0] =	vst v63  }
0x1b4: {  	s17 =	rddreg [dreg:$0x7]  }
0x1b5: {  	[tilespmem:s6], [sflag:$0x3] =	stream.indirect.gather [hbm4b:s3+s4], $0x20, s17, s4, $0xb8;
	[tilespmem:$0x196E0] =	vst v63  }
0x1b6: {  	s28 =	rddreg [dreg:$0x8]  }
0x1b7: {  	[tilespmem:s5], [sflag:$0x4] =	stream.indirect.gather [hbm4b:s3+s4], $0x20, s28, s4, $0xb8;
	[tilespmem:$0x196E0] =	vst v63  }
0x1b8: {  	_ =	swait.ge [sflag:s16], $0x3E80  }
0x1b9: {  	[sflag:s16] =	ssyncset.done $0x0  }
0x1ba: {  	[sflag:s16] =	ssyncadd.s32 $0xFFFFC180  }
0x1bb: {  	[spmem:s1] =	stream.indirect.scatter.add.f32 [tilespmem:s8], [sflag:$0x5], $0x20, s26, s4, $0xb8;
	[tilespmem:$0x196E0] =	vst v63  }
0x1bc: {  	_ =	swait.ge [sflag:s15], $0x3E80  }
0x1bd: {  	[sflag:s15] =	ssyncset.done $0x0  }
0x1be: {  	s17 =	rddreg [dreg:$0x9];
	[sflag:s15] =	ssyncadd.s32 $0xFFFFC180  }
0x1bf: {  	[spmem:s1] =	stream.indirect.scatter.add.f32 [tilespmem:s7], [sflag:$0x6], $0x20, s17, s4, $0xb8;
	[tilespmem:$0x196E0] =	vst v63  }
0x1c0: {  	_ =	swait.ge [sflag:s14], $0x3E80  }
0x1c1: {  	[sflag:s14] =	ssyncset.done $0x0  }
0x1c2: {  	s26 =	rddreg [dreg:$0xa];
	[sflag:s14] =	ssyncadd.s32 $0xFFFFC180  }
0x1c3: {  	[spmem:s1] =	stream.indirect.scatter.add.f32 [tilespmem:s6], [sflag:$0x7], $0x20, s26, s4, $0xb8;
	[tilespmem:$0x196E0] =	vst v63  }
0x1c4: {  	_ =	swait.ge [sflag:s13], $0x3E80  }
0x1c5: {  	[sflag:s13] =	ssyncset.done $0x0  }
0x1c6: {  	s28 =	rddreg [dreg:$0xb];
	[sflag:s13] =	ssyncadd.s32 $0xFFFFC180  }
0x1c7: {  	[spmem:s1] =	stream.indirect.scatter.add.f32 [tilespmem:s5], [sflag:$0x8], $0x20, s28, s4, $0xb8;
	[tilespmem:$0x196E0] =	vst v63  }
0x1c8: {  	_ =	swait.ge [sflag:s9], $0x3E80  }
0x1c9: {  	[sflag:s9] =	ssyncset.done $0x0  }
0x1ca: {  	s17 =	rddreg [dreg:$0xc];
	[sflag:s9] =	ssyncadd.s32 $0xFFFFC180  }
0x1cb: {  	[tilespmem:s8], [sflag:$0x1] =	stream.indirect.gather [hbm4b:s3+s4], $0x20, s17, s4, $0xb8;
	[tilespmem:$0x196E0] =	vst v63  }
0x1cc: {  	_ =	swait.ge [sflag:s10], $0x3E80  }
0x1cd: {  	[sflag:s10] =	ssyncset.done $0x0  }
0x1ce: {  	s26 =	rddreg [dreg:$0xd];
	[sflag:s10] =	ssyncadd.s32 $0xFFFFC180  }
0x1cf: {  	[tilespmem:s7], [sflag:$0x2] =	stream.indirect.gather [hbm4b:s3+s4], $0x20, s26, s4, $0xb8;
	[tilespmem:$0x196E0] =	vst v63  }
0x1d0: {  	_ =	swait.ge [sflag:s11], $0x3E80  }
0x1d1: {  	[sflag:s11] =	ssyncset.done $0x0  }
0x1d2: {  	s28 =	rddreg [dreg:$0xe];
	[sflag:s11] =	ssyncadd.s32 $0xFFFFC180  }
0x1d3: {  	[tilespmem:s6], [sflag:$0x3] =	stream.indirect.gather [hbm4b:s3+s4], $0x20, s28, s4, $0xb8;
	[tilespmem:$0x196E0] =	vst v63  }
0x1d4: {  	_ =	swait.ge [sflag:s12], $0x3E80  }
0x1d5: {  	[sflag:s12] =	ssyncset.done $0x0  }
0x1d6: {  	s17 =	rddreg [dreg:$0xf];
	[sflag:s12] =	ssyncadd.s32 $0xFFFFC180  }
0x1d7: {  	[tilespmem:s5], [sflag:$0x4] =	stream.indirect.gather [hbm4b:s3+s4], $0x20, s17, s4, $0xb8;
	[tilespmem:$0x196E0] =	vst v63  }
0x1d8: {  	_ =	swait.ge [sflag:s16], $0x3E80  }
0x1d9: {  	[sflag:s16] =	ssyncset.done $0x0  }
0x1da: {  	s26 =	rddreg [dreg:$0x10];
	[sflag:s16] =	ssyncadd.s32 $0xFFFFC180  }
0x1db: {  	[spmem:s1] =	stream.indirect.scatter.add.f32 [tilespmem:s8], [sflag:$0x5], $0x20, s26, s4, $0xb8;
	[tilespmem:$0x196E0] =	vst v63  }
0x1dc: {  	_ =	swait.ge [sflag:s15], $0x3E80  }
0x1dd: {  	[sflag:s15] =	ssyncset.done $0x0  }
0x1de: {  	s28 =	rddreg [dreg:$0x11];
	[sflag:s15] =	ssyncadd.s32 $0xFFFFC180  }
0x1df: {  	[spmem:s1] =	stream.indirect.scatter.add.f32 [tilespmem:s7], [sflag:$0x6], $0x20, s28, s4, $0xb8;
	[tilespmem:$0x196E0] =	vst v63  }
0x1e0: {  	_ =	swait.ge [sflag:s14], $0x3E80  }
0x1e1: {  	[sflag:s14] =	ssyncset.done $0x0  }
0x1e2: {  	s17 =	rddreg [dreg:$0x12];
	[sflag:s14] =	ssyncadd.s32 $0xFFFFC180  }
0x1e3: {  	[spmem:s1] =	stream.indirect.scatter.add.f32 [tilespmem:s6], [sflag:$0x7], $0x20, s17, s4, $0xb8;
	[tilespmem:$0x196E0] =	vst v63  }
0x1e4: {  	_ =	swait.ge [sflag:s13], $0x3E80  }
0x1e5: {  	[sflag:s13] =	ssyncset.done $0x0  }
0x1e6: {  	s26 =	rddreg [dreg:$0x13];
	[sflag:s13] =	ssyncadd.s32 $0xFFFFC180  }
0x1e7: {  	[spmem:s1] =	stream.indirect.scatter.add.f32 [tilespmem:s5], [sflag:$0x8], $0x20, s26, s4, $0xb8;
	[tilespmem:$0x196E0] =	vst v63  }
0x1e8: {  	_ =	swait.ge [sflag:s9], $0x3E80  }
0x1e9: {  	[sflag:s9] =	ssyncset.done $0x0  }
0x1ea: {  	s28 =	rddreg [dreg:$0x14];
	[sflag:s9] =	ssyncadd.s32 $0xFFFFC180  }
0x1eb: {  	[tilespmem:s8], [sflag:$0x1] =	stream.indirect.gather [hbm4b:s3+s4], $0x20, s28, s4, $0xb8;
	[tilespmem:$0x196E0] =	vst v63  }
0x1ec: {  	_ =	swait.ge [sflag:s10], $0x3E80  }
0x1ed: {  	[sflag:s10] =	ssyncset.done $0x0  }
0x1ee: {  	s17 =	rddreg [dreg:$0x15];
	[sflag:s10] =	ssyncadd.s32 $0xFFFFC180  }
0x1ef: {  	[tilespmem:s7], [sflag:$0x2] =	stream.indirect.gather [hbm4b:s3+s4], $0x20, s17, s4, $0xb8;
	[tilespmem:$0x196E0] =	vst v63  }
0x1f0: {  	_ =	swait.ge [sflag:s11], $0x3E80  }
0x1f1: {  	[sflag:s11] =	ssyncset.done $0x0  }
0x1f2: {  	s26 =	rddreg [dreg:$0x16];
	[sflag:s11] =	ssyncadd.s32 $0xFFFFC180  }
0x1f3: {  	[tilespmem:s6], [sflag:$0x3] =	stream.indirect.gather [hbm4b:s3+s4], $0x20, s26, s4, $0xb8;
	[tilespmem:$0x196E0] =	vst v63  }
0x1f4: {  	_ =	swait.ge [sflag:s12], $0x3E80  }
0x1f5: {  	[sflag:s12] =	ssyncset.done $0x0  }
0x1f6: {  	s28 =	rddreg [dreg:$0x17];
	[sflag:s12] =	ssyncadd.s32 $0xFFFFC180  }
0x1f7: {  	[tilespmem:s5], [sflag:$0x4] =	stream.indirect.gather [hbm4b:s3+s4], $0x20, s28, s4, $0xb8;
	[tilespmem:$0x196E0] =	vst v63  }
0x1f8: {  	_ =	swait.ge [sflag:s16], $0x3E80  }
0x1f9: {  	[sflag:s16] =	ssyncset.done $0x0  }
0x1fa: {  	s17 =	rddreg [dreg:$0x18];
	[sflag:s16] =	ssyncadd.s32 $0xFFFFC180  }
0x1fb: {  	[spmem:s1] =	stream.indirect.scatter.add.f32 [tilespmem:s8], [sflag:$0x5], $0x20, s17, s4, $0xb8;
	[tilespmem:$0x196E0] =	vst v63  }
0x1fc: {  	_ =	swait.ge [sflag:s15], $0x3E80  }
0x1fd: {  	[sflag:s15] =	ssyncset.done $0x0  }
0x1fe: {  	s26 =	rddreg [dreg:$0x19];
	[sflag:s15] =	ssyncadd.s32 $0xFFFFC180  }
0x1ff: {  	[spmem:s1] =	stream.indirect.scatter.add.f32 [tilespmem:s7], [sflag:$0x6], $0x20, s26, s4, $0xb8;
	[tilespmem:$0x196E0] =	vst v63  }
0x200: {  	_ =	swait.ge [sflag:s14], $0x3E80  }
0x201: {  	[sflag:s14] =	ssyncset.done $0x0  }
0x202: {  	s28 =	rddreg [dreg:$0x1a];
	[sflag:s14] =	ssyncadd.s32 $0xFFFFC180  }
0x203: {  	[spmem:s1] =	stream.indirect.scatter.add.f32 [tilespmem:s6], [sflag:$0x7], $0x20, s28, s4, $0xb8;
	[tilespmem:$0x196E0] =	vst v63  }
0x204: {  	_ =	swait.ge [sflag:s13], $0x3E80  }
0x205: {  	[sflag:s13] =	ssyncset.done $0x0  }
0x206: {  	s17 =	rddreg [dreg:$0x1b];
	[sflag:s13] =	ssyncadd.s32 $0xFFFFC180  }
0x207: {  	[spmem:s1] =	stream.indirect.scatter.add.f32 [tilespmem:s5], [sflag:$0x8], $0x20, s17, s4, $0xb8;
	[tilespmem:$0x196E0] =	vst v63  }
0x208: {  	_ =	swait.ge [sflag:s9], $0x3E80  }
0x209: {  	[sflag:s9] =	ssyncset.done $0x0  }
0x20a: {  	s26 =	rddreg [dreg:$0x1c];
	[sflag:s9] =	ssyncadd.s32 $0xFFFFC180  }
0x20b: {  	[tilespmem:s8], [sflag:$0x1] =	stream.indirect.gather [hbm4b:s3+s4], $0x20, s26, s4, $0xb8;
	[tilespmem:$0x196E0] =	vst v63  }
0x20c: {  	_ =	swait.ge [sflag:s10], $0x3E80  }
0x20d: {  	[sflag:s10] =	ssyncset.done $0x0  }
0x20e: {  	s28 =	rddreg [dreg:$0x1d];
	[sflag:s10] =	ssyncadd.s32 $0xFFFFC180  }
0x20f: {  	[tilespmem:s7], [sflag:$0x2] =	stream.indirect.gather [hbm4b:s3+s4], $0x20, s28, s4, $0xb8;
	[tilespmem:$0x196E0] =	vst v63  }
0x210: {  	_ =	swait.ge [sflag:s11], $0x3E80  }
0x211: {  	[sflag:s11] =	ssyncset.done $0x0  }
0x212: {  	s17 =	rddreg [dreg:$0x1e];
	[sflag:s11] =	ssyncadd.s32 $0xFFFFC180  }
0x213: {  	[tilespmem:s6], [sflag:$0x3] =	stream.indirect.gather [hbm4b:s3+s4], $0x20, s17, s4, $0xb8;
	[tilespmem:$0x196E0] =	vst v63  }
0x214: {  	_ =	swait.ge [sflag:s12], $0x3E80  }
0x215: {  	[sflag:s12] =	ssyncset.done $0x0  }
0x216: {  	s26 =	rddreg [dreg:$0x1f];
	[sflag:s12] =	ssyncadd.s32 $0xFFFFC180  }
0x217: {  	[tilespmem:s5], [sflag:$0x4] =	stream.indirect.gather [hbm4b:s3+s4], $0x20, s26, s4, $0xb8;
	[tilespmem:$0x196E0] =	vst v63  }
0x218: {  	_ =	swait.ge [sflag:s16], $0x3E80  }
0x219: {  	s28 =	sld [smem:$0x7FA]  }
0x21a: {  	[sflag:s16] =	ssyncset.done $0x0  }
0x21b: {  	[sflag:s16] =	ssyncadd.s32 $0xFFFFC180  }
0x21c: {  	[spmem:s1] =	stream.indirect.scatter.add.f32 [tilespmem:s8], [sflag:$0x5], $0x20, s28, s4, $0xb8;
	[tilespmem:$0x196E0] =	vst v63  }
0x21d: {  	_ =	swait.ge [sflag:s15], $0x3E80  }
0x21e: {  	s17 =	sld [smem:$0x7FB]  }
0x21f: {  	[sflag:s15] =	ssyncset.done $0x0  }
0x220: {  	[sflag:s15] =	ssyncadd.s32 $0xFFFFC180  }
0x221: {  	[spmem:s1] =	stream.indirect.scatter.add.f32 [tilespmem:s7], [sflag:$0x6], $0x20, s17, s4, $0xb8;
	[tilespmem:$0x196E0] =	vst v63  }
0x222: {  	_ =	swait.ge [sflag:s14], $0x3E80  }
0x223: {  	s26 =	sld [smem:$0x7FC]  }
0x224: {  	[sflag:s14] =	ssyncset.done $0x0  }
0x225: {  	[sflag:s14] =	ssyncadd.s32 $0xFFFFC180  }
0x226: {  	[spmem:s1] =	stream.indirect.scatter.add.f32 [tilespmem:s6], [sflag:$0x7], $0x20, s26, s4, $0xb8;
	[tilespmem:$0x196E0] =	vst v63  }
0x227: {  	_ =	swait.ge [sflag:s13], $0x3E80  }
0x228: {  	s28 =	sld [smem:$0x7FD]  }
0x229: {  	[sflag:s13] =	ssyncset.done $0x0  }
0x22a: {  	[sflag:s13] =	ssyncadd.s32 $0xFFFFC180  }
0x22b: {  	[spmem:s1] =	stream.indirect.scatter.add.f32 [tilespmem:s5], [sflag:$0x8], $0x20, s28, s4, $0xb8;
	[tilespmem:$0x196E0] =	vst v63  }
0x22c: {  	_ =	swait.ge [sflag:s9], $0x3E80  }
0x22d: {  	[sflag:s9] =	ssyncset.done $0x0  }
0x22e: {  	[sflag:s9] =	ssyncadd.s32 $0xFFFFC180  }
0x22f: {  	[tilespmem:s8], [sflag:$0x1] =	stream.indirect.gather [hbm4b:s3+s4], $0x20, s24, s4, $0xb8;
	[tilespmem:$0x196E0] =	vst v63  }
0x230: {  	_ =	swait.ge [sflag:s10], $0x3E80  }
0x231: {  	[sflag:s10] =	ssyncset.done $0x0  }
0x232: {  	[sflag:s10] =	ssyncadd.s32 $0xFFFFC180  }
0x233: {  	[tilespmem:s7], [sflag:$0x2] =	stream.indirect.gather [hbm4b:s3+s4], $0x20, s23, s4, $0xb8;
	[tilespmem:$0x196E0] =	vst v63  }
0x234: {  	_ =	swait.ge [sflag:s11], $0x3E80  }
0x235: {  	[sflag:s11] =	ssyncset.done $0x0  }
0x236: {  	[sflag:s11] =	ssyncadd.s32 $0xFFFFC180  }
0x237: {  	[tilespmem:s6], [sflag:$0x3] =	stream.indirect.gather [hbm4b:s3+s4], $0x20, s22, s4, $0xb8;
	[tilespmem:$0x196E0] =	vst v63  }
0x238: {  	_ =	swait.ge [sflag:s12], $0x3E80  }
0x239: {  	[sflag:s12] =	ssyncset.done $0x0  }
0x23a: {  	[sflag:s12] =	ssyncadd.s32 $0xFFFFC180  }
0x23b: {  	[tilespmem:s5], [sflag:$0x4] =	stream.indirect.gather [hbm4b:s3+s4], $0x20, s21, s4, $0xb8;
	[tilespmem:$0x196E0] =	vst v63  }
0x23c: {  	_ =	swait.ge [sflag:s16], $0x3E80  }
0x23d: {  	[sflag:s16] =	ssyncset.done $0x0  }
0x23e: {  	[sflag:s16] =	ssyncadd.s32 $0xFFFFC180  }
0x23f: {  	[spmem:s1] =	stream.indirect.scatter.add.f32 [tilespmem:s8], [sflag:$0x5], $0x20, s20, s4, $0xb8;
	[tilespmem:$0x196E0] =	vst v63  }
0x240: {  	_ =	swait.ge [sflag:s15], $0x3E80  }
0x241: {  	[sflag:s15] =	ssyncset.done $0x0  }
0x242: {  	[sflag:s15] =	ssyncadd.s32 $0xFFFFC180  }
0x243: {  	[spmem:s1] =	stream.indirect.scatter.add.f32 [tilespmem:s7], [sflag:$0x6], $0x20, s19, s4, $0xb8;
	[tilespmem:$0x196E0] =	vst v63  }
0x244: {  	_ =	swait.ge [sflag:s14], $0x3E80  }
0x245: {  	[sflag:s14] =	ssyncset.done $0x0  }
0x246: {  	[sflag:s14] =	ssyncadd.s32 $0xFFFFC180  }
0x247: {  	[spmem:s1] =	stream.indirect.scatter.add.f32 [tilespmem:s6], [sflag:$0x7], $0x20, s18, s4, $0xb8;
	[tilespmem:$0x196E0] =	vst v63  }
0x248: {  	_ =	swait.ge [sflag:s13], $0x3E80  }
0x249: {  	[sflag:s13] =	ssyncset.done $0x0  }
0x24a: {  	s25 =	simm.s32 $0x4CC8;
	[sflag:s13] =	ssyncadd.s32 $0xFFFFC180  }
0x24b: {  	[spmem:s1] =	stream.indirect.scatter.add.f32 [tilespmem:s5], [sflag:$0x8], $0x20, s25, s4, $0xb8;
	[tilespmem:$0x196E0] =	vst v63  }
0x24c: {  	_ =	swait.ge [sflag:s9], $0x3E80  }
0x24d: {  	[sflag:s9] =	ssyncset.done $0x0  }
0x24e: {  	[sflag:s9] =	ssyncadd.s32 $0xFFFFC180  }
0x24f: {  	_ =	swait.ge [sflag:s10], $0x3E80  }
0x250: {  	[sflag:s10] =	ssyncset.done $0x0  }
0x251: {  	[sflag:s10] =	ssyncadd.s32 $0xFFFFC180  }
0x252: {  	_ =	swait.ge [sflag:s11], $0x3E80  }
0x253: {  	[sflag:s11] =	ssyncset.done $0x0  }
0x254: {  	[sflag:s11] =	ssyncadd.s32 $0xFFFFC180  }
0x255: {  	_ =	swait.ge [sflag:s12], $0x3E80  }
0x256: {  	[sflag:s12] =	ssyncset.done $0x0  }
0x257: {  	[sflag:s12] =	ssyncadd.s32 $0xFFFFC180  }
0x258: {  	[bflag:$0x0] =	sbarrier.arrive $0xFFFF  }
0x259: {  	s0 =	rddreg [dreg:$0x5]  }
0x25a: {  	[hbm:s0], [sflag:s30] =	dma.local @!p0 [spmem:s2], $0x9C40  }
0x25b: {  	_ =	swait.ge @!p0 [sflag:s29], $0x9C40  }
0x25c: {  	[sflag:s29] =	ssyncset.done @!p0 $0x0  }
0x25d: {  	[sflag:s29] =	ssyncadd.s32 @!p0 $0xFFFF63C0  }
0x25e: {  	_ =	sfence.sel $0x180000  }
0x25f: {  	[bflag:$0x0] =	sbarrier.arrive $0xFFFF  }
0x260: {  	_ =	strace $0x9000004D  }
0x261: {  	s0 =	sadd.s32 @!p0 $0x100000, s31;
	[bflag:$0x2] =	sbarrier.arrive $0xFFFF  }
0x262: {  	[sflag:s0] =	ssyncadd.tile.s32 @!p0 $0x1;
	_ =	shalt  }
.LBB2_2:
.Ltmp3:
0x263: {  	(pc) =	sbr.rel .LBB2_5-.Ltmp3, $2  }
0x264: {  	_ =	sdelay $0x2  }
0x265: {  	s31 =	rddreg [dreg:$0x2]  }
.Lfunc_end2:
_tile_overlayer_lowered:
.L_overlay_start_2:
0x266: {  	(tag) =	ssettag $0x2  }
0x267: {  	s0 =	rddreg [dreg:$0x0];
	s2 =	stileid.u32  }
0x268: {  	s1 =	rddreg [dreg:$0x1];
	p0 =	sne.s32 s2, $0x0  }
0x269: {  	s3 =	rddreg [dreg:$0x2];
	[bflag:$0x3] =	sbarrier.arrive $0xFFFF;
	s2 =	simm.s32 @!p0 $0x1C09  }
0x26a: {  	[timem:s3], [sflag:s2] =	dma.local @!p0 [hbm:s0], s1  }
0x26b: {  	s0 =	simm.s32 @!p0 $0x9  }
0x26c: {  	_ =	swait.ge @!p0 [sflag:s0], s1  }
0x26d: {  	s1 =	ssub.s32 @!p0 $0x0, s1;
	[sflag:s0] =	ssyncset.done @!p0 $0x0  }
0x26e: {  	[sflag:s0] =	ssyncadd.s32 @!p0 s1  }
0x26f: {  	[bflag:$0x3] =	sbarrier.arrive $0xFFFF  }
0x270: {  	_ =	shalt  }

// kernel: kernel.8.cloned.1.call-start
scs
__scs_entry_jumppad:
0x0: {  	(pc) =	sbr.rel $0x88, $3  }
0x1: {  	(tag) =	ssettag $0x0;
	lr =	simm.s32 $0x1  }
0x2: {  	[smem:$0x3F95] =	sst lr;
	_ =	strace $0xD0000000  }
0x3: {  	_ = 	snop  }
0x4: {  	_ = 	snop  }
0x5: {  	_ = 	snop  }
0x6: {  	_ = 	snop  }
0x7: {  	_ = 	snop  }
__scs_overlays_trampoline_lowered:
0x8: {  	[smem:$0x3FA4] =	sst s0  }
0x9: {  	[smem:$0x3FA5] =	sst s1  }
0xa: {  	[smem:$0x3FA6] =	sst s2  }
0xb: {  	[smem:$0x3FA7] =	sst s3  }
0xc: {  	[smem:$0x3FA8] =	sst s4  }
0xd: {  	[smem:$0x3FA9] =	sst s5  }
0xe: {  	[smem:$0x3FAA] =	sst s6  }
0xf: {  	[smem:$0x3FAB] =	sst s7  }
0x10: {  	[smem:$0x3FAC] =	sst s8  }
0x11: {  	[smem:$0x3FAD] =	sst s9;
	s0 =	simm.s32 @!p0 $0x0  }
0x12: {  	s1 =	sld [smem:$0x3F93];
	s0 =	simm.s32 @p0 $0x1  }
0x13: {  	[smem:$0x3FAE] =	sst s0;
	s0 =	simm.s32 @!p1 $0x0  }
0x14: {  	s2 =	sld [smem:$0x3F92];
	s0 =	simm.s32 @p1 $0x1  }
0x15: {  	[smem:$0x3FAF] =	sst s0;
	s0 =	simm.s32 @!p2 $0x0  }
0x16: {  	s3 =	sld [smem:$0x3FDB];
	s0 =	simm.s32 @p2 $0x1  }
0x17: {  	s4 =	simm.s32 $0x1BF5;
	[smem:$0x3FB1] =	sst s0  }
0x18: {  	s0 =	sld [smem:$0x3F94];
	_ =	swait.ge [sflag:s4], $0x0  }
0x19: {  	s7 =	sld [smem:$0x3F95]  }
0x1a: {  	s8 =	sadd.s32 $0xFFFFE003, lr  }
0x1b: {  	s9 =	sadd.s32 $0xFFFFFEF7, lr;
	s5 =	simm.s32 $0xFFFFFFFF;
	p2 =	slt.u32 s8, $0xFFFFF086  }
0x1c: {  	p1 =	slt.u32 s9, $0xF7A;
	s5 =	simm.s32 @!p2 $0x0  }
0x1d: {  	s5 =	simm.s32 @p1 $0x1;
	p0 =	seq.s32 s7, s2  }
0x1e: {  	s7 =	smul.u32 @!p0 $0xF7A, s2;
	p2 =	seq.s32 @!p0 s5, $0x0  }
0x1f: {  	s9 =	smul.u32 $0xF7A, s1;
	s8 =	simm.s32 @!p0 $0x1BF5;
	p2 =	por !p2, p0  }
0x20: {  	[sflag:s8] =	ssyncset.s32 @!p0 $0xFFFFF086;
	s6 =	sadd.s32 @!p0 s3, s7;
	s7 =	simm.s32 @!p0 $0x108  }
0x21: {  	s3 =	sadd.s32 s3, s9;
	s6 =	sadd.s32 @!p0 $0x88, s6;
	s7 =	simm.s32 @p2 $0x1082  }
0x22: {  	[simem:s7], [sflag:s8] =	dma.local @!p0 [hbm:s6], $0xF7A  }
0x23: {  	s9 =	sor.u32 $0xD0000000, s2;
	s6 =	simm.s32 $0x108;
	_ =	swait.ge @!p0 [sflag:s8], $0x0  }
0x24: {  	s3 =	sadd.s32 $0x88, s3;
	s6 =	simm.s32 @!p1 $0x1082;
	[sflag:s4] =	ssyncset.s32 $0xFFFFF086  }
0x25: {  	[simem:s6], [sflag:s4] =	dma.local [hbm:s3], $0xF7A  }
0x26: {  	[smem:$0x3F95] =	sst s1;
	(tag) =	ssettag s2;
	_ =	strace s9  }
0x27: {  	s1 =	sld [smem:$0x3FA5]  }
0x28: {  	s2 =	sld [smem:$0x3FA6]  }
0x29: {  	s4 =	sld [smem:$0x3FA8]  }
0x2a: {  	p0 =	seq.s32 s5, $0x0;
	s5 =	sld [smem:$0x3FA9]  }
0x2b: {  	s6 =	sld [smem:$0x3FAA]  }
0x2c: {  	s7 =	sld [smem:$0x3FAB]  }
0x2d: {  	s3 =	simm.s32 $0x108;
	s8 =	sld [smem:$0x3FAC]  }
0x2e: {  	s3 =	simm.s32 @!p0 $0x1082;
	s9 =	sld [smem:$0x3FAD]  }
0x2f: {  	lr =	sadd.s32 s0, s3;
	s0 =	sld [smem:$0x3FA4]  }
0x30: {  	s3 =	sld [smem:$0x3FA7]  }
0x31: {  	[smem:$0x3FB0] =	sst s10  }
0x32: {  	s10 =	sld [smem:$0x3FAE];
	_ =	sdelay $0x3  }
0x33: {  	p0 =	seq.s32 s10, $0x1;
	s10 =	sld [smem:$0x3FB0];
	_ =	sdelay $0x3  }
0x34: {  	[smem:$0x3FB0] =	sst s10  }
0x35: {  	s10 =	sld [smem:$0x3FAF];
	_ =	sdelay $0x3  }
0x36: {  	p1 =	seq.s32 s10, $0x1;
	s10 =	sld [smem:$0x3FB0];
	_ =	sdelay $0x3  }
0x37: {  	[smem:$0x3FB0] =	sst s10  }
0x38: {  	s10 =	sld [smem:$0x3FB1]  }
0x39: {  	_ = 	snop;
	(pc) =	sbr.ind lr, $3  }
0x3a: {  	_ = 	snop  }
0x3b: {  	_ = 	snop  }
0x3c: {  	p2 =	seq.s32 s10, $0x1;
	s10 =	sld [smem:$0x3FB0]  }
0x3d: {  	_ =	shalt  }
0x3e: {  	_ =	shalt  }
0x3f: {  	_ =	shalt  }
0x40: {  	_ =	shalt  }
0x41: {  	_ =	shalt  }
0x42: {  	_ =	shalt  }
0x43: {  	_ =	shalt  }
0x44: {  	_ =	shalt  }
0x45: {  	_ =	shalt  }
0x46: {  	_ =	shalt  }
0x47: {  	_ =	shalt  }
0x48: {  	_ =	shalt  }
0x49: {  	_ =	shalt  }
0x4a: {  	_ =	shalt  }
0x4b: {  	_ =	shalt  }
0x4c: {  	_ =	shalt  }
0x4d: {  	_ =	shalt  }
0x4e: {  	_ =	shalt  }
0x4f: {  	_ =	shalt  }
0x50: {  	_ =	shalt  }
0x51: {  	_ =	shalt  }
0x52: {  	_ =	shalt  }
0x53: {  	_ =	shalt  }
0x54: {  	_ =	shalt  }
0x55: {  	_ =	shalt  }
0x56: {  	_ =	shalt  }
0x57: {  	_ =	shalt  }
0x58: {  	_ =	shalt  }
0x59: {  	_ =	shalt  }
0x5a: {  	_ =	shalt  }
0x5b: {  	_ =	shalt  }
0x5c: {  	_ =	shalt  }
0x5d: {  	_ =	shalt  }
0x5e: {  	_ =	shalt  }
0x5f: {  	_ =	shalt  }
0x60: {  	_ =	shalt  }
0x61: {  	_ =	shalt  }
0x62: {  	_ =	shalt  }
0x63: {  	_ =	shalt  }
0x64: {  	_ =	shalt  }
0x65: {  	_ =	shalt  }
0x66: {  	_ =	shalt  }
0x67: {  	_ =	shalt  }
0x68: {  	_ =	shalt  }
0x69: {  	_ =	shalt  }
0x6a: {  	_ =	shalt  }
0x6b: {  	_ =	shalt  }
0x6c: {  	_ =	shalt  }
0x6d: {  	_ =	shalt  }
0x6e: {  	_ =	shalt  }
0x6f: {  	_ =	shalt  }
0x70: {  	_ =	shalt  }
0x71: {  	_ =	shalt  }
0x72: {  	_ =	shalt  }
0x73: {  	_ =	shalt  }
0x74: {  	_ =	shalt  }
0x75: {  	_ =	shalt  }
0x76: {  	_ =	shalt  }
0x77: {  	_ =	shalt  }
0x78: {  	_ =	shalt  }
0x79: {  	_ =	shalt  }
0x7a: {  	_ =	shalt  }
0x7b: {  	_ =	shalt  }
0x7c: {  	_ =	shalt  }
0x7d: {  	_ =	shalt  }
0x7e: {  	_ =	shalt  }
0x7f: {  	_ =	shalt  }
0x80: {  	_ =	shalt  }
0x81: {  	_ =	shalt  }
0x82: {  	_ =	shalt  }
0x83: {  	_ =	shalt  }
0x84: {  	_ =	shalt  }
0x85: {  	_ =	shalt  }
0x86: {  	_ =	shalt  }
0x87: {  	_ =	shalt  }
.Lfunc_end0:
.L_simem_size_0:
called_computation_lowered:
.L_overlay_start_0:
0x88: {  	s2 =	sld [smem:$0x3FD9]  }
0x89: {  	s3 =	sld [smem:$0x3FFE];
	_ =	sdelay $0x1  }
0x8a: {  	s1 =	srdreg.scid  }
0x8b: {  	s0 =	sand.u32 $0x1, s1  }
0x8c: {  	s17 =	sshll.u32 s0, $0xA;
	s2 =	sadd.s32 s3, s2  }
0x8d: {  	s2 =	sadd.s32 s2, s17  }
0x8e: {  	[smem:$0x3FBC] =	sst s2  }
0x8f: {  	_ = 	snop  }
0x90: {  	s2 =	sld [smem:$0x3FD0];
	(tm) =	ssettm $0x1  }
0x91: {  	s18 =	sld [smem:$0x3FFB];
	_ =	sdelay $0x3  }
0x92: {  	_ =	strace s18  }
0x93: {  	s3 =	sld [smem:$0x3FFC];
	_ =	sdelay $0x3  }
0x94: {  	_ =	strace s3  }
0x95: {  	s3 =	sld [smem:$0x3FFD];
	_ =	sdelay $0x3  }
0x96: {  	_ =	strace s3  }
0x97: {  	_ =	strace $0x8FFFFFFF  }
0x98: {  	s19 =	sld [smem:$0x3FDB];
	_ =	sdelay $0x1  }
0x99: {  	s4 =	simm.s32 $_scs_section_size  }
0x9a: {  	s5 =	simm.s32 $_size__tile_overlayer_lowered;
	s6 =	simm.s32 $_tile_overlayer_lowered  }
0x9b: {  	s22 =	simm.s32 $0x1BFF;
	s21 =	sshll.u32 s6, $0x1;
	s3 =	sadd.s32 s4, s19  }
0x9c: {  	s7 =	simm.s32 $0x0;
	s20 =	sshll.u32 s5, $0x1;
	s5 =	sadd.s32 s21, s3  }
0x9d: {  	[timem:s7], [sflag:s22] =	dma.local [hbm:s5], s20  }
0x9e: {  	_ =	swait.ge [sflag:s22], s20  }
0x9f: {  	s4 =	ssub.s32 $0x0, s20;
	[sflag:s22] =	ssyncset.done $0x0  }
0xa0: {  	[sflag:s22] =	ssyncadd.s32 s4;
	_ =	sdelay $0x1  }
0xa1: {  	s23 =	simm.s32 $0x1B8B  }
0xa2: {  	_ =	swait.ge [sflag:s23], $0x1  }
0xa3: {  	[sflag:s23] =	ssyncset.done $0x0  }
0xa4: {  	s25 =	simm.s32 $0x1B8E;
	s24 =	sld [smem:$0x3FFE];
	[sflag:s23] =	ssyncadd.s32 $0xFFFFFFFF  }
0xa5: {  	s26 =	simm.s32 $execute0_lowered;
	[smem:$0x3FD2] =	sst s25  }
0xa6: {  	s5 =	sshll.u32 s26, $0x1;
	_ =	strace $0x80000046;
	[dreg:$0x1] =	wrdreg $0xFFFFFFFF  }
0xa7: {  	s28 =	simm.s32 $_size_execute0_lowered;
	s3 =	sadd.s32 s3, s5;
	[dreg:$0x0] =	wrdreg $0x0  }
0xa8: {  	s5 =	sshll.u32 s28, $0x1;
	[dreg:$0x2] =	wrdreg s3  }
0xa9: {  	[dreg:$0x3] =	wrdreg s5  }
0xaa: {  	[dreg:$0x4] =	wrdreg $0xC0  }
0xab: {  	_ =	task [dreg:s7], $0x5FFFF  }
0xac: {  	[dreg:$0x1] =	wrdreg $0xFFFFFFFF  }
0xad: {  	[dreg:$0x0] =	wrdreg $0x60  }
0xae: {  	[dreg:$0x2] =	wrdreg s24  }
0xaf: {  	[dreg:$0x3] =	wrdreg s2  }
0xb0: {  	[dreg:$0x4] =	wrdreg $0x29580  }
0xb1: {  	[dreg:$0x5] =	wrdreg $0x9  }
0xb2: {  	_ =	task.clear_ibuf [dreg:s7], $0x6FFFF;
	_ =	strace $0x90000046  }
0xb3: {  	s29 =	simm.s32 $0x9;
	_ =	strace $0x80000048  }
0xb4: {  	_ =	swait.ge [sflag:s29], $0x1  }
0xb5: {  	[sflag:s29] =	ssyncadd.s32 $0xFFFFFFFF  }
0xb6: {  	_ =	strace $0x90000048  }
0xb7: {  	_ =	sfence  }
0xb8: {  	s30 =	sld [smem:$0x0];
	_ =	sdelay $0x2  }
0xb9: {  	s31 =	sshll.u32 s1, $0xD;
	s1 =	sshrl.u32 s1, $0x2  }
0xba: {  	s3 =	sand.u32 $0x4000, s31;
	s1 =	sadd.s32 s1, s30  }
0xbb: {  	s0 =	sor.u32 s3, s0;
	s1 =	sshll.u32 s1, $0x11  }
0xbc: {  	s0 =	sor.u32 s1, s0  }
0xbd: {  	s0 =	sadd.s32 $0x8F2B, s0  }
0xbe: {  	[sflag:s0] =	ssyncadd.remote.s32 $0x1  }
0xbf: {  	_ =	sfence.sel $0xFFFF  }
0xc0: {  	[dreg:$0x0] =	wrdreg $0xFFFFFFFF;
	(pc) =	sbr.abs _section_cstart, $3  }
0xc1: {  	[dreg:$0x1] =	wrdreg $0xFFFFFFFF  }
0xc2: {  	_ =	task.clear_ibuf [dreg:s7], $0x2FFFF;
	_ =	strace $0x9FFFFFFF  }
0xc3: {  	(tm) =	ssettm $0x7FFFFFFF  }
tec
execute0_lowered:
.L_overlay_start_1:
0x0: {  	(tag) =	ssettag $0x1  }
0x1: {  	s8 =	rddreg [dreg:$0x0]  }
0x2: {  	s1 =	rddreg [dreg:$0x2];
	s2 =	simm.s32 $0x0;
	s6 =	stileid.u32  }
0x3: {  	[smem:$0x7FF] =	sst s2;
	s3 =	sadd.s32 $0xD400, s8;
	s25 =	sadd.s32 $0xDA00, s8  }
0x4: {  	p0 =	sne.s32 s6, $0x0;
	_ =	strace $0x80000047;
	[dreg:$0x4] =	wrdreg s3  }
0x5: {  	[dreg:$0x5] =	wrdreg s25;
	s4 =	sshrl.u32 @!p0 s1, $0x3  }
0x6: {  	s5 =	simm.s32 @!p0 $0x1C01;
	s3 =	simm.s32 @!p0 $0x1;
	s7 =	rddreg [dreg:$0x4]  }
0x7: {  	[spmem:s4], [sflag:s5] =	dma.local @!p0 [hbm:s7], $0x4E2  }
0x8: {  	s26 =	srdreg.scid;
	_ =	swait.ge @!p0 [sflag:s3], $0x4E2  }
0x9: {  	s31 =	sand.u32 $0x1, s26;
	[sflag:s3] =	ssyncset.done @!p0 $0x0  }
0xa: {  	s7 =	sshll.u32 s31, $0x4;
	[sflag:s3] =	ssyncadd.s32 @!p0 $0xFFFFFB1E  }
0xb: {  	s6 =	sor.u32 s6, s7;
	s7 =	simm.s32 $0x1;
	[bflag:$0x0] =	sbarrier.arrive $0xFFFF  }
0xc: {  	s10 =	smul.u32 $0x4EC, s6;
	s6 =	simm.s32 $0x2760;
	s9 =	rddreg [dreg:$0x5]  }
0xd: {  	[tilespmem:s6], [sflag:$0x1] =	stream.linear.gather [hbm4b:s9+s2], $0x1F8, $0x38;
	[tilespmem:$0x2BD0] =	vst v63  }
0xe: {  	_ =	swait.ge [sflag:s7], $0x1F8  }
0xf: {  	s8 =	sadd.s32 s10, s8;
	[sflag:s7] =	ssyncset.done $0x0  }
0x10: {  	s8 =	sadd.s32 $0x3600, s8;
	[sflag:s7] =	ssyncadd.s32 $0xFFFFFE08  }
0x11: {  	[tilespmem:s2], [sflag:$0x1] =	stream.linear.gather [hbm4b:s8+s2], $0x2760, $0x38;
	[tilespmem:$0x2BD0] =	vst v63  }
0x12: {  	_ =	swait.ge [sflag:s7], $0x2760  }
0x13: {  	[sflag:s7] =	ssyncset.done $0x0  }
0x14: {  	s9 =	simm.s32 $0x1F4;
	[sflag:s7] =	ssyncadd.s32 $0xFFFFD8A0  }
0x15: {  	[spmem:s1] =	stream.indirect.scatter.add.f32 [tilespmem:s6], [sflag:$0x1], $0x1, s2, s9, $0xb8;
	[tilespmem:$0x2BD0] =	vst v63  }
0x16: {  	_ =	swait.ge [sflag:s7], $0x1F4  }
0x17: {  	[sflag:s7] =	ssyncset.done $0x0  }
0x18: {  	s10 =	simm.s32 $0x1F8;
	[sflag:s7] =	ssyncadd.s32 $0xFFFFFE0C  }
0x19: {  	[spmem:s1] =	stream.indirect.scatter.add.f32 [tilespmem:s6], [sflag:$0x1], $0x1, s10, s9, $0xb8;
	[tilespmem:$0x2BD0] =	vst v63  }
0x1a: {  	_ =	swait.ge [sflag:s7], $0x1F4  }
0x1b: {  	[sflag:s7] =	ssyncset.done $0x0  }
0x1c: {  	s11 =	simm.s32 $0x3F0;
	[sflag:s7] =	ssyncadd.s32 $0xFFFFFE0C  }
0x1d: {  	[spmem:s1] =	stream.indirect.scatter.add.f32 [tilespmem:s6], [sflag:$0x1], $0x1, s11, s9, $0xb8;
	[tilespmem:$0x2BD0] =	vst v63  }
0x1e: {  	_ =	swait.ge [sflag:s7], $0x1F4  }
0x1f: {  	[sflag:s7] =	ssyncset.done $0x0  }
0x20: {  	s12 =	simm.s32 $0x5E8;
	[sflag:s7] =	ssyncadd.s32 $0xFFFFFE0C  }
0x21: {  	[spmem:s1] =	stream.indirect.scatter.add.f32 [tilespmem:s6], [sflag:$0x1], $0x1, s12, s9, $0xb8;
	[tilespmem:$0x2BD0] =	vst v63  }
0x22: {  	_ =	swait.ge [sflag:s7], $0x1F4  }
0x23: {  	[sflag:s7] =	ssyncset.done $0x0  }
0x24: {  	s13 =	simm.s32 $0x7E0;
	[sflag:s7] =	ssyncadd.s32 $0xFFFFFE0C  }
0x25: {  	[spmem:s1] =	stream.indirect.scatter.add.f32 [tilespmem:s6], [sflag:$0x1], $0x1, s13, s9, $0xb8;
	[tilespmem:$0x2BD0] =	vst v63  }
0x26: {  	_ =	swait.ge [sflag:s7], $0x1F4  }
0x27: {  	[sflag:s7] =	ssyncset.done $0x0  }
0x28: {  	s14 =	simm.s32 $0x9D8;
	[sflag:s7] =	ssyncadd.s32 $0xFFFFFE0C  }
0x29: {  	[spmem:s1] =	stream.indirect.scatter.add.f32 [tilespmem:s6], [sflag:$0x1], $0x1, s14, s9, $0xb8;
	[tilespmem:$0x2BD0] =	vst v63  }
0x2a: {  	_ =	swait.ge [sflag:s7], $0x1F4  }
0x2b: {  	[sflag:s7] =	ssyncset.done $0x0  }
0x2c: {  	s15 =	simm.s32 $0xBD0;
	[sflag:s7] =	ssyncadd.s32 $0xFFFFFE0C  }
0x2d: {  	[spmem:s1] =	stream.indirect.scatter.add.f32 [tilespmem:s6], [sflag:$0x1], $0x1, s15, s9, $0xb8;
	[tilespmem:$0x2BD0] =	vst v63  }
0x2e: {  	_ =	swait.ge [sflag:s7], $0x1F4  }
0x2f: {  	[sflag:s7] =	ssyncset.done $0x0  }
0x30: {  	s16 =	simm.s32 $0xDC8;
	[sflag:s7] =	ssyncadd.s32 $0xFFFFFE0C  }
0x31: {  	[spmem:s1] =	stream.indirect.scatter.add.f32 [tilespmem:s6], [sflag:$0x1], $0x1, s16, s9, $0xb8;
	[tilespmem:$0x2BD0] =	vst v63  }
0x32: {  	_ =	swait.ge [sflag:s7], $0x1F4  }
0x33: {  	[sflag:s7] =	ssyncset.done $0x0  }
0x34: {  	s17 =	simm.s32 $0xFC0;
	[sflag:s7] =	ssyncadd.s32 $0xFFFFFE0C  }
0x35: {  	[spmem:s1] =	stream.indirect.scatter.add.f32 [tilespmem:s6], [sflag:$0x1], $0x1, s17, s9, $0xb8;
	[tilespmem:$0x2BD0] =	vst v63  }
0x36: {  	_ =	swait.ge [sflag:s7], $0x1F4  }
0x37: {  	[sflag:s7] =	ssyncset.done $0x0  }
0x38: {  	s18 =	simm.s32 $0x11B8;
	[sflag:s7] =	ssyncadd.s32 $0xFFFFFE0C  }
0x39: {  	[spmem:s1] =	stream.indirect.scatter.add.f32 [tilespmem:s6], [sflag:$0x1], $0x1, s18, s9, $0xb8;
	[tilespmem:$0x2BD0] =	vst v63  }
0x3a: {  	_ =	swait.ge [sflag:s7], $0x1F4  }
0x3b: {  	[sflag:s7] =	ssyncset.done $0x0  }
0x3c: {  	s19 =	simm.s32 $0x13B0;
	[sflag:s7] =	ssyncadd.s32 $0xFFFFFE0C  }
0x3d: {  	[spmem:s1] =	stream.indirect.scatter.add.f32 [tilespmem:s6], [sflag:$0x1], $0x1, s19, s9, $0xb8;
	[tilespmem:$0x2BD0] =	vst v63  }
0x3e: {  	_ =	swait.ge [sflag:s7], $0x1F4  }
0x3f: {  	[sflag:s7] =	ssyncset.done $0x0  }
0x40: {  	s20 =	simm.s32 $0x15A8;
	[sflag:s7] =	ssyncadd.s32 $0xFFFFFE0C  }
0x41: {  	[spmem:s1] =	stream.indirect.scatter.add.f32 [tilespmem:s6], [sflag:$0x1], $0x1, s20, s9, $0xb8;
	[tilespmem:$0x2BD0] =	vst v63  }
0x42: {  	_ =	swait.ge [sflag:s7], $0x1F4  }
0x43: {  	[sflag:s7] =	ssyncset.done $0x0  }
0x44: {  	s21 =	simm.s32 $0x17A0;
	[sflag:s7] =	ssyncadd.s32 $0xFFFFFE0C  }
0x45: {  	[spmem:s1] =	stream.indirect.scatter.add.f32 [tilespmem:s6], [sflag:$0x1], $0x1, s21, s9, $0xb8;
	[tilespmem:$0x2BD0] =	vst v63  }
0x46: {  	_ =	swait.ge [sflag:s7], $0x1F4  }
0x47: {  	[sflag:s7] =	ssyncset.done $0x0  }
0x48: {  	s22 =	simm.s32 $0x1998;
	[sflag:s7] =	ssyncadd.s32 $0xFFFFFE0C  }
0x49: {  	[spmem:s1] =	stream.indirect.scatter.add.f32 [tilespmem:s6], [sflag:$0x1], $0x1, s22, s9, $0xb8;
	[tilespmem:$0x2BD0] =	vst v63  }
0x4a: {  	_ =	swait.ge [sflag:s7], $0x1F4  }
0x4b: {  	[sflag:s7] =	ssyncset.done $0x0  }
0x4c: {  	s23 =	simm.s32 $0x1B90;
	[sflag:s7] =	ssyncadd.s32 $0xFFFFFE0C  }
0x4d: {  	[spmem:s1] =	stream.indirect.scatter.add.f32 [tilespmem:s6], [sflag:$0x1], $0x1, s23, s9, $0xb8;
	[tilespmem:$0x2BD0] =	vst v63  }
0x4e: {  	_ =	swait.ge [sflag:s7], $0x1F4  }
0x4f: {  	[sflag:s7] =	ssyncset.done $0x0  }
0x50: {  	s24 =	simm.s32 $0x1D88;
	[sflag:s7] =	ssyncadd.s32 $0xFFFFFE0C  }
0x51: {  	[spmem:s1] =	stream.indirect.scatter.add.f32 [tilespmem:s6], [sflag:$0x1], $0x1, s24, s9, $0xb8;
	[tilespmem:$0x2BD0] =	vst v63  }
0x52: {  	_ =	swait.ge [sflag:s7], $0x1F4  }
0x53: {  	[sflag:s7] =	ssyncset.done $0x0  }
0x54: {  	s25 =	simm.s32 $0x1F80;
	[sflag:s7] =	ssyncadd.s32 $0xFFFFFE0C  }
0x55: {  	[spmem:s1] =	stream.indirect.scatter.add.f32 [tilespmem:s6], [sflag:$0x1], $0x1, s25, s9, $0xb8;
	[tilespmem:$0x2BD0] =	vst v63  }
0x56: {  	_ =	swait.ge [sflag:s7], $0x1F4  }
0x57: {  	[sflag:s7] =	ssyncset.done $0x0  }
0x58: {  	s26 =	simm.s32 $0x2178;
	[sflag:s7] =	ssyncadd.s32 $0xFFFFFE0C  }
0x59: {  	[spmem:s1] =	stream.indirect.scatter.add.f32 [tilespmem:s6], [sflag:$0x1], $0x1, s26, s9, $0xb8;
	[tilespmem:$0x2BD0] =	vst v63  }
0x5a: {  	_ =	swait.ge [sflag:s7], $0x1F4  }
0x5b: {  	[sflag:s7] =	ssyncset.done $0x0  }
0x5c: {  	s28 =	simm.s32 $0x2370;
	[sflag:s7] =	ssyncadd.s32 $0xFFFFFE0C  }
0x5d: {  	[spmem:s1] =	stream.indirect.scatter.add.f32 [tilespmem:s6], [sflag:$0x1], $0x1, s28, s9, $0xb8;
	[tilespmem:$0x2BD0] =	vst v63  }
0x5e: {  	_ =	swait.ge [sflag:s7], $0x1F4  }
0x5f: {  	[sflag:s7] =	ssyncset.done $0x0  }
0x60: {  	s29 =	simm.s32 $0x2568;
	[sflag:s7] =	ssyncadd.s32 $0xFFFFFE0C  }
0x61: {  	[spmem:s1] =	stream.indirect.scatter.add.f32 [tilespmem:s6], [sflag:$0x1], $0x1, s29, s9, $0xb8;
	[tilespmem:$0x2BD0] =	vst v63  }
0x62: {  	s0 =	ssub.s32 $0x2, s31;
	_ =	swait.ge [sflag:s7], $0x1F4  }
0x63: {  	s30 =	sshrl.u32 s0, $0x1;
	[sflag:s7] =	ssyncset.done $0x0  }
0x64: {  	s0 =	ssub.s32 s0, s30;
	s30 =	smul.u32 $0x4E2, s31;
	[sflag:s7] =	ssyncadd.s32 $0xFFFFFE0C  }
0x65: {  	s0 =	smax.u32 s0, $0x1;
	s31 =	rddreg [dreg:$0x1]  }
0x66: {  	s30 =	sadd.s32 s31, s30;
	s31 =	sadd.s32 $0xFFFFFFFF, s0  }
0x67: {  	p1 =	sne.s32 s31, $0x0  }
.Ltmp0:
0x68: {  	_ = 	snop;
	(pc) =	sbr.rel @!p1 .LBB2_2-.Ltmp0, $4  }
0x69: {  	_ = 	snop  }
0x6a: {  	[bflag:$0x0] =	sbarrier.arrive $0xFFFF  }
0x6b: {  	[hbm:s30], [sflag:s5] =	dma.local @!p0 [spmem:s4], $0x4E2  }
0x6c: {  	_ =	swait.ge @!p0 [sflag:s3], $0x4E2  }
.LBB2_1:
0x6d: {  	[sflag:s3] =	ssyncset.done @!p0 $0x0  }
0x6e: {  	s0 =	rddreg [dreg:$0x4];
	[sflag:s3] =	ssyncadd.s32 @!p0 $0xFFFFFB1E  }
0x6f: {  	[spmem:s4], [sflag:s5] =	dma.local @!p0 [hbm:s0], $0x4E2  }
0x70: {  	_ =	swait.ge @!p0 [sflag:s3], $0x4E2  }
0x71: {  	[sflag:s3] =	ssyncset.done @!p0 $0x0  }
0x72: {  	[sflag:s3] =	ssyncadd.s32 @!p0 $0xFFFFFB1E  }
0x73: {  	[bflag:$0x0] =	sbarrier.arrive $0xFFFF  }
0x74: {  	s0 =	rddreg [dreg:$0x5]  }
0x75: {  	[tilespmem:s6], [sflag:$0x1] =	stream.linear.gather [hbm4b:s0+s2], $0x1F8, $0x38;
	[tilespmem:$0x2BD0] =	vst v63  }
0x76: {  	_ =	swait.ge [sflag:s7], $0x1F8  }
0x77: {  	[sflag:s7] =	ssyncset.done $0x0  }
0x78: {  	[sflag:s7] =	ssyncadd.s32 $0xFFFFFE08  }
0x79: {  	[tilespmem:s2], [sflag:$0x1] =	stream.linear.gather [hbm4b:s8+s2], $0x2760, $0x38;
	[tilespmem:$0x2BD0] =	vst v63  }
0x7a: {  	_ =	swait.ge [sflag:s7], $0x2760  }
0x7b: {  	[sflag:s7] =	ssyncset.done $0x0  }
0x7c: {  	[sflag:s7] =	ssyncadd.s32 $0xFFFFD8A0  }
0x7d: {  	[spmem:s1] =	stream.indirect.scatter.add.f32 [tilespmem:s6], [sflag:$0x1], $0x1, s2, s9, $0xb8;
	[tilespmem:$0x2BD0] =	vst v63  }
0x7e: {  	_ =	swait.ge [sflag:s7], $0x1F4  }
0x7f: {  	[sflag:s7] =	ssyncset.done $0x0  }
0x80: {  	[sflag:s7] =	ssyncadd.s32 $0xFFFFFE0C  }
0x81: {  	[spmem:s1] =	stream.indirect.scatter.add.f32 [tilespmem:s6], [sflag:$0x1], $0x1, s10, s9, $0xb8;
	[tilespmem:$0x2BD0] =	vst v63  }
0x82: {  	_ =	swait.ge [sflag:s7], $0x1F4  }
0x83: {  	[sflag:s7] =	ssyncset.done $0x0  }
0x84: {  	[sflag:s7] =	ssyncadd.s32 $0xFFFFFE0C  }
0x85: {  	[spmem:s1] =	stream.indirect.scatter.add.f32 [tilespmem:s6], [sflag:$0x1], $0x1, s11, s9, $0xb8;
	[tilespmem:$0x2BD0] =	vst v63  }
0x86: {  	_ =	swait.ge [sflag:s7], $0x1F4  }
0x87: {  	[sflag:s7] =	ssyncset.done $0x0  }
0x88: {  	[sflag:s7] =	ssyncadd.s32 $0xFFFFFE0C  }
0x89: {  	[spmem:s1] =	stream.indirect.scatter.add.f32 [tilespmem:s6], [sflag:$0x1], $0x1, s12, s9, $0xb8;
	[tilespmem:$0x2BD0] =	vst v63  }
0x8a: {  	_ =	swait.ge [sflag:s7], $0x1F4  }
0x8b: {  	[sflag:s7] =	ssyncset.done $0x0  }
0x8c: {  	[sflag:s7] =	ssyncadd.s32 $0xFFFFFE0C  }
0x8d: {  	[spmem:s1] =	stream.indirect.scatter.add.f32 [tilespmem:s6], [sflag:$0x1], $0x1, s13, s9, $0xb8;
	[tilespmem:$0x2BD0] =	vst v63  }
0x8e: {  	_ =	swait.ge [sflag:s7], $0x1F4  }
0x8f: {  	[sflag:s7] =	ssyncset.done $0x0  }
0x90: {  	[sflag:s7] =	ssyncadd.s32 $0xFFFFFE0C  }
0x91: {  	[spmem:s1] =	stream.indirect.scatter.add.f32 [tilespmem:s6], [sflag:$0x1], $0x1, s14, s9, $0xb8;
	[tilespmem:$0x2BD0] =	vst v63  }
0x92: {  	_ =	swait.ge [sflag:s7], $0x1F4  }
0x93: {  	[sflag:s7] =	ssyncset.done $0x0  }
0x94: {  	[sflag:s7] =	ssyncadd.s32 $0xFFFFFE0C  }
0x95: {  	[spmem:s1] =	stream.indirect.scatter.add.f32 [tilespmem:s6], [sflag:$0x1], $0x1, s15, s9, $0xb8;
	[tilespmem:$0x2BD0] =	vst v63  }
0x96: {  	_ =	swait.ge [sflag:s7], $0x1F4  }
0x97: {  	[sflag:s7] =	ssyncset.done $0x0  }
0x98: {  	[sflag:s7] =	ssyncadd.s32 $0xFFFFFE0C  }
0x99: {  	[spmem:s1] =	stream.indirect.scatter.add.f32 [tilespmem:s6], [sflag:$0x1], $0x1, s16, s9, $0xb8;
	[tilespmem:$0x2BD0] =	vst v63  }
0x9a: {  	_ =	swait.ge [sflag:s7], $0x1F4  }
0x9b: {  	[sflag:s7] =	ssyncset.done $0x0  }
0x9c: {  	[sflag:s7] =	ssyncadd.s32 $0xFFFFFE0C  }
0x9d: {  	[spmem:s1] =	stream.indirect.scatter.add.f32 [tilespmem:s6], [sflag:$0x1], $0x1, s17, s9, $0xb8;
	[tilespmem:$0x2BD0] =	vst v63  }
0x9e: {  	_ =	swait.ge [sflag:s7], $0x1F4  }
0x9f: {  	[sflag:s7] =	ssyncset.done $0x0  }
0xa0: {  	[sflag:s7] =	ssyncadd.s32 $0xFFFFFE0C  }
0xa1: {  	[spmem:s1] =	stream.indirect.scatter.add.f32 [tilespmem:s6], [sflag:$0x1], $0x1, s18, s9, $0xb8;
	[tilespmem:$0x2BD0] =	vst v63  }
0xa2: {  	_ =	swait.ge [sflag:s7], $0x1F4  }
0xa3: {  	[sflag:s7] =	ssyncset.done $0x0  }
0xa4: {  	[sflag:s7] =	ssyncadd.s32 $0xFFFFFE0C  }
0xa5: {  	[spmem:s1] =	stream.indirect.scatter.add.f32 [tilespmem:s6], [sflag:$0x1], $0x1, s19, s9, $0xb8;
	[tilespmem:$0x2BD0] =	vst v63  }
0xa6: {  	_ =	swait.ge [sflag:s7], $0x1F4  }
0xa7: {  	[sflag:s7] =	ssyncset.done $0x0  }
0xa8: {  	[sflag:s7] =	ssyncadd.s32 $0xFFFFFE0C  }
0xa9: {  	[spmem:s1] =	stream.indirect.scatter.add.f32 [tilespmem:s6], [sflag:$0x1], $0x1, s20, s9, $0xb8;
	[tilespmem:$0x2BD0] =	vst v63  }
0xaa: {  	_ =	swait.ge [sflag:s7], $0x1F4  }
0xab: {  	[sflag:s7] =	ssyncset.done $0x0  }
0xac: {  	[sflag:s7] =	ssyncadd.s32 $0xFFFFFE0C  }
0xad: {  	[spmem:s1] =	stream.indirect.scatter.add.f32 [tilespmem:s6], [sflag:$0x1], $0x1, s21, s9, $0xb8;
	[tilespmem:$0x2BD0] =	vst v63  }
0xae: {  	_ =	swait.ge [sflag:s7], $0x1F4  }
0xaf: {  	[sflag:s7] =	ssyncset.done $0x0  }
0xb0: {  	[sflag:s7] =	ssyncadd.s32 $0xFFFFFE0C  }
0xb1: {  	[spmem:s1] =	stream.indirect.scatter.add.f32 [tilespmem:s6], [sflag:$0x1], $0x1, s22, s9, $0xb8;
	[tilespmem:$0x2BD0] =	vst v63  }
0xb2: {  	_ =	swait.ge [sflag:s7], $0x1F4  }
0xb3: {  	[sflag:s7] =	ssyncset.done $0x0  }
0xb4: {  	[sflag:s7] =	ssyncadd.s32 $0xFFFFFE0C  }
0xb5: {  	[spmem:s1] =	stream.indirect.scatter.add.f32 [tilespmem:s6], [sflag:$0x1], $0x1, s23, s9, $0xb8;
	[tilespmem:$0x2BD0] =	vst v63  }
0xb6: {  	_ =	swait.ge [sflag:s7], $0x1F4  }
0xb7: {  	[sflag:s7] =	ssyncset.done $0x0  }
0xb8: {  	[sflag:s7] =	ssyncadd.s32 $0xFFFFFE0C  }
0xb9: {  	[spmem:s1] =	stream.indirect.scatter.add.f32 [tilespmem:s6], [sflag:$0x1], $0x1, s24, s9, $0xb8;
	[tilespmem:$0x2BD0] =	vst v63  }
0xba: {  	_ =	swait.ge [sflag:s7], $0x1F4  }
0xbb: {  	[sflag:s7] =	ssyncset.done $0x0  }
0xbc: {  	[sflag:s7] =	ssyncadd.s32 $0xFFFFFE0C  }
0xbd: {  	[spmem:s1] =	stream.indirect.scatter.add.f32 [tilespmem:s6], [sflag:$0x1], $0x1, s25, s9, $0xb8;
	[tilespmem:$0x2BD0] =	vst v63  }
0xbe: {  	_ =	swait.ge [sflag:s7], $0x1F4  }
0xbf: {  	[sflag:s7] =	ssyncset.done $0x0  }
0xc0: {  	[sflag:s7] =	ssyncadd.s32 $0xFFFFFE0C  }
0xc1: {  	[spmem:s1] =	stream.indirect.scatter.add.f32 [tilespmem:s6], [sflag:$0x1], $0x1, s26, s9, $0xb8;
	[tilespmem:$0x2BD0] =	vst v63  }
0xc2: {  	_ =	swait.ge [sflag:s7], $0x1F4  }
0xc3: {  	[sflag:s7] =	ssyncset.done $0x0  }
0xc4: {  	[sflag:s7] =	ssyncadd.s32 $0xFFFFFE0C  }
0xc5: {  	[spmem:s1] =	stream.indirect.scatter.add.f32 [tilespmem:s6], [sflag:$0x1], $0x1, s28, s9, $0xb8;
	[tilespmem:$0x2BD0] =	vst v63  }
0xc6: {  	_ =	swait.ge [sflag:s7], $0x1F4  }
0xc7: {  	[sflag:s7] =	ssyncset.done $0x0  }
0xc8: {  	s31 =	sadd.s32 $0xFFFFFFFF, s31;
	[sflag:s7] =	ssyncadd.s32 $0xFFFFFE0C  }
0xc9: {  	[spmem:s1] =	stream.indirect.scatter.add.f32 [tilespmem:s6], [sflag:$0x1], $0x1, s29, s9, $0xb8;
	[tilespmem:$0x2BD0] =	vst v63  }
0xca: {  	p1 =	sne.s32 s31, $0x0;
	_ =	swait.ge [sflag:s7], $0x1F4  }
.Ltmp1:
0xcb: {  	[sflag:s7] =	ssyncset.done $0x0;
	(pc) =	sbr.rel @p1 .LBB2_1-.Ltmp1, $4  }
0xcc: {  	[sflag:s7] =	ssyncadd.s32 $0xFFFFFE0C  }
0xcd: {  	[bflag:$0x0] =	sbarrier.arrive $0xFFFF  }
0xce: {  	[hbm:s30], [sflag:s5] =	dma.local @!p0 [spmem:s4], $0x4E2  }
0xcf: {  	_ =	swait.ge @!p0 [sflag:s3], $0x4E2  }
.LBB2_2:
0xd0: {  	[sflag:s3] =	ssyncset.done @!p0 $0x0  }
0xd1: {  	[sflag:s3] =	ssyncadd.s32 @!p0 $0xFFFFFB1E  }
0xd2: {  	_ =	sfence.sel $0x180000  }
0xd3: {  	[bflag:$0x0] =	sbarrier.arrive $0xFFFF  }
0xd4: {  	_ =	strace $0x90000047  }
0xd5: {  	[bflag:$0x2] =	sbarrier.arrive $0xFFFF  }
0xd6: {  	s0 =	rddreg [dreg:$0x3]  }
0xd7: {  	s0 =	sadd.s32 @!p0 $0x100000, s0  }
0xd8: {  	[sflag:s0] =	ssyncadd.tile.s32 @!p0 $0x1;
	_ =	shalt  }
.Lfunc_end2:
_tile_overlayer_lowered:
.L_overlay_start_2:
0xd9: {  	(tag) =	ssettag $0x2  }
0xda: {  	s0 =	rddreg [dreg:$0x0];
	s2 =	stileid.u32  }
0xdb: {  	s1 =	rddreg [dreg:$0x1];
	p0 =	sne.s32 s2, $0x0  }
0xdc: {  	s3 =	rddreg [dreg:$0x2];
	[bflag:$0x3] =	sbarrier.arrive $0xFFFF;
	s2 =	simm.s32 @!p0 $0x1C01  }
0xdd: {  	[timem:s3], [sflag:s2] =	dma.local @!p0 [hbm:s0], s1  }
0xde: {  	s0 =	simm.s32 @!p0 $0x1  }
0xdf: {  	_ =	swait.ge @!p0 [sflag:s0], s1  }
0xe0: {  	s1 =	ssub.s32 @!p0 $0x0, s1;
	[sflag:s0] =	ssyncset.done @!p0 $0x0  }
0xe1: {  	[sflag:s0] =	ssyncadd.s32 @!p0 s1  }
0xe2: {  	[bflag:$0x3] =	sbarrier.arrive $0xFFFF  }
0xe3: {  	_ =	shalt  }

</sc_bundles>
